<compile_context>
chip_gen: v7x
topology: tpu7x:2x2x1
jax: 0.10.2.dev20260603
libtpu: 0.0.44.dev20260713+nightly
codegen_flags: <defaults>
</compile_context>

<pallas_src>
import functools

import jax
import jax.numpy as jnp
from jax import lax
from jax.experimental import pallas as pl
from jax.experimental.pallas import tpu as pltpu
from jax.experimental.pallas import tpu_sc as plsc

N_NODES = 10000
N_EDGES = 160000
NUM_RBF = 16
RBF_SIGMA = 20.0 / NUM_RBF
RBF_STEP = 20.0 / (NUM_RBF - 1)

_ATOM_OFF = {"N": 0, "Ca": 3, "C": 6, "O": 9}
_EDGE_LIST = ["Ca-Ca", "Ca-C", "C-Ca", "Ca-N", "N-Ca", "Ca-O", "O-Ca",
              "C-C", "C-N", "N-C", "C-O", "O-C", "N-N", "N-O", "O-N", "O-O"]
_NODE_LIST = ["Ca-N", "Ca-C", "Ca-O", "N-C", "N-O", "O-C"]

_NW = 32
_CHUNK = 2000

_BE = 5000
_BN = 1000


def _layernorm(h, gain, bias, inv_dof):
    mu = jnp.mean(h, axis=1, keepdims=True)
    xc = h - mu
    var = jnp.sum(xc * xc, axis=1, keepdims=True) * inv_dof
    sigma = jnp.sqrt(var + 1e-6)
    scale = gain * (1.0 / (sigma + 1e-6))
    return xc * scale + bias


def _sc_gather(table, idx):
    total = idx.shape[0]
    per_w = total // _NW
    steps = per_w // _CHUNK
    mesh = plsc.VectorSubcoreMesh(core_axis_name="c", subcore_axis_name="s")

    @functools.partial(
        pl.kernel,
        out_type=jax.ShapeDtypeStruct((total, 16), jnp.float32),
        mesh=mesh,
        scratch_types=[
            pltpu.VMEM((_CHUNK,), jnp.int32),
            pltpu.VMEM((_CHUNK,), jnp.int32),
            pltpu.VMEM((_CHUNK, 16), jnp.float32),
            pltpu.VMEM((_CHUNK, 16), jnp.float32),
            pltpu.SemaphoreType.DMA,
            pltpu.SemaphoreType.DMA,
            pltpu.SemaphoreType.DMA,
            pltpu.SemaphoreType.DMA,
        ],
        compiler_params=pltpu.CompilerParams(use_tc_tiling_on_sc=False),
    )
    def k(table_hbm, idx_hbm, out_hbm, i0, i1, r0, r1, g0, g1, o0, o1):
        wid = lax.axis_index("s") * 2 + lax.axis_index("c")
        base = wid * per_w
        ib = [i0, i1]
        rb = [r0, r1]
        gsem = [g0, g1]
        osem = [o0, o1]
        pend_g = [None, None]
        pend_o = [None, None]

        pltpu.sync_copy(idx_hbm.at[pl.ds(base, _CHUNK)], ib[0])
        pend_g[0] = pltpu.make_async_copy(table_hbm.at[ib[0]], rb[0], gsem[0])
        pend_g[0].start()

        for i in range(steps):
            s = i % 2
            ns = 1 - s
            if i + 1 < steps:
                off = base + (i + 1) * _CHUNK
                pltpu.sync_copy(idx_hbm.at[pl.ds(off, _CHUNK)], ib[ns])
                if pend_o[ns] is not None:
                    pend_o[ns].wait()
                    pend_o[ns] = None
                pend_g[ns] = pltpu.make_async_copy(
                    table_hbm.at[ib[ns]], rb[ns], gsem[ns])
                pend_g[ns].start()
            pend_g[s].wait()
            off = base + i * _CHUNK
            pend_o[s] = pltpu.make_async_copy(
                rb[s], out_hbm.at[pl.ds(off, _CHUNK)], osem[s])
            pend_o[s].start()
        for s in range(2):
            if pend_o[s] is not None:
                pend_o[s].wait()

    return k(table, idx)


def _pairs(pair_list):
    return [(_ATOM_OFF[p.split("-")[0]] // 3, _ATOM_OFF[p.split("-")[1]] // 3)
            for p in pair_list]


def _rbf_featT(xaT, xbT, pairs, eps):
    npair = len(pairs)
    d2 = None
    for c in range(3):
        sa = jnp.concatenate([xaT[3 * a + c:3 * a + c + 1] for a, _ in pairs],
                             axis=0)
        sb = jnp.concatenate([xbT[3 * b + c:3 * b + c + 1] for _, b in pairs],
                             axis=0)
        dd = sa - sb
        d2 = dd * dd if d2 is None else d2 + dd * dd
    dist = jnp.sqrt(d2 + eps) if eps else jnp.sqrt(d2)
    cols = dist.shape[1]
    dist_r = jnp.concatenate(
        [jnp.broadcast_to(dist[p:p + 1], (NUM_RBF, cols))
         for p in range(npair)], axis=0)
    mu = lax.broadcasted_iota(jnp.int32, (NUM_RBF, 1), 0).astype(jnp.float32)
    mu_r = jnp.concatenate([mu] * npair, axis=0) * RBF_STEP
    z = (dist_r - mu_r) / RBF_SIGMA
    return jnp.exp(-(z * z))


def _nrmT(v):
    n = jnp.sqrt(v[0:1] * v[0:1] + v[1:2] * v[1:2] + v[2:3] * v[2:3])
    n = jnp.where(n == 0.0, 1.0, n)
    return v / n


def _crossT(u, v):
    return jnp.concatenate([
        u[1:2] * v[2:3] - u[2:3] * v[1:2],
        u[2:3] * v[0:1] - u[0:1] * v[2:3],
        u[0:1] * v[1:2] - u[1:2] * v[0:1]], axis=0)


def _edge_body(gs_ref, gd_ref, w_ref, b_ref, gain_ref, bias_ref, o_ref):
    xs_t = gs_ref[:, :13].T
    xd_t = gd_ref[:, :12].T

    rbf = _rbf_featT(xs_t, xd_t, _pairs(_EDGE_LIST), 1e-6)

    n_s = xs_t[0:3]
    qv = xs_t[12:13]
    u0 = _nrmT(xs_t[3:6] - n_s)
    u1 = _nrmT(xs_t[6:9] - xs_t[3:6])
    n0 = _nrmT(_crossT(u0, u1))
    b1 = _nrmT(u0 - u1)
    c2 = _crossT(b1, n0)
    dirs = []
    for ob in (3, 0, 6, 9):
        v = xd_t[ob:ob + 3] - n_s
        du = (b1 * v[0:1] + n0 * v[1:2] + c2 * v[2:3]) * qv
        dirs.append(_nrmT(du))

    f = jnp.concatenate([rbf] + dirs, axis=0)
    h = lax.dot_general(f.astype(jnp.bfloat16), w_ref[...],
                        (((0,), (0,)), ((), ())),
                        preferred_element_type=jnp.float32) + b_ref[...]
    o_ref[...] = _layernorm(h, gain_ref[...], bias_ref[...], 1.0 / 255.0)


def _edge_call(g, w, b, gain, bias, src_blk, dst_blk):
    nblk = N_EDGES // _BE
    return pl.pallas_call(
        _edge_body,
        grid=(nblk,),
        in_specs=[
            pl.BlockSpec((_BE, 16), lambda i, o=src_blk: (i + o, 0)),
            pl.BlockSpec((_BE, 16), lambda i, o=dst_blk: (i + o, 0)),
            pl.BlockSpec(w.shape, lambda i: (0, 0)),
            pl.BlockSpec(b.shape, lambda i: (0, 0)),
            pl.BlockSpec(gain.shape, lambda i: (0, 0)),
            pl.BlockSpec(bias.shape, lambda i: (0, 0)),
        ],
        out_specs=pl.BlockSpec((_BE, w.shape[1]), lambda i: (i, 0)),
        out_shape=jax.ShapeDtypeStruct((N_EDGES, w.shape[1]), jnp.float32),
    )(g, g, w, b, gain, bias)


def _node_body(x_ref, w_ref, b_ref, gain_ref, bias_ref, o_ref):
    x_t = x_ref[...].T
    f = _rbf_featT(x_t, x_t, _pairs(_NODE_LIST), 0.0)
    h = lax.dot_general(f.astype(jnp.bfloat16), w_ref[...],
                        (((0,), (0,)), ((), ())),
                        preferred_element_type=jnp.float32) + b_ref[...]
    o_ref[...] = _layernorm(h, gain_ref[...], bias_ref[...], 1.0 / 127.0)


def _node_call(x12, w, b, gain, bias):
    nblk = N_NODES // _BN
    return pl.pallas_call(
        _node_body,
        grid=(nblk,),
        in_specs=[
            pl.BlockSpec((_BN, 12), lambda i: (i, 0)),
            pl.BlockSpec(w.shape, lambda i: (0, 0)),
            pl.BlockSpec(b.shape, lambda i: (0, 0)),
            pl.BlockSpec(gain.shape, lambda i: (0, 0)),
            pl.BlockSpec(bias.shape, lambda i: (0, 0)),
        ],
        out_specs=pl.BlockSpec((_BN, w.shape[1]), lambda i: (i, 0)),
        out_shape=jax.ShapeDtypeStruct((N_NODES, w.shape[1]), jnp.float32),
    )(x12, w, b, gain, bias)


def kernel(X, E_in_idx, E_ex_idx, W_node, b_node, W_edge, b_edge,
           gain_nodes, bias_nodes, gain_edges, bias_edges):
    n = X.shape[0]
    e = E_in_idx.shape[1]
    x12 = X.reshape(n, 12)
    qvalid = (jnp.arange(n, dtype=jnp.int32) < n - 1).astype(jnp.float32)
    table = jnp.concatenate(
        [x12, qvalid[:, None], jnp.zeros((n, 3), jnp.float32)], axis=1)
    idx = jnp.concatenate([E_in_idx.reshape(-1), E_ex_idx.reshape(-1)])

    g = _sc_gather(table, idx)

    b_n = b_node.reshape(1, -1)
    g_n = gain_nodes.reshape(1, -1)
    bi_n = bias_nodes.reshape(1, -1)
    b_e = b_edge.reshape(1, -1)
    g_e = gain_edges.reshape(1, -1)
    bi_e = bias_edges.reshape(1, -1)

    h_v = _node_call(x12, W_node.astype(jnp.bfloat16), b_n, g_n, bi_n)
    eb = e // _BE
    w_bf = W_edge.astype(jnp.bfloat16)
    h_in = _edge_call(g, w_bf, b_e, g_e, bi_e, 0, eb)
    h_ex = _edge_call(g, w_bf, b_e, g_e, bi_e, 2 * eb, 3 * eb)
    return (h_v, h_in, h_ex)

# --- scband reference (transcript-rebuilt; emitter-appended) ---
"""Pipeline reference for scband-pie-8040178778148 (READ-ONLY COPY).

The authoritative reference and input builder live on the scoring server;
editing this copy changes nothing except your own understanding.
"""

import jax, jax.numpy as jnp
import numpy as np

N_NODES = 10000
N_EDGES = 160000
NODE_FEATURES = 128
EDGE_FEATURES = 256
NUM_RBF = 16
NODE_IN = 6 * NUM_RBF
EDGE_IN = 16 * NUM_RBF + 12


def _normalize(t, axis=-1):
    n = jnp.linalg.norm(t, axis=axis, keepdims=True)
    n = jnp.where(n == 0.0, 1.0, n)
    return t / n


def _rbf(D):
    D_mu = jnp.linspace(0.0, 20.0, NUM_RBF).reshape(1, 1, -1)
    D_sigma = (20.0 - 0.0) / NUM_RBF
    D_expand = D[..., None]
    return jnp.exp(-(((D_expand - D_mu) / D_sigma) ** 2))


def _get_rbf(A, B, E_idx=None):
    if E_idx is not None:
        src, dst = E_idx[0], E_idx[1]
        D = jnp.sqrt(jnp.sum((A[src] - B[dst]) ** 2, -1) + 1e-06)[:, None]
        return jnp.squeeze(_rbf(D), axis=1)
    else:
        D = jnp.sqrt(jnp.sum((A[:, None, :] - B[:, None, :]) ** 2, -1))
        return _rbf(D)


def _orientations_coarse(X, E_idx):
    src, dst = E_idx[0], E_idx[1]
    V = X
    Xr = X[:, :3, :].reshape(X.shape[0] * 3, 3)
    dX = Xr[1:, :] - Xr[:-1, :]
    U = _normalize(dX, axis=-1)
    u_0, u_1 = U[:-2, :], U[1:-1, :]
    n_0 = _normalize(jnp.cross(u_0, u_1), axis=-1)
    b_1 = _normalize(u_0 - u_1, axis=-1)
    n_0, b_1 = n_0[::3, :], b_1[::3, :]
    Q = jnp.stack((b_1, n_0, jnp.cross(b_1, n_0)), axis=2)
    Q = Q.reshape(Q.shape[0], 9)
    Q = jnp.pad(Q, ((0, 1), (0, 0)))
    Q = Q.reshape(Q.shape[0], 3, 3)[:, None]
    dXn = jnp.stack([V[:, i, :][dst] for i in [1, 0, 2, 3]], axis=1) - V[src, 0][:, None, :]
    dU = jnp.matmul(Q[src], dXn[..., None]).squeeze(-1)
    E_direct = _normalize(dU, axis=-1)
    return E_direct.reshape(E_direct.shape[0], -1)


def _norm_layer(x, gain, bias, eps=1e-06):
    mu = jnp.mean(x, -1, keepdims=True)
    sigma = jnp.sqrt(jnp.var(x, -1, keepdims=True, ddof=1) + eps)
    return gain * (x - mu) / (sigma + eps) + bias


NODE_LIST = ['Ca-N', 'Ca-C', 'Ca-O', 'N-C', 'N-O', 'O-C']
EDGE_LIST = ['Ca-Ca', 'Ca-C', 'C-Ca', 'Ca-N', 'N-Ca', 'Ca-O', 'O-Ca', 'C-C', 'C-N', 'N-C', 'C-O', 'O-C', 'N-N', 'N-O', 'O-N', 'O-O']


def setup_inputs(seed: int = 0):
    key = jax.random.key(seed)
    ks = jax.random.split(key, 6)
    X = jax.random.normal(ks[0], (N_NODES, 4, 3), dtype=jnp.float32)
    E_in_idx = jax.random.randint(ks[1], (2, N_EDGES), 0, N_NODES).astype(jnp.int32)
    E_ex_idx = jax.random.randint(ks[2], (2, N_EDGES), 0, N_NODES).astype(jnp.int32)
    W_node = jax.random.normal(ks[3], (NODE_IN, NODE_FEATURES), dtype=jnp.float32) * 0.05
    b_node = jnp.zeros((NODE_FEATURES,), jnp.float32)
    W_edge = jax.random.normal(ks[4], (EDGE_IN, EDGE_FEATURES), dtype=jnp.float32) * 0.05
    b_edge = jnp.zeros((EDGE_FEATURES,), jnp.float32)
    gain_nodes = jnp.ones((NODE_FEATURES,), jnp.float32)
    bias_nodes = jnp.zeros((NODE_FEATURES,), jnp.float32)
    gain_edges = jnp.ones((EDGE_FEATURES,), jnp.float32)
    bias_edges = jnp.zeros((EDGE_FEATURES,), jnp.float32)
    return {"X": X, "E_in_idx": E_in_idx, "E_ex_idx": E_ex_idx, "W_node": W_node, "b_node": b_node, "W_edge": W_edge, "b_edge": b_edge, "gain_nodes": gain_nodes, "bias_nodes": bias_nodes, "gain_edges": gain_edges, "bias_edges": bias_edges}


def reference(X, E_in_idx, E_ex_idx, W_node, b_node, W_edge, b_edge, gain_nodes, bias_nodes, gain_edges, bias_edges):
    atoms = {'N': X[:, 0], 'Ca': X[:, 1], 'C': X[:, 2], 'O': X[:, 3]}
    V_dist = jnp.concatenate([jnp.squeeze(_get_rbf(atoms[p.split('-')[0]], atoms[p.split('-')[1]], None), axis=1) for p in NODE_LIST], axis=-1)
    E_in_direct = _orientations_coarse(X, E_in_idx)
    E_ex_direct = _orientations_coarse(X, E_ex_idx)
    E_in_dist = jnp.concatenate([_get_rbf(atoms[p.split('-')[0]], atoms[p.split('-')[1]], E_in_idx) for p in EDGE_LIST], axis=-1)
    E_ex_dist = jnp.concatenate([_get_rbf(atoms[p.split('-')[0]], atoms[p.split('-')[1]], E_ex_idx) for p in EDGE_LIST], axis=-1)
    h_V = _norm_layer(V_dist @ W_node + b_node, gain_nodes, bias_nodes)
    h_E_in = _norm_layer(jnp.concatenate([E_in_dist, E_in_direct], axis=-1) @ W_edge + b_edge, gain_edges, bias_edges)
    h_E_ex = _norm_layer(jnp.concatenate([E_ex_dist, E_ex_direct], axis=-1) @ W_edge + b_edge, gain_edges, bias_edges)
    return (h_V, h_E_in, h_E_ex)

if __name__ == "__main__":
    import jax
    _d = setup_inputs()
    print(jax.jit(kernel)(*tuple(_d.values())))

</pallas_src>

<mosaic_0001>
#map = affine_map<(d0, d1) -> (0, 0)>
#map1 = affine_map<(d0, d1) -> (0)>
module attributes {stable_mosaic.version = 14 : i64} {
  func.func @k(%arg0: i32, %arg1: i32, %arg2: memref<10000x16xf32, #tpu.memory_space<hbm>>, %arg3: memref<640000xi32, #tpu.memory_space<hbm>>, %arg4: memref<640000x16xf32, #tpu.memory_space<hbm>>, %arg5: memref<2000xi32, #tpu.memory_space<vmem>>, %arg6: memref<2000xi32, #tpu.memory_space<vmem>>, %arg7: memref<2000x16xf32, #tpu.memory_space<vmem>>, %arg8: memref<2000x16xf32, #tpu.memory_space<vmem>>, %arg9: memref<!tpu.dma_semaphore, #tpu.memory_space<semaphore_mem>>, %arg10: memref<!tpu.dma_semaphore, #tpu.memory_space<semaphore_mem>>, %arg11: memref<!tpu.dma_semaphore, #tpu.memory_space<semaphore_mem>>, %arg12: memref<!tpu.dma_semaphore, #tpu.memory_space<semaphore_mem>>) attributes {dimension_semantics = [#tpu.dimension_semantics<core_parallel>, #tpu.dimension_semantics<subcore_parallel>], iteration_bounds = array<i64: 2, 16>, scalar_prefetch = 0 : i64, scratch_operands = 8 : i64, tpu.core_type = #tpu.core_type<sc_vector_subcore>, window_params = [{transform_indices = #map}, {transform_indices = #map1}, {transform_indices = #map}]} {
    %mul3A = arith.constant 2 : i32
    %mul3A_0 = arith.muli %arg1, %mul3A : i32
    %add3A = arith.addi %mul3A_0, %arg0 : i32
    %mul3A_1 = arith.constant 20000 : i32
    %mul3A_2 = arith.muli %add3A, %mul3A_1 : i32
    "tpu.region"() ({
      %run_scoped3A = tpu.sem_alloc : memref<!tpu.dma_semaphore, #tpu.memory_space<semaphore_mem>>
      %dma_start3A_179 = tpu.memref_slice %arg3[%mul3A_2] : memref<640000xi32, #tpu.memory_space<hbm>> -> memref<2000xi32, #tpu.memory_space<hbm>>
      %dma_start3A_180 = tpu.memref_slice %arg3[%mul3A_2] : memref<640000xi32, #tpu.memory_space<hbm>> -> memref<2000xi32, #tpu.memory_space<hbm>>
      tpu.enqueue_dma source(%dma_start3A_180 : memref<2000xi32, #tpu.memory_space<hbm>>) target(%arg5 : memref<2000xi32, #tpu.memory_space<vmem>>) target_semaphore(%run_scoped3A : memref<!tpu.dma_semaphore, #tpu.memory_space<semaphore_mem>>)
      %dma_wait3A_181 = tpu.memref_slice %arg3[%mul3A_2] : memref<640000xi32, #tpu.memory_space<hbm>> -> memref<2000xi32, #tpu.memory_space<hbm>>
      %dma_wait3A_182 = tpu.memref_slice %arg3[%mul3A_2] : memref<640000xi32, #tpu.memory_space<hbm>> -> memref<2000xi32, #tpu.memory_space<hbm>>
      tpu.wait_dma2 semaphore(%run_scoped3A : memref<!tpu.dma_semaphore, #tpu.memory_space<semaphore_mem>>) src(%dma_wait3A_182 : memref<2000xi32, #tpu.memory_space<hbm>>) dst(%arg5 : memref<2000xi32, #tpu.memory_space<vmem>>)
      tpu.yield
    }) : () -> ()
    %dma_start3A = arith.constant 0 : i32
    %dma_start3A_3 = arith.constant 0 : i32
    %dma_start3A_4 = tpu.memref_slice %arg2[%dma_start3A, %dma_start3A_3] : memref<10000x16xf32, #tpu.memory_space<hbm>> -> memref<10000x16xf32, #tpu.memory_space<hbm>>
    tpu.enqueue_indirect_dma source(%dma_start3A_4 : memref<10000x16xf32, #tpu.memory_space<hbm>>) target(%arg7 : memref<2000x16xf32, #tpu.memory_space<vmem>>) offsets(%arg5 : memref<2000xi32, #tpu.memory_space<vmem>>) semaphore(%arg9 : memref<!tpu.dma_semaphore, #tpu.memory_space<semaphore_mem>>)
    %add3A_5 = arith.constant 2000 : i32
    %add3A_6 = arith.addi %mul3A_2, %add3A_5 : i32
    "tpu.region"() ({
      %run_scoped3A = tpu.sem_alloc : memref<!tpu.dma_semaphore, #tpu.memory_space<semaphore_mem>>
      %dma_start3A_179 = tpu.memref_slice %arg3[%add3A_6] : memref<640000xi32, #tpu.memory_space<hbm>> -> memref<2000xi32, #tpu.memory_space<hbm>>
      %dma_start3A_180 = tpu.memref_slice %arg3[%add3A_6] : memref<640000xi32, #tpu.memory_space<hbm>> -> memref<2000xi32, #tpu.memory_space<hbm>>
      tpu.enqueue_dma source(%dma_start3A_180 : memref<2000xi32, #tpu.memory_space<hbm>>) target(%arg6 : memref<2000xi32, #tpu.memory_space<vmem>>) target_semaphore(%run_scoped3A : memref<!tpu.dma_semaphore, #tpu.memory_space<semaphore_mem>>)
      %dma_wait3A_181 = tpu.memref_slice %arg3[%add3A_6] : memref<640000xi32, #tpu.memory_space<hbm>> -> memref<2000xi32, #tpu.memory_space<hbm>>
      %dma_wait3A_182 = tpu.memref_slice %arg3[%add3A_6] : memref<640000xi32, #tpu.memory_space<hbm>> -> memref<2000xi32, #tpu.memory_space<hbm>>
      tpu.wait_dma2 semaphore(%run_scoped3A : memref<!tpu.dma_semaphore, #tpu.memory_space<semaphore_mem>>) src(%dma_wait3A_182 : memref<2000xi32, #tpu.memory_space<hbm>>) dst(%arg6 : memref<2000xi32, #tpu.memory_space<vmem>>)
      tpu.yield
    }) : () -> ()
    %dma_start3A_7 = arith.constant 0 : i32
    %dma_start3A_8 = arith.constant 0 : i32
    %dma_start3A_9 = tpu.memref_slice %arg2[%dma_start3A_7, %dma_start3A_8] : memref<10000x16xf32, #tpu.memory_space<hbm>> -> memref<10000x16xf32, #tpu.memory_space<hbm>>
    tpu.enqueue_indirect_dma source(%dma_start3A_9 : memref<10000x16xf32, #tpu.memory_space<hbm>>) target(%arg8 : memref<2000x16xf32, #tpu.memory_space<vmem>>) offsets(%arg6 : memref<2000xi32, #tpu.memory_space<vmem>>) semaphore(%arg10 : memref<!tpu.dma_semaphore, #tpu.memory_space<semaphore_mem>>)
    %dma_wait3A = arith.constant 0 : i32
    %dma_wait3A_10 = arith.constant 0 : i32
    %dma_wait3A_11 = tpu.memref_slice %arg2[%dma_wait3A, %dma_wait3A_10] : memref<10000x16xf32, #tpu.memory_space<hbm>> -> memref<10000x16xf32, #tpu.memory_space<hbm>>
    tpu.wait_indirect_dma semaphore(%arg9 : memref<!tpu.dma_semaphore, #tpu.memory_space<semaphore_mem>>) src(%dma_wait3A_11 : memref<10000x16xf32, #tpu.memory_space<hbm>>) dst(%arg7 : memref<2000x16xf32, #tpu.memory_space<vmem>>)
    %add3A_12 = arith.constant 0 : i32
    %add3A_13 = arith.addi %mul3A_2, %add3A_12 : i32
    %dma_start3A_14 = arith.constant 0 : i32
    %dma_start3A_15 = tpu.memref_slice %arg4[%add3A_13, %dma_start3A_14] : memref<640000x16xf32, #tpu.memory_space<hbm>> -> memref<2000x16xf32, #tpu.memory_space<hbm>>
    %dma_start3A_16 = arith.constant 0 : i32
    %dma_start3A_17 = tpu.memref_slice %arg4[%add3A_13, %dma_start3A_16] : memref<640000x16xf32, #tpu.memory_space<hbm>> -> memref<2000x16xf32, #tpu.memory_space<hbm>>
    tpu.enqueue_dma source(%arg7 : memref<2000x16xf32, #tpu.memory_space<vmem>>) target(%dma_start3A_17 : memref<2000x16xf32, #tpu.memory_space<hbm>>) target_semaphore(%arg11 : memref<!tpu.dma_semaphore, #tpu.memory_space<semaphore_mem>>)
    %add3A_18 = arith.constant 4000 : i32
    %add3A_19 = arith.addi %mul3A_2, %add3A_18 : i32
    "tpu.region"() ({
      %run_scoped3A = tpu.sem_alloc : memref<!tpu.dma_semaphore, #tpu.memory_space<semaphore_mem>>
      %dma_start3A_179 = tpu.memref_slice %arg3[%add3A_19] : memref<640000xi32, #tpu.memory_space<hbm>> -> memref<2000xi32, #tpu.memory_space<hbm>>
      %dma_start3A_180 = tpu.memref_slice %arg3[%add3A_19] : memref<640000xi32, #tpu.memory_space<hbm>> -> memref<2000xi32, #tpu.memory_space<hbm>>
      tpu.enqueue_dma source(%dma_start3A_180 : memref<2000xi32, #tpu.memory_space<hbm>>) target(%arg5 : memref<2000xi32, #tpu.memory_space<vmem>>) target_semaphore(%run_scoped3A : memref<!tpu.dma_semaphore, #tpu.memory_space<semaphore_mem>>)
      %dma_wait3A_181 = tpu.memref_slice %arg3[%add3A_19] : memref<640000xi32, #tpu.memory_space<hbm>> -> memref<2000xi32, #tpu.memory_space<hbm>>
      %dma_wait3A_182 = tpu.memref_slice %arg3[%add3A_19] : memref<640000xi32, #tpu.memory_space<hbm>> -> memref<2000xi32, #tpu.memory_space<hbm>>
      tpu.wait_dma2 semaphore(%run_scoped3A : memref<!tpu.dma_semaphore, #tpu.memory_space<semaphore_mem>>) src(%dma_wait3A_182 : memref<2000xi32, #tpu.memory_space<hbm>>) dst(%arg5 : memref<2000xi32, #tpu.memory_space<vmem>>)
      tpu.yield
    }) : () -> ()
    %dma_wait3A_20 = arith.constant 0 : i32
    %dma_wait3A_21 = tpu.memref_slice %arg4[%add3A_13, %dma_wait3A_20] : memref<640000x16xf32, #tpu.memory_space<hbm>> -> memref<2000x16xf32, #tpu.memory_space<hbm>>
    %dma_wait3A_22 = arith.constant 0 : i32
    %dma_wait3A_23 = tpu.memref_slice %arg4[%add3A_13, %dma_wait3A_22] : memref<640000x16xf32, #tpu.memory_space<hbm>> -> memref<2000x16xf32, #tpu.memory_space<hbm>>
    tpu.wait_dma2 semaphore(%arg11 : memref<!tpu.dma_semaphore, #tpu.memory_space<semaphore_mem>>) src(%arg7 : memref<2000x16xf32, #tpu.memory_space<vmem>>) dst(%dma_wait3A_23 : memref<2000x16xf32, #tpu.memory_space<hbm>>)
    %dma_start3A_24 = arith.constant 0 : i32
    %dma_start3A_25 = arith.constant 0 : i32
    %dma_start3A_26 = tpu.memref_slice %arg2[%dma_start3A_24, %dma_start3A_25] : memref<10000x16xf32, #tpu.memory_space<hbm>> -> memref<10000x16xf32, #tpu.memory_space<hbm>>
    tpu.enqueue_indirect_dma source(%dma_start3A_26 : memref<10000x16xf32, #tpu.memory_space<hbm>>) target(%arg7 : memref<2000x16xf32, #tpu.memory_space<vmem>>) offsets(%arg5 : memref<2000xi32, #tpu.memory_space<vmem>>) semaphore(%arg9 : memref<!tpu.dma_semaphore, #tpu.memory_space<semaphore_mem>>)
    %dma_wait3A_27 = arith.constant 0 : i32
    %dma_wait3A_28 = arith.constant 0 : i32
    %dma_wait3A_29 = tpu.memref_slice %arg2[%dma_wait3A_27, %dma_wait3A_28] : memref<10000x16xf32, #tpu.memory_space<hbm>> -> memref<10000x16xf32, #tpu.memory_space<hbm>>
    tpu.wait_indirect_dma semaphore(%arg10 : memref<!tpu.dma_semaphore, #tpu.memory_space<semaphore_mem>>) src(%dma_wait3A_29 : memref<10000x16xf32, #tpu.memory_space<hbm>>) dst(%arg8 : memref<2000x16xf32, #tpu.memory_space<vmem>>)
    %add3A_30 = arith.constant 2000 : i32
    %add3A_31 = arith.addi %mul3A_2, %add3A_30 : i32
    %dma_start3A_32 = arith.constant 0 : i32
    %dma_start3A_33 = tpu.memref_slice %arg4[%add3A_31, %dma_start3A_32] : memref<640000x16xf32, #tpu.memory_space<hbm>> -> memref<2000x16xf32, #tpu.memory_space<hbm>>
    %dma_start3A_34 = arith.constant 0 : i32
    %dma_start3A_35 = tpu.memref_slice %arg4[%add3A_31, %dma_start3A_34] : memref<640000x16xf32, #tpu.memory_space<hbm>> -> memref<2000x16xf32, #tpu.memory_space<hbm>>
    tpu.enqueue_dma source(%arg8 : memref<2000x16xf32, #tpu.memory_space<vmem>>) target(%dma_start3A_35 : memref<2000x16xf32, #tpu.memory_space<hbm>>) target_semaphore(%arg12 : memref<!tpu.dma_semaphore, #tpu.memory_space<semaphore_mem>>)
    %add3A_36 = arith.constant 6000 : i32
    %add3A_37 = arith.addi %mul3A_2, %add3A_36 : i32
    "tpu.region"() ({
      %run_scoped3A = tpu.sem_alloc : memref<!tpu.dma_semaphore, #tpu.memory_space<semaphore_mem>>
      %dma_start3A_179 = tpu.memref_slice %arg3[%add3A_37] : memref<640000xi32, #tpu.memory_space<hbm>> -> memref<2000xi32, #tpu.memory_space<hbm>>
      %dma_start3A_180 = tpu.memref_slice %arg3[%add3A_37] : memref<640000xi32, #tpu.memory_space<hbm>> -> memref<2000xi32, #tpu.memory_space<hbm>>
      tpu.enqueue_dma source(%dma_start3A_180 : memref<2000xi32, #tpu.memory_space<hbm>>) target(%arg6 : memref<2000xi32, #tpu.memory_space<vmem>>) target_semaphore(%run_scoped3A : memref<!tpu.dma_semaphore, #tpu.memory_space<semaphore_mem>>)
      %dma_wait3A_181 = tpu.memref_slice %arg3[%add3A_37] : memref<640000xi32, #tpu.memory_space<hbm>> -> memref<2000xi32, #tpu.memory_space<hbm>>
      %dma_wait3A_182 = tpu.memref_slice %arg3[%add3A_37] : memref<640000xi32, #tpu.memory_space<hbm>> -> memref<2000xi32, #tpu.memory_space<hbm>>
      tpu.wait_dma2 semaphore(%run_scoped3A : memref<!tpu.dma_semaphore, #tpu.memory_space<semaphore_mem>>) src(%dma_wait3A_182 : memref<2000xi32, #tpu.memory_space<hbm>>) dst(%arg6 : memref<2000xi32, #tpu.memory_space<vmem>>)
      tpu.yield
    }) : () -> ()
    %dma_wait3A_38 = arith.constant 0 : i32
    %dma_wait3A_39 = tpu.memref_slice %arg4[%add3A_31, %dma_wait3A_38] : memref<640000x16xf32, #tpu.memory_space<hbm>> -> memref<2000x16xf32, #tpu.memory_space<hbm>>
    %dma_wait3A_40 = arith.constant 0 : i32
    %dma_wait3A_41 = tpu.memref_slice %arg4[%add3A_31, %dma_wait3A_40] : memref<640000x16xf32, #tpu.memory_space<hbm>> -> memref<2000x16xf32, #tpu.memory_space<hbm>>
    tpu.wait_dma2 semaphore(%arg12 : memref<!tpu.dma_semaphore, #tpu.memory_space<semaphore_mem>>) src(%arg8 : memref<2000x16xf32, #tpu.memory_space<vmem>>) dst(%dma_wait3A_41 : memref<2000x16xf32, #tpu.memory_space<hbm>>)
    %dma_start3A_42 = arith.constant 0 : i32
    %dma_start3A_43 = arith.constant 0 : i32
    %dma_start3A_44 = tpu.memref_slice %arg2[%dma_start3A_42, %dma_start3A_43] : memref<10000x16xf32, #tpu.memory_space<hbm>> -> memref<10000x16xf32, #tpu.memory_space<hbm>>
    tpu.enqueue_indirect_dma source(%dma_start3A_44 : memref<10000x16xf32, #tpu.memory_space<hbm>>) target(%arg8 : memref<2000x16xf32, #tpu.memory_space<vmem>>) offsets(%arg6 : memref<2000xi32, #tpu.memory_space<vmem>>) semaphore(%arg10 : memref<!tpu.dma_semaphore, #tpu.memory_space<semaphore_mem>>)
    %dma_wait3A_45 = arith.constant 0 : i32
    %dma_wait3A_46 = arith.constant 0 : i32
    %dma_wait3A_47 = tpu.memref_slice %arg2[%dma_wait3A_45, %dma_wait3A_46] : memref<10000x16xf32, #tpu.memory_space<hbm>> -> memref<10000x16xf32, #tpu.memory_space<hbm>>
    tpu.wait_indirect_dma semaphore(%arg9 : memref<!tpu.dma_semaphore, #tpu.memory_space<semaphore_mem>>) src(%dma_wait3A_47 : memref<10000x16xf32, #tpu.memory_space<hbm>>) dst(%arg7 : memref<2000x16xf32, #tpu.memory_space<vmem>>)
    %add3A_48 = arith.constant 4000 : i32
    %add3A_49 = arith.addi %mul3A_2, %add3A_48 : i32
    %dma_start3A_50 = arith.constant 0 : i32
    %dma_start3A_51 = tpu.memref_slice %arg4[%add3A_49, %dma_start3A_50] : memref<640000x16xf32, #tpu.memory_space<hbm>> -> memref<2000x16xf32, #tpu.memory_space<hbm>>
    %dma_start3A_52 = arith.constant 0 : i32
    %dma_start3A_53 = tpu.memref_slice %arg4[%add3A_49, %dma_start3A_52] : memref<640000x16xf32, #tpu.memory_space<hbm>> -> memref<2000x16xf32, #tpu.memory_space<hbm>>
    tpu.enqueue_dma source(%arg7 : memref<2000x16xf32, #tpu.memory_space<vmem>>) target(%dma_start3A_53 : memref<2000x16xf32, #tpu.memory_space<hbm>>) target_semaphore(%arg11 : memref<!tpu.dma_semaphore, #tpu.memory_space<semaphore_mem>>)
    %add3A_54 = arith.constant 8000 : i32
    %add3A_55 = arith.addi %mul3A_2, %add3A_54 : i32
    "tpu.region"() ({
      %run_scoped3A = tpu.sem_alloc : memref<!tpu.dma_semaphore, #tpu.memory_space<semaphore_mem>>
      %dma_start3A_179 = tpu.memref_slice %arg3[%add3A_55] : memref<640000xi32, #tpu.memory_space<hbm>> -> memref<2000xi32, #tpu.memory_space<hbm>>
      %dma_start3A_180 = tpu.memref_slice %arg3[%add3A_55] : memref<640000xi32, #tpu.memory_space<hbm>> -> memref<2000xi32, #tpu.memory_space<hbm>>
      tpu.enqueue_dma source(%dma_start3A_180 : memref<2000xi32, #tpu.memory_space<hbm>>) target(%arg5 : memref<2000xi32, #tpu.memory_space<vmem>>) target_semaphore(%run_scoped3A : memref<!tpu.dma_semaphore, #tpu.memory_space<semaphore_mem>>)
      %dma_wait3A_181 = tpu.memref_slice %arg3[%add3A_55] : memref<640000xi32, #tpu.memory_space<hbm>> -> memref<2000xi32, #tpu.memory_space<hbm>>
      %dma_wait3A_182 = tpu.memref_slice %arg3[%add3A_55] : memref<640000xi32, #tpu.memory_space<hbm>> -> memref<2000xi32, #tpu.memory_space<hbm>>
      tpu.wait_dma2 semaphore(%run_scoped3A : memref<!tpu.dma_semaphore, #tpu.memory_space<semaphore_mem>>) src(%dma_wait3A_182 : memref<2000xi32, #tpu.memory_space<hbm>>) dst(%arg5 : memref<2000xi32, #tpu.memory_space<vmem>>)
      tpu.yield
    }) : () -> ()
    %dma_wait3A_56 = arith.constant 0 : i32
    %dma_wait3A_57 = tpu.memref_slice %arg4[%add3A_49, %dma_wait3A_56] : memref<640000x16xf32, #tpu.memory_space<hbm>> -> memref<2000x16xf32, #tpu.memory_space<hbm>>
    %dma_wait3A_58 = arith.constant 0 : i32
    %dma_wait3A_59 = tpu.memref_slice %arg4[%add3A_49, %dma_wait3A_58] : memref<640000x16xf32, #tpu.memory_space<hbm>> -> memref<2000x16xf32, #tpu.memory_space<hbm>>
    tpu.wait_dma2 semaphore(%arg11 : memref<!tpu.dma_semaphore, #tpu.memory_space<semaphore_mem>>) src(%arg7 : memref<2000x16xf32, #tpu.memory_space<vmem>>) dst(%dma_wait3A_59 : memref<2000x16xf32, #tpu.memory_space<hbm>>)
    %dma_start3A_60 = arith.constant 0 : i32
    %dma_start3A_61 = arith.constant 0 : i32
    %dma_start3A_62 = tpu.memref_slice %arg2[%dma_start3A_60, %dma_start3A_61] : memref<10000x16xf32, #tpu.memory_space<hbm>> -> memref<10000x16xf32, #tpu.memory_space<hbm>>
    tpu.enqueue_indirect_dma source(%dma_start3A_62 : memref<10000x16xf32, #tpu.memory_space<hbm>>) target(%arg7 : memref<2000x16xf32, #tpu.memory_space<vmem>>) offsets(%arg5 : memref<2000xi32, #tpu.memory_space<vmem>>) semaphore(%arg9 : memref<!tpu.dma_semaphore, #tpu.memory_space<semaphore_mem>>)
    %dma_wait3A_63 = arith.constant 0 : i32
    %dma_wait3A_64 = arith.constant 0 : i32
    %dma_wait3A_65 = tpu.memref_slice %arg2[%dma_wait3A_63, %dma_wait3A_64] : memref<10000x16xf32, #tpu.memory_space<hbm>> -> memref<10000x16xf32, #tpu.memory_space<hbm>>
    tpu.wait_indirect_dma semaphore(%arg10 : memref<!tpu.dma_semaphore, #tpu.memory_space<semaphore_mem>>) src(%dma_wait3A_65 : memref<10000x16xf32, #tpu.memory_space<hbm>>) dst(%arg8 : memref<2000x16xf32, #tpu.memory_space<vmem>>)
    %add3A_66 = arith.constant 6000 : i32
    %add3A_67 = arith.addi %mul3A_2, %add3A_66 : i32
    %dma_start3A_68 = arith.constant 0 : i32
    %dma_start3A_69 = tpu.memref_slice %arg4[%add3A_67, %dma_start3A_68] : memref<640000x16xf32, #tpu.memory_space<hbm>> -> memref<2000x16xf32, #tpu.memory_space<hbm>>
    %dma_start3A_70 = arith.constant 0 : i32
    %dma_start3A_71 = tpu.memref_slice %arg4[%add3A_67, %dma_start3A_70] : memref<640000x16xf32, #tpu.memory_space<hbm>> -> memref<2000x16xf32, #tpu.memory_space<hbm>>
    tpu.enqueue_dma source(%arg8 : memref<2000x16xf32, #tpu.memory_space<vmem>>) target(%dma_start3A_71 : memref<2000x16xf32, #tpu.memory_space<hbm>>) target_semaphore(%arg12 : memref<!tpu.dma_semaphore, #tpu.memory_space<semaphore_mem>>)
    %add3A_72 = arith.constant 10000 : i32
    %add3A_73 = arith.addi %mul3A_2, %add3A_72 : i32
    "tpu.region"() ({
      %run_scoped3A = tpu.sem_alloc : memref<!tpu.dma_semaphore, #tpu.memory_space<semaphore_mem>>
      %dma_start3A_179 = tpu.memref_slice %arg3[%add3A_73] : memref<640000xi32, #tpu.memory_space<hbm>> -> memref<2000xi32, #tpu.memory_space<hbm>>
      %dma_start3A_180 = tpu.memref_slice %arg3[%add3A_73] : memref<640000xi32, #tpu.memory_space<hbm>> -> memref<2000xi32, #tpu.memory_space<hbm>>
      tpu.enqueue_dma source(%dma_start3A_180 : memref<2000xi32, #tpu.memory_space<hbm>>) target(%arg6 : memref<2000xi32, #tpu.memory_space<vmem>>) target_semaphore(%run_scoped3A : memref<!tpu.dma_semaphore, #tpu.memory_space<semaphore_mem>>)
      %dma_wait3A_181 = tpu.memref_slice %arg3[%add3A_73] : memref<640000xi32, #tpu.memory_space<hbm>> -> memref<2000xi32, #tpu.memory_space<hbm>>
      %dma_wait3A_182 = tpu.memref_slice %arg3[%add3A_73] : memref<640000xi32, #tpu.memory_space<hbm>> -> memref<2000xi32, #tpu.memory_space<hbm>>
      tpu.wait_dma2 semaphore(%run_scoped3A : memref<!tpu.dma_semaphore, #tpu.memory_space<semaphore_mem>>) src(%dma_wait3A_182 : memref<2000xi32, #tpu.memory_space<hbm>>) dst(%arg6 : memref<2000xi32, #tpu.memory_space<vmem>>)
      tpu.yield
    }) : () -> ()
    %dma_wait3A_74 = arith.constant 0 : i32
    %dma_wait3A_75 = tpu.memref_slice %arg4[%add3A_67, %dma_wait3A_74] : memref<640000x16xf32, #tpu.memory_space<hbm>> -> memref<2000x16xf32, #tpu.memory_space<hbm>>
    %dma_wait3A_76 = arith.constant 0 : i32
    %dma_wait3A_77 = tpu.memref_slice %arg4[%add3A_67, %dma_wait3A_76] : memref<640000x16xf32, #tpu.memory_space<hbm>> -> memref<2000x16xf32, #tpu.memory_space<hbm>>
    tpu.wait_dma2 semaphore(%arg12 : memref<!tpu.dma_semaphore, #tpu.memory_space<semaphore_mem>>) src(%arg8 : memref<2000x16xf32, #tpu.memory_space<vmem>>) dst(%dma_wait3A_77 : memref<2000x16xf32, #tpu.memory_space<hbm>>)
    %dma_start3A_78 = arith.constant 0 : i32
    %dma_start3A_79 = arith.constant 0 : i32
    %dma_start3A_80 = tpu.memref_slice %arg2[%dma_start3A_78, %dma_start3A_79] : memref<10000x16xf32, #tpu.memory_space<hbm>> -> memref<10000x16xf32, #tpu.memory_space<hbm>>
    tpu.enqueue_indirect_dma source(%dma_start3A_80 : memref<10000x16xf32, #tpu.memory_space<hbm>>) target(%arg8 : memref<2000x16xf32, #tpu.memory_space<vmem>>) offsets(%arg6 : memref<2000xi32, #tpu.memory_space<vmem>>) semaphore(%arg10 : memref<!tpu.dma_semaphore, #tpu.memory_space<semaphore_mem>>)
    %dma_wait3A_81 = arith.constant 0 : i32
    %dma_wait3A_82 = arith.constant 0 : i32
    %dma_wait3A_83 = tpu.memref_slice %arg2[%dma_wait3A_81, %dma_wait3A_82] : memref<10000x16xf32, #tpu.memory_space<hbm>> -> memref<10000x16xf32, #tpu.memory_space<hbm>>
    tpu.wait_indirect_dma semaphore(%arg9 : memref<!tpu.dma_semaphore, #tpu.memory_space<semaphore_mem>>) src(%dma_wait3A_83 : memref<10000x16xf32, #tpu.memory_space<hbm>>) dst(%arg7 : memref<2000x16xf32, #tpu.memory_space<vmem>>)
    %add3A_84 = arith.constant 8000 : i32
    %add3A_85 = arith.addi %mul3A_2, %add3A_84 : i32
    %dma_start3A_86 = arith.constant 0 : i32
    %dma_start3A_87 = tpu.memref_slice %arg4[%add3A_85, %dma_start3A_86] : memref<640000x16xf32, #tpu.memory_space<hbm>> -> memref<2000x16xf32, #tpu.memory_space<hbm>>
    %dma_start3A_88 = arith.constant 0 : i32
    %dma_start3A_89 = tpu.memref_slice %arg4[%add3A_85, %dma_start3A_88] : memref<640000x16xf32, #tpu.memory_space<hbm>> -> memref<2000x16xf32, #tpu.memory_space<hbm>>
    tpu.enqueue_dma source(%arg7 : memref<2000x16xf32, #tpu.memory_space<vmem>>) target(%dma_start3A_89 : memref<2000x16xf32, #tpu.memory_space<hbm>>) target_semaphore(%arg11 : memref<!tpu.dma_semaphore, #tpu.memory_space<semaphore_mem>>)
    %add3A_90 = arith.constant 12000 : i32
    %add3A_91 = arith.addi %mul3A_2, %add3A_90 : i32
    "tpu.region"() ({
      %run_scoped3A = tpu.sem_alloc : memref<!tpu.dma_semaphore, #tpu.memory_space<semaphore_mem>>
      %dma_start3A_179 = tpu.memref_slice %arg3[%add3A_91] : memref<640000xi32, #tpu.memory_space<hbm>> -> memref<2000xi32, #tpu.memory_space<hbm>>
      %dma_start3A_180 = tpu.memref_slice %arg3[%add3A_91] : memref<640000xi32, #tpu.memory_space<hbm>> -> memref<2000xi32, #tpu.memory_space<hbm>>
      tpu.enqueue_dma source(%dma_start3A_180 : memref<2000xi32, #tpu.memory_space<hbm>>) target(%arg5 : memref<2000xi32, #tpu.memory_space<vmem>>) target_semaphore(%run_scoped3A : memref<!tpu.dma_semaphore, #tpu.memory_space<semaphore_mem>>)
      %dma_wait3A_181 = tpu.memref_slice %arg3[%add3A_91] : memref<640000xi32, #tpu.memory_space<hbm>> -> memref<2000xi32, #tpu.memory_space<hbm>>
      %dma_wait3A_182 = tpu.memref_slice %arg3[%add3A_91] : memref<640000xi32, #tpu.memory_space<hbm>> -> memref<2000xi32, #tpu.memory_space<hbm>>
      tpu.wait_dma2 semaphore(%run_scoped3A : memref<!tpu.dma_semaphore, #tpu.memory_space<semaphore_mem>>) src(%dma_wait3A_182 : memref<2000xi32, #tpu.memory_space<hbm>>) dst(%arg5 : memref<2000xi32, #tpu.memory_space<vmem>>)
      tpu.yield
    }) : () -> ()
    %dma_wait3A_92 = arith.constant 0 : i32
    %dma_wait3A_93 = tpu.memref_slice %arg4[%add3A_85, %dma_wait3A_92] : memref<640000x16xf32, #tpu.memory_space<hbm>> -> memref<2000x16xf32, #tpu.memory_space<hbm>>
    %dma_wait3A_94 = arith.constant 0 : i32
    %dma_wait3A_95 = tpu.memref_slice %arg4[%add3A_85, %dma_wait3A_94] : memref<640000x16xf32, #tpu.memory_space<hbm>> -> memref<2000x16xf32, #tpu.memory_space<hbm>>
    tpu.wait_dma2 semaphore(%arg11 : memref<!tpu.dma_semaphore, #tpu.memory_space<semaphore_mem>>) src(%arg7 : memref<2000x16xf32, #tpu.memory_space<vmem>>) dst(%dma_wait3A_95 : memref<2000x16xf32, #tpu.memory_space<hbm>>)
    %dma_start3A_96 = arith.constant 0 : i32
    %dma_start3A_97 = arith.constant 0 : i32
    %dma_start3A_98 = tpu.memref_slice %arg2[%dma_start3A_96, %dma_start3A_97] : memref<10000x16xf32, #tpu.memory_space<hbm>> -> memref<10000x16xf32, #tpu.memory_space<hbm>>
    tpu.enqueue_indirect_dma source(%dma_start3A_98 : memref<10000x16xf32, #tpu.memory_space<hbm>>) target(%arg7 : memref<2000x16xf32, #tpu.memory_space<vmem>>) offsets(%arg5 : memref<2000xi32, #tpu.memory_space<vmem>>) semaphore(%arg9 : memref<!tpu.dma_semaphore, #tpu.memory_space<semaphore_mem>>)
    %dma_wait3A_99 = arith.constant 0 : i32
    %dma_wait3A_100 = arith.constant 0 : i32
    %dma_wait3A_101 = tpu.memref_slice %arg2[%dma_wait3A_99, %dma_wait3A_100] : memref<10000x16xf32, #tpu.memory_space<hbm>> -> memref<10000x16xf32, #tpu.memory_space<hbm>>
    tpu.wait_indirect_dma semaphore(%arg10 : memref<!tpu.dma_semaphore, #tpu.memory_space<semaphore_mem>>) src(%dma_wait3A_101 : memref<10000x16xf32, #tpu.memory_space<hbm>>) dst(%arg8 : memref<2000x16xf32, #tpu.memory_space<vmem>>)
    %add3A_102 = arith.constant 10000 : i32
    %add3A_103 = arith.addi %mul3A_2, %add3A_102 : i32
    %dma_start3A_104 = arith.constant 0 : i32
    %dma_start3A_105 = tpu.memref_slice %arg4[%add3A_103, %dma_start3A_104] : memref<640000x16xf32, #tpu.memory_space<hbm>> -> memref<2000x16xf32, #tpu.memory_space<hbm>>
    %dma_start3A_106 = arith.constant 0 : i32
    %dma_start3A_107 = tpu.memref_slice %arg4[%add3A_103, %dma_start3A_106] : memref<640000x16xf32, #tpu.memory_space<hbm>> -> memref<2000x16xf32, #tpu.memory_space<hbm>>
    tpu.enqueue_dma source(%arg8 : memref<2000x16xf32, #tpu.memory_space<vmem>>) target(%dma_start3A_107 : memref<2000x16xf32, #tpu.memory_space<hbm>>) target_semaphore(%arg12 : memref<!tpu.dma_semaphore, #tpu.memory_space<semaphore_mem>>)
    %add3A_108 = arith.constant 14000 : i32
    %add3A_109 = arith.addi %mul3A_2, %add3A_108 : i32
    "tpu.region"() ({
      %run_scoped3A = tpu.sem_alloc : memref<!tpu.dma_semaphore, #tpu.memory_space<semaphore_mem>>
      %dma_start3A_179 = tpu.memref_slice %arg3[%add3A_109] : memref<640000xi32, #tpu.memory_space<hbm>> -> memref<2000xi32, #tpu.memory_space<hbm>>
      %dma_start3A_180 = tpu.memref_slice %arg3[%add3A_109] : memref<640000xi32, #tpu.memory_space<hbm>> -> memref<2000xi32, #tpu.memory_space<hbm>>
      tpu.enqueue_dma source(%dma_start3A_180 : memref<2000xi32, #tpu.memory_space<hbm>>) target(%arg6 : memref<2000xi32, #tpu.memory_space<vmem>>) target_semaphore(%run_scoped3A : memref<!tpu.dma_semaphore, #tpu.memory_space<semaphore_mem>>)
      %dma_wait3A_181 = tpu.memref_slice %arg3[%add3A_109] : memref<640000xi32, #tpu.memory_space<hbm>> -> memref<2000xi32, #tpu.memory_space<hbm>>
      %dma_wait3A_182 = tpu.memref_slice %arg3[%add3A_109] : memref<640000xi32, #tpu.memory_space<hbm>> -> memref<2000xi32, #tpu.memory_space<hbm>>
      tpu.wait_dma2 semaphore(%run_scoped3A : memref<!tpu.dma_semaphore, #tpu.memory_space<semaphore_mem>>) src(%dma_wait3A_182 : memref<2000xi32, #tpu.memory_space<hbm>>) dst(%arg6 : memref<2000xi32, #tpu.memory_space<vmem>>)
      tpu.yield
    }) : () -> ()
    %dma_wait3A_110 = arith.constant 0 : i32
    %dma_wait3A_111 = tpu.memref_slice %arg4[%add3A_103, %dma_wait3A_110] : memref<640000x16xf32, #tpu.memory_space<hbm>> -> memref<2000x16xf32, #tpu.memory_space<hbm>>
    %dma_wait3A_112 = arith.constant 0 : i32
    %dma_wait3A_113 = tpu.memref_slice %arg4[%add3A_103, %dma_wait3A_112] : memref<640000x16xf32, #tpu.memory_space<hbm>> -> memref<2000x16xf32, #tpu.memory_space<hbm>>
    tpu.wait_dma2 semaphore(%arg12 : memref<!tpu.dma_semaphore, #tpu.memory_space<semaphore_mem>>) src(%arg8 : memref<2000x16xf32, #tpu.memory_space<vmem>>) dst(%dma_wait3A_113 : memref<2000x16xf32, #tpu.memory_space<hbm>>)
    %dma_start3A_114 = arith.constant 0 : i32
    %dma_start3A_115 = arith.constant 0 : i32
    %dma_start3A_116 = tpu.memref_slice %arg2[%dma_start3A_114, %dma_start3A_115] : memref<10000x16xf32, #tpu.memory_space<hbm>> -> memref<10000x16xf32, #tpu.memory_space<hbm>>
    tpu.enqueue_indirect_dma source(%dma_start3A_116 : memref<10000x16xf32, #tpu.memory_space<hbm>>) target(%arg8 : memref<2000x16xf32, #tpu.memory_space<vmem>>) offsets(%arg6 : memref<2000xi32, #tpu.memory_space<vmem>>) semaphore(%arg10 : memref<!tpu.dma_semaphore, #tpu.memory_space<semaphore_mem>>)
    %dma_wait3A_117 = arith.constant 0 : i32
    %dma_wait3A_118 = arith.constant 0 : i32
    %dma_wait3A_119 = tpu.memref_slice %arg2[%dma_wait3A_117, %dma_wait3A_118] : memref<10000x16xf32, #tpu.memory_space<hbm>> -> memref<10000x16xf32, #tpu.memory_space<hbm>>
    tpu.wait_indirect_dma semaphore(%arg9 : memref<!tpu.dma_semaphore, #tpu.memory_space<semaphore_mem>>) src(%dma_wait3A_119 : memref<10000x16xf32, #tpu.memory_space<hbm>>) dst(%arg7 : memref<2000x16xf32, #tpu.memory_space<vmem>>)
    %add3A_120 = arith.constant 12000 : i32
    %add3A_121 = arith.addi %mul3A_2, %add3A_120 : i32
    %dma_start3A_122 = arith.constant 0 : i32
    %dma_start3A_123 = tpu.memref_slice %arg4[%add3A_121, %dma_start3A_122] : memref<640000x16xf32, #tpu.memory_space<hbm>> -> memref<2000x16xf32, #tpu.memory_space<hbm>>
    %dma_start3A_124 = arith.constant 0 : i32
    %dma_start3A_125 = tpu.memref_slice %arg4[%add3A_121, %dma_start3A_124] : memref<640000x16xf32, #tpu.memory_space<hbm>> -> memref<2000x16xf32, #tpu.memory_space<hbm>>
    tpu.enqueue_dma source(%arg7 : memref<2000x16xf32, #tpu.memory_space<vmem>>) target(%dma_start3A_125 : memref<2000x16xf32, #tpu.memory_space<hbm>>) target_semaphore(%arg11 : memref<!tpu.dma_semaphore, #tpu.memory_space<semaphore_mem>>)
    %add3A_126 = arith.constant 16000 : i32
    %add3A_127 = arith.addi %mul3A_2, %add3A_126 : i32
    "tpu.region"() ({
      %run_scoped3A = tpu.sem_alloc : memref<!tpu.dma_semaphore, #tpu.memory_space<semaphore_mem>>
      %dma_start3A_179 = tpu.memref_slice %arg3[%add3A_127] : memref<640000xi32, #tpu.memory_space<hbm>> -> memref<2000xi32, #tpu.memory_space<hbm>>
      %dma_start3A_180 = tpu.memref_slice %arg3[%add3A_127] : memref<640000xi32, #tpu.memory_space<hbm>> -> memref<2000xi32, #tpu.memory_space<hbm>>
      tpu.enqueue_dma source(%dma_start3A_180 : memref<2000xi32, #tpu.memory_space<hbm>>) target(%arg5 : memref<2000xi32, #tpu.memory_space<vmem>>) target_semaphore(%run_scoped3A : memref<!tpu.dma_semaphore, #tpu.memory_space<semaphore_mem>>)
      %dma_wait3A_181 = tpu.memref_slice %arg3[%add3A_127] : memref<640000xi32, #tpu.memory_space<hbm>> -> memref<2000xi32, #tpu.memory_space<hbm>>
      %dma_wait3A_182 = tpu.memref_slice %arg3[%add3A_127] : memref<640000xi32, #tpu.memory_space<hbm>> -> memref<2000xi32, #tpu.memory_space<hbm>>
      tpu.wait_dma2 semaphore(%run_scoped3A : memref<!tpu.dma_semaphore, #tpu.memory_space<semaphore_mem>>) src(%dma_wait3A_182 : memref<2000xi32, #tpu.memory_space<hbm>>) dst(%arg5 : memref<2000xi32, #tpu.memory_space<vmem>>)
      tpu.yield
    }) : () -> ()
    %dma_wait3A_128 = arith.constant 0 : i32
    %dma_wait3A_129 = tpu.memref_slice %arg4[%add3A_121, %dma_wait3A_128] : memref<640000x16xf32, #tpu.memory_space<hbm>> -> memref<2000x16xf32, #tpu.memory_space<hbm>>
    %dma_wait3A_130 = arith.constant 0 : i32
    %dma_wait3A_131 = tpu.memref_slice %arg4[%add3A_121, %dma_wait3A_130] : memref<640000x16xf32, #tpu.memory_space<hbm>> -> memref<2000x16xf32, #tpu.memory_space<hbm>>
    tpu.wait_dma2 semaphore(%arg11 : memref<!tpu.dma_semaphore, #tpu.memory_space<semaphore_mem>>) src(%arg7 : memref<2000x16xf32, #tpu.memory_space<vmem>>) dst(%dma_wait3A_131 : memref<2000x16xf32, #tpu.memory_space<hbm>>)
    %dma_start3A_132 = arith.constant 0 : i32
    %dma_start3A_133 = arith.constant 0 : i32
    %dma_start3A_134 = tpu.memref_slice %arg2[%dma_start3A_132, %dma_start3A_133] : memref<10000x16xf32, #tpu.memory_space<hbm>> -> memref<10000x16xf32, #tpu.memory_space<hbm>>
    tpu.enqueue_indirect_dma source(%dma_start3A_134 : memref<10000x16xf32, #tpu.memory_space<hbm>>) target(%arg7 : memref<2000x16xf32, #tpu.memory_space<vmem>>) offsets(%arg5 : memref<2000xi32, #tpu.memory_space<vmem>>) semaphore(%arg9 : memref<!tpu.dma_semaphore, #tpu.memory_space<semaphore_mem>>)
    %dma_wait3A_135 = arith.constant 0 : i32
    %dma_wait3A_136 = arith.constant 0 : i32
    %dma_wait3A_137 = tpu.memref_slice %arg2[%dma_wait3A_135, %dma_wait3A_136] : memref<10000x16xf32, #tpu.memory_space<hbm>> -> memref<10000x16xf32, #tpu.memory_space<hbm>>
    tpu.wait_indirect_dma semaphore(%arg10 : memref<!tpu.dma_semaphore, #tpu.memory_space<semaphore_mem>>) src(%dma_wait3A_137 : memref<10000x16xf32, #tpu.memory_space<hbm>>) dst(%arg8 : memref<2000x16xf32, #tpu.memory_space<vmem>>)
    %add3A_138 = arith.constant 14000 : i32
    %add3A_139 = arith.addi %mul3A_2, %add3A_138 : i32
    %dma_start3A_140 = arith.constant 0 : i32
    %dma_start3A_141 = tpu.memref_slice %arg4[%add3A_139, %dma_start3A_140] : memref<640000x16xf32, #tpu.memory_space<hbm>> -> memref<2000x16xf32, #tpu.memory_space<hbm>>
    %dma_start3A_142 = arith.constant 0 : i32
    %dma_start3A_143 = tpu.memref_slice %arg4[%add3A_139, %dma_start3A_142] : memref<640000x16xf32, #tpu.memory_space<hbm>> -> memref<2000x16xf32, #tpu.memory_space<hbm>>
    tpu.enqueue_dma source(%arg8 : memref<2000x16xf32, #tpu.memory_space<vmem>>) target(%dma_start3A_143 : memref<2000x16xf32, #tpu.memory_space<hbm>>) target_semaphore(%arg12 : memref<!tpu.dma_semaphore, #tpu.memory_space<semaphore_mem>>)
    %add3A_144 = arith.constant 18000 : i32
    %add3A_145 = arith.addi %mul3A_2, %add3A_144 : i32
    "tpu.region"() ({
      %run_scoped3A = tpu.sem_alloc : memref<!tpu.dma_semaphore, #tpu.memory_space<semaphore_mem>>
      %dma_start3A_179 = tpu.memref_slice %arg3[%add3A_145] : memref<640000xi32, #tpu.memory_space<hbm>> -> memref<2000xi32, #tpu.memory_space<hbm>>
      %dma_start3A_180 = tpu.memref_slice %arg3[%add3A_145] : memref<640000xi32, #tpu.memory_space<hbm>> -> memref<2000xi32, #tpu.memory_space<hbm>>
      tpu.enqueue_dma source(%dma_start3A_180 : memref<2000xi32, #tpu.memory_space<hbm>>) target(%arg6 : memref<2000xi32, #tpu.memory_space<vmem>>) target_semaphore(%run_scoped3A : memref<!tpu.dma_semaphore, #tpu.memory_space<semaphore_mem>>)
      %dma_wait3A_181 = tpu.memref_slice %arg3[%add3A_145] : memref<640000xi32, #tpu.memory_space<hbm>> -> memref<2000xi32, #tpu.memory_space<hbm>>
      %dma_wait3A_182 = tpu.memref_slice %arg3[%add3A_145] : memref<640000xi32, #tpu.memory_space<hbm>> -> memref<2000xi32, #tpu.memory_space<hbm>>
      tpu.wait_dma2 semaphore(%run_scoped3A : memref<!tpu.dma_semaphore, #tpu.memory_space<semaphore_mem>>) src(%dma_wait3A_182 : memref<2000xi32, #tpu.memory_space<hbm>>) dst(%arg6 : memref<2000xi32, #tpu.memory_space<vmem>>)
      tpu.yield
    }) : () -> ()
    %dma_wait3A_146 = arith.constant 0 : i32
    %dma_wait3A_147 = tpu.memref_slice %arg4[%add3A_139, %dma_wait3A_146] : memref<640000x16xf32, #tpu.memory_space<hbm>> -> memref<2000x16xf32, #tpu.memory_space<hbm>>
    %dma_wait3A_148 = arith.constant 0 : i32
    %dma_wait3A_149 = tpu.memref_slice %arg4[%add3A_139, %dma_wait3A_148] : memref<640000x16xf32, #tpu.memory_space<hbm>> -> memref<2000x16xf32, #tpu.memory_space<hbm>>
    tpu.wait_dma2 semaphore(%arg12 : memref<!tpu.dma_semaphore, #tpu.memory_space<semaphore_mem>>) src(%arg8 : memref<2000x16xf32, #tpu.memory_space<vmem>>) dst(%dma_wait3A_149 : memref<2000x16xf32, #tpu.memory_space<hbm>>)
    %dma_start3A_150 = arith.constant 0 : i32
    %dma_start3A_151 = arith.constant 0 : i32
    %dma_start3A_152 = tpu.memref_slice %arg2[%dma_start3A_150, %dma_start3A_151] : memref<10000x16xf32, #tpu.memory_space<hbm>> -> memref<10000x16xf32, #tpu.memory_space<hbm>>
    tpu.enqueue_indirect_dma source(%dma_start3A_152 : memref<10000x16xf32, #tpu.memory_space<hbm>>) target(%arg8 : memref<2000x16xf32, #tpu.memory_space<vmem>>) offsets(%arg6 : memref<2000xi32, #tpu.memory_space<vmem>>) semaphore(%arg10 : memref<!tpu.dma_semaphore, #tpu.memory_space<semaphore_mem>>)
    %dma_wait3A_153 = arith.constant 0 : i32
    %dma_wait3A_154 = arith.constant 0 : i32
    %dma_wait3A_155 = tpu.memref_slice %arg2[%dma_wait3A_153, %dma_wait3A_154] : memref<10000x16xf32, #tpu.memory_space<hbm>> -> memref<10000x16xf32, #tpu.memory_space<hbm>>
    tpu.wait_indirect_dma semaphore(%arg9 : memref<!tpu.dma_semaphore, #tpu.memory_space<semaphore_mem>>) src(%dma_wait3A_155 : memref<10000x16xf32, #tpu.memory_space<hbm>>) dst(%arg7 : memref<2000x16xf32, #tpu.memory_space<vmem>>)
    %add3A_156 = arith.constant 16000 : i32
    %add3A_157 = arith.addi %mul3A_2, %add3A_156 : i32
    %dma_start3A_158 = arith.constant 0 : i32
    %dma_start3A_159 = tpu.memref_slice %arg4[%add3A_157, %dma_start3A_158] : memref<640000x16xf32, #tpu.memory_space<hbm>> -> memref<2000x16xf32, #tpu.memory_space<hbm>>
    %dma_start3A_160 = arith.constant 0 : i32
    %dma_start3A_161 = tpu.memref_slice %arg4[%add3A_157, %dma_start3A_160] : memref<640000x16xf32, #tpu.memory_space<hbm>> -> memref<2000x16xf32, #tpu.memory_space<hbm>>
    tpu.enqueue_dma source(%arg7 : memref<2000x16xf32, #tpu.memory_space<vmem>>) target(%dma_start3A_161 : memref<2000x16xf32, #tpu.memory_space<hbm>>) target_semaphore(%arg11 : memref<!tpu.dma_semaphore, #tpu.memory_space<semaphore_mem>>)
    %dma_wait3A_162 = arith.constant 0 : i32
    %dma_wait3A_163 = arith.constant 0 : i32
    %dma_wait3A_164 = tpu.memref_slice %arg2[%dma_wait3A_162, %dma_wait3A_163] : memref<10000x16xf32, #tpu.memory_space<hbm>> -> memref<10000x16xf32, #tpu.memory_space<hbm>>
    tpu.wait_indirect_dma semaphore(%arg10 : memref<!tpu.dma_semaphore, #tpu.memory_space<semaphore_mem>>) src(%dma_wait3A_164 : memref<10000x16xf32, #tpu.memory_space<hbm>>) dst(%arg8 : memref<2000x16xf32, #tpu.memory_space<vmem>>)
    %add3A_165 = arith.constant 18000 : i32
    %add3A_166 = arith.addi %mul3A_2, %add3A_165 : i32
    %dma_start3A_167 = arith.constant 0 : i32
    %dma_start3A_168 = tpu.memref_slice %arg4[%add3A_166, %dma_start3A_167] : memref<640000x16xf32, #tpu.memory_space<hbm>> -> memref<2000x16xf32, #tpu.memory_space<hbm>>
    %dma_start3A_169 = arith.constant 0 : i32
    %dma_start3A_170 = tpu.memref_slice %arg4[%add3A_166, %dma_start3A_169] : memref<640000x16xf32, #tpu.memory_space<hbm>> -> memref<2000x16xf32, #tpu.memory_space<hbm>>
    tpu.enqueue_dma source(%arg8 : memref<2000x16xf32, #tpu.memory_space<vmem>>) target(%dma_start3A_170 : memref<2000x16xf32, #tpu.memory_space<hbm>>) target_semaphore(%arg12 : memref<!tpu.dma_semaphore, #tpu.memory_space<semaphore_mem>>)
    %dma_wait3A_171 = arith.constant 0 : i32
    %dma_wait3A_172 = tpu.memref_slice %arg4[%add3A_157, %dma_wait3A_171] : memref<640000x16xf32, #tpu.memory_space<hbm>> -> memref<2000x16xf32, #tpu.memory_space<hbm>>
    %dma_wait3A_173 = arith.constant 0 : i32
    %dma_wait3A_174 = tpu.memref_slice %arg4[%add3A_157, %dma_wait3A_173] : memref<640000x16xf32, #tpu.memory_space<hbm>> -> memref<2000x16xf32, #tpu.memory_space<hbm>>
    tpu.wait_dma2 semaphore(%arg11 : memref<!tpu.dma_semaphore, #tpu.memory_space<semaphore_mem>>) src(%arg7 : memref<2000x16xf32, #tpu.memory_space<vmem>>) dst(%dma_wait3A_174 : memref<2000x16xf32, #tpu.memory_space<hbm>>)
    %dma_wait3A_175 = arith.constant 0 : i32
    %dma_wait3A_176 = tpu.memref_slice %arg4[%add3A_166, %dma_wait3A_175] : memref<640000x16xf32, #tpu.memory_space<hbm>> -> memref<2000x16xf32, #tpu.memory_space<hbm>>
    %dma_wait3A_177 = arith.constant 0 : i32
    %dma_wait3A_178 = tpu.memref_slice %arg4[%add3A_166, %dma_wait3A_177] : memref<640000x16xf32, #tpu.memory_space<hbm>> -> memref<2000x16xf32, #tpu.memory_space<hbm>>
    tpu.wait_dma2 semaphore(%arg12 : memref<!tpu.dma_semaphore, #tpu.memory_space<semaphore_mem>>) src(%arg8 : memref<2000x16xf32, #tpu.memory_space<vmem>>) dst(%dma_wait3A_178 : memref<2000x16xf32, #tpu.memory_space<hbm>>)
    return
  }
}

module attributes {stable_mosaic.version = 14 : i64} {
  func.func @_node_body(%arg0: i32, %arg1: memref<1000x12xf32, #tpu.memory_space<vmem>>, %arg2: memref<96x128xbf16, #tpu.memory_space<vmem>>, %arg3: memref<1x128xf32, #tpu.memory_space<vmem>>, %arg4: memref<1x128xf32, #tpu.memory_space<vmem>>, %arg5: memref<1x128xf32, #tpu.memory_space<vmem>>, %arg6: memref<1000x128xf32, #tpu.memory_space<vmem>>) attributes {dimension_semantics = [#tpu.dimension_semantics<arbitrary>], iteration_bounds = array<i64: 10>, scalar_prefetch = 0 : i64, scratch_operands = 0 : i64, tpu.core_type = #tpu.core_type<tc>, window_params = [{transform_indices = @transform_0, window_bounds = array<i64: 1000, 12>}, {pipeline_mode = #tpu.pipeline_mode<synchronous>, transform_indices = @transform_1, window_bounds = array<i64: 96, 128>}, {pipeline_mode = #tpu.pipeline_mode<synchronous>, transform_indices = @transform_2, window_bounds = array<i64: 1, 128>}, {pipeline_mode = #tpu.pipeline_mode<synchronous>, transform_indices = @transform_3, window_bounds = array<i64: 1, 128>}, {pipeline_mode = #tpu.pipeline_mode<synchronous>, transform_indices = @transform_4, window_bounds = array<i64: 1, 128>}, {transform_indices = @transform_5, window_bounds = array<i64: 1000, 128>}]} {
    %get3A = arith.constant 0 : index
    %get3A_0 = arith.constant 0 : index
    %get3A_1 = vector.load %arg1[%get3A, %get3A_0] : memref<1000x12xf32, #tpu.memory_space<vmem>>, vector<1000x12xf32>
    %transpose3A = tpu.transpose %get3A_1, [1, 0] : vector<1000x12xf32> -> vector<12x1000xf32>
    %slice3A = vector.extract_strided_slice %transpose3A {offsets = [3, 0], sizes = [1, 1000], strides = [1, 1]} : vector<12x1000xf32> to vector<1x1000xf32>
    %slice3A_2 = vector.extract_strided_slice %transpose3A {offsets = [3, 0], sizes = [1, 1000], strides = [1, 1]} : vector<12x1000xf32> to vector<1x1000xf32>
    %slice3A_3 = vector.extract_strided_slice %transpose3A {offsets = [3, 0], sizes = [1, 1000], strides = [1, 1]} : vector<12x1000xf32> to vector<1x1000xf32>
    %slice3A_4 = vector.extract_strided_slice %transpose3A {offsets = [0, 0], sizes = [1, 1000], strides = [1, 1]} : vector<12x1000xf32> to vector<1x1000xf32>
    %slice3A_5 = vector.extract_strided_slice %transpose3A {offsets = [0, 0], sizes = [1, 1000], strides = [1, 1]} : vector<12x1000xf32> to vector<1x1000xf32>
    %slice3A_6 = vector.extract_strided_slice %transpose3A {offsets = [9, 0], sizes = [1, 1000], strides = [1, 1]} : vector<12x1000xf32> to vector<1x1000xf32>
    %concatenate3A = tpu.concatenate %slice3A, %slice3A_2, %slice3A_3, %slice3A_4, %slice3A_5, %slice3A_6 in 0 : vector<1x1000xf32>, vector<1x1000xf32>, vector<1x1000xf32>, vector<1x1000xf32>, vector<1x1000xf32>, vector<1x1000xf32> -> vector<6x1000xf32>
    %slice3A_7 = vector.extract_strided_slice %transpose3A {offsets = [0, 0], sizes = [1, 1000], strides = [1, 1]} : vector<12x1000xf32> to vector<1x1000xf32>
    %slice3A_8 = vector.extract_strided_slice %transpose3A {offsets = [6, 0], sizes = [1, 1000], strides = [1, 1]} : vector<12x1000xf32> to vector<1x1000xf32>
    %slice3A_9 = vector.extract_strided_slice %transpose3A {offsets = [9, 0], sizes = [1, 1000], strides = [1, 1]} : vector<12x1000xf32> to vector<1x1000xf32>
    %slice3A_10 = vector.extract_strided_slice %transpose3A {offsets = [6, 0], sizes = [1, 1000], strides = [1, 1]} : vector<12x1000xf32> to vector<1x1000xf32>
    %slice3A_11 = vector.extract_strided_slice %transpose3A {offsets = [9, 0], sizes = [1, 1000], strides = [1, 1]} : vector<12x1000xf32> to vector<1x1000xf32>
    %slice3A_12 = vector.extract_strided_slice %transpose3A {offsets = [6, 0], sizes = [1, 1000], strides = [1, 1]} : vector<12x1000xf32> to vector<1x1000xf32>
    %concatenate3A_13 = tpu.concatenate %slice3A_7, %slice3A_8, %slice3A_9, %slice3A_10, %slice3A_11, %slice3A_12 in 0 : vector<1x1000xf32>, vector<1x1000xf32>, vector<1x1000xf32>, vector<1x1000xf32>, vector<1x1000xf32>, vector<1x1000xf32> -> vector<6x1000xf32>
    %sub3A = arith.subf %concatenate3A, %concatenate3A_13 : vector<6x1000xf32>
    %mul3A = arith.mulf %sub3A, %sub3A : vector<6x1000xf32>
    %slice3A_14 = vector.extract_strided_slice %transpose3A {offsets = [4, 0], sizes = [1, 1000], strides = [1, 1]} : vector<12x1000xf32> to vector<1x1000xf32>
    %slice3A_15 = vector.extract_strided_slice %transpose3A {offsets = [4, 0], sizes = [1, 1000], strides = [1, 1]} : vector<12x1000xf32> to vector<1x1000xf32>
    %slice3A_16 = vector.extract_strided_slice %transpose3A {offsets = [4, 0], sizes = [1, 1000], strides = [1, 1]} : vector<12x1000xf32> to vector<1x1000xf32>
    %slice3A_17 = vector.extract_strided_slice %transpose3A {offsets = [1, 0], sizes = [1, 1000], strides = [1, 1]} : vector<12x1000xf32> to vector<1x1000xf32>
    %slice3A_18 = vector.extract_strided_slice %transpose3A {offsets = [1, 0], sizes = [1, 1000], strides = [1, 1]} : vector<12x1000xf32> to vector<1x1000xf32>
    %slice3A_19 = vector.extract_strided_slice %transpose3A {offsets = [10, 0], sizes = [1, 1000], strides = [1, 1]} : vector<12x1000xf32> to vector<1x1000xf32>
    %concatenate3A_20 = tpu.concatenate %slice3A_14, %slice3A_15, %slice3A_16, %slice3A_17, %slice3A_18, %slice3A_19 in 0 : vector<1x1000xf32>, vector<1x1000xf32>, vector<1x1000xf32>, vector<1x1000xf32>, vector<1x1000xf32>, vector<1x1000xf32> -> vector<6x1000xf32>
    %slice3A_21 = vector.extract_strided_slice %transpose3A {offsets = [1, 0], sizes = [1, 1000], strides = [1, 1]} : vector<12x1000xf32> to vector<1x1000xf32>
    %slice3A_22 = vector.extract_strided_slice %transpose3A {offsets = [7, 0], sizes = [1, 1000], strides = [1, 1]} : vector<12x1000xf32> to vector<1x1000xf32>
    %slice3A_23 = vector.extract_strided_slice %transpose3A {offsets = [10, 0], sizes = [1, 1000], strides = [1, 1]} : vector<12x1000xf32> to vector<1x1000xf32>
    %slice3A_24 = vector.extract_strided_slice %transpose3A {offsets = [7, 0], sizes = [1, 1000], strides = [1, 1]} : vector<12x1000xf32> to vector<1x1000xf32>
    %slice3A_25 = vector.extract_strided_slice %transpose3A {offsets = [10, 0], sizes = [1, 1000], strides = [1, 1]} : vector<12x1000xf32> to vector<1x1000xf32>
    %slice3A_26 = vector.extract_strided_slice %transpose3A {offsets = [7, 0], sizes = [1, 1000], strides = [1, 1]} : vector<12x1000xf32> to vector<1x1000xf32>
    %concatenate3A_27 = tpu.concatenate %slice3A_21, %slice3A_22, %slice3A_23, %slice3A_24, %slice3A_25, %slice3A_26 in 0 : vector<1x1000xf32>, vector<1x1000xf32>, vector<1x1000xf32>, vector<1x1000xf32>, vector<1x1000xf32>, vector<1x1000xf32> -> vector<6x1000xf32>
    %sub3A_28 = arith.subf %concatenate3A_20, %concatenate3A_27 : vector<6x1000xf32>
    %mul3A_29 = arith.mulf %sub3A_28, %sub3A_28 : vector<6x1000xf32>
    %add3A = arith.addf %mul3A, %mul3A_29 : vector<6x1000xf32>
    %slice3A_30 = vector.extract_strided_slice %transpose3A {offsets = [5, 0], sizes = [1, 1000], strides = [1, 1]} : vector<12x1000xf32> to vector<1x1000xf32>
    %slice3A_31 = vector.extract_strided_slice %transpose3A {offsets = [5, 0], sizes = [1, 1000], strides = [1, 1]} : vector<12x1000xf32> to vector<1x1000xf32>
    %slice3A_32 = vector.extract_strided_slice %transpose3A {offsets = [5, 0], sizes = [1, 1000], strides = [1, 1]} : vector<12x1000xf32> to vector<1x1000xf32>
    %slice3A_33 = vector.extract_strided_slice %transpose3A {offsets = [2, 0], sizes = [1, 1000], strides = [1, 1]} : vector<12x1000xf32> to vector<1x1000xf32>
    %slice3A_34 = vector.extract_strided_slice %transpose3A {offsets = [2, 0], sizes = [1, 1000], strides = [1, 1]} : vector<12x1000xf32> to vector<1x1000xf32>
    %slice3A_35 = vector.extract_strided_slice %transpose3A {offsets = [11, 0], sizes = [1, 1000], strides = [1, 1]} : vector<12x1000xf32> to vector<1x1000xf32>
    %concatenate3A_36 = tpu.concatenate %slice3A_30, %slice3A_31, %slice3A_32, %slice3A_33, %slice3A_34, %slice3A_35 in 0 : vector<1x1000xf32>, vector<1x1000xf32>, vector<1x1000xf32>, vector<1x1000xf32>, vector<1x1000xf32>, vector<1x1000xf32> -> vector<6x1000xf32>
    %slice3A_37 = vector.extract_strided_slice %transpose3A {offsets = [2, 0], sizes = [1, 1000], strides = [1, 1]} : vector<12x1000xf32> to vector<1x1000xf32>
    %slice3A_38 = vector.extract_strided_slice %transpose3A {offsets = [8, 0], sizes = [1, 1000], strides = [1, 1]} : vector<12x1000xf32> to vector<1x1000xf32>
    %slice3A_39 = vector.extract_strided_slice %transpose3A {offsets = [11, 0], sizes = [1, 1000], strides = [1, 1]} : vector<12x1000xf32> to vector<1x1000xf32>
    %slice3A_40 = vector.extract_strided_slice %transpose3A {offsets = [8, 0], sizes = [1, 1000], strides = [1, 1]} : vector<12x1000xf32> to vector<1x1000xf32>
    %slice3A_41 = vector.extract_strided_slice %transpose3A {offsets = [11, 0], sizes = [1, 1000], strides = [1, 1]} : vector<12x1000xf32> to vector<1x1000xf32>
    %slice3A_42 = vector.extract_strided_slice %transpose3A {offsets = [8, 0], sizes = [1, 1000], strides = [1, 1]} : vector<12x1000xf32> to vector<1x1000xf32>
    %concatenate3A_43 = tpu.concatenate %slice3A_37, %slice3A_38, %slice3A_39, %slice3A_40, %slice3A_41, %slice3A_42 in 0 : vector<1x1000xf32>, vector<1x1000xf32>, vector<1x1000xf32>, vector<1x1000xf32>, vector<1x1000xf32>, vector<1x1000xf32> -> vector<6x1000xf32>
    %sub3A_44 = arith.subf %concatenate3A_36, %concatenate3A_43 : vector<6x1000xf32>
    %mul3A_45 = arith.mulf %sub3A_44, %sub3A_44 : vector<6x1000xf32>
    %add3A_46 = arith.addf %add3A, %mul3A_45 : vector<6x1000xf32>
    %sqrt3A = math.sqrt %add3A_46 : vector<6x1000xf32>
    %slice3A_47 = vector.extract_strided_slice %sqrt3A {offsets = [0, 0], sizes = [1, 1000], strides = [1, 1]} : vector<6x1000xf32> to vector<1x1000xf32>
    %broadcast_in_dim3A = vector.shape_cast %slice3A_47 : vector<1x1000xf32> to vector<1x1000xf32>
    %broadcast_in_dim3A_48 = vector.broadcast %broadcast_in_dim3A : vector<1x1000xf32> to vector<16x1000xf32>
    %slice3A_49 = vector.extract_strided_slice %sqrt3A {offsets = [1, 0], sizes = [1, 1000], strides = [1, 1]} : vector<6x1000xf32> to vector<1x1000xf32>
    %broadcast_in_dim3A_50 = vector.shape_cast %slice3A_49 : vector<1x1000xf32> to vector<1x1000xf32>
    %broadcast_in_dim3A_51 = vector.broadcast %broadcast_in_dim3A_50 : vector<1x1000xf32> to vector<16x1000xf32>
    %slice3A_52 = vector.extract_strided_slice %sqrt3A {offsets = [2, 0], sizes = [1, 1000], strides = [1, 1]} : vector<6x1000xf32> to vector<1x1000xf32>
    %broadcast_in_dim3A_53 = vector.shape_cast %slice3A_52 : vector<1x1000xf32> to vector<1x1000xf32>
    %broadcast_in_dim3A_54 = vector.broadcast %broadcast_in_dim3A_53 : vector<1x1000xf32> to vector<16x1000xf32>
    %slice3A_55 = vector.extract_strided_slice %sqrt3A {offsets = [3, 0], sizes = [1, 1000], strides = [1, 1]} : vector<6x1000xf32> to vector<1x1000xf32>
    %broadcast_in_dim3A_56 = vector.shape_cast %slice3A_55 : vector<1x1000xf32> to vector<1x1000xf32>
    %broadcast_in_dim3A_57 = vector.broadcast %broadcast_in_dim3A_56 : vector<1x1000xf32> to vector<16x1000xf32>
    %slice3A_58 = vector.extract_strided_slice %sqrt3A {offsets = [4, 0], sizes = [1, 1000], strides = [1, 1]} : vector<6x1000xf32> to vector<1x1000xf32>
    %broadcast_in_dim3A_59 = vector.shape_cast %slice3A_58 : vector<1x1000xf32> to vector<1x1000xf32>
    %broadcast_in_dim3A_60 = vector.broadcast %broadcast_in_dim3A_59 : vector<1x1000xf32> to vector<16x1000xf32>
    %slice3A_61 = vector.extract_strided_slice %sqrt3A {offsets = [5, 0], sizes = [1, 1000], strides = [1, 1]} : vector<6x1000xf32> to vector<1x1000xf32>
    %broadcast_in_dim3A_62 = vector.shape_cast %slice3A_61 : vector<1x1000xf32> to vector<1x1000xf32>
    %broadcast_in_dim3A_63 = vector.broadcast %broadcast_in_dim3A_62 : vector<1x1000xf32> to vector<16x1000xf32>
    %concatenate3A_64 = tpu.concatenate %broadcast_in_dim3A_48, %broadcast_in_dim3A_51, %broadcast_in_dim3A_54, %broadcast_in_dim3A_57, %broadcast_in_dim3A_60, %broadcast_in_dim3A_63 in 0 : vector<16x1000xf32>, vector<16x1000xf32>, vector<16x1000xf32>, vector<16x1000xf32>, vector<16x1000xf32>, vector<16x1000xf32> -> vector<96x1000xf32>
    %iota3A = tpu.iota {dimensions = array<i32: 0>} : vector<16x1xi32>
    %convert_element_type3A = arith.sitofp %iota3A : vector<16x1xi32> to vector<16x1xf32>
    %concatenate3A_65 = tpu.concatenate %convert_element_type3A, %convert_element_type3A, %convert_element_type3A, %convert_element_type3A, %convert_element_type3A, %convert_element_type3A in 0 : vector<16x1xf32>, vector<16x1xf32>, vector<16x1xf32>, vector<16x1xf32>, vector<16x1xf32>, vector<16x1xf32> -> vector<96x1xf32>
    %mul3A_66 = arith.constant 1.33333337 : f32
    %mul3A_67 = vector.broadcast %mul3A_66 : f32 to vector<96x1xf32>
    %mul3A_68 = arith.mulf %concatenate3A_65, %mul3A_67 : vector<96x1xf32>
    %sub3A_69 = vector.broadcast %mul3A_68 : vector<96x1xf32> to vector<96x1000xf32>
    %sub3A_70 = arith.subf %concatenate3A_64, %sub3A_69 : vector<96x1000xf32>
    %div3A = arith.constant 1.250000e+00 : f32
    %div3A_71 = vector.broadcast %div3A : f32 to vector<96x1000xf32>
    %div3A_72 = arith.divf %sub3A_70, %div3A_71 : vector<96x1000xf32>
    %mul3A_73 = arith.mulf %div3A_72, %div3A_72 : vector<96x1000xf32>
    %neg3A = arith.constant 0.000000e+00 : f32
    %neg3A_74 = vector.broadcast %neg3A : f32 to vector<96x1000xf32>
    %neg3A_75 = arith.subf %neg3A_74, %mul3A_73 : vector<96x1000xf32>
    %exp3A = math.exp %neg3A_75 : vector<96x1000xf32>
    %convert_element_type3A_76 = arith.truncf %exp3A : vector<96x1000xf32> to vector<96x1000xbf16>
    %get3A_77 = arith.constant 0 : index
    %get3A_78 = arith.constant 0 : index
    %get3A_79 = vector.load %arg2[%get3A_77, %get3A_78] : memref<96x128xbf16, #tpu.memory_space<vmem>>, vector<96x128xbf16>
    %dot_general3A = arith.constant dense<0.000000e+00> : vector<1000x128xf32>
    %dot_general3A_80 = tpu.matmul %convert_element_type3A_76, %get3A_79, %dot_general3A {dimension_numbers = #tpu.dot_dimension_numbers<[0], [0], [1], [1], [0, 1, 1, 1], [], []>, transpose_lhs_hint = false} : vector<96x1000xbf16>, vector<96x128xbf16>, vector<1000x128xf32> -> vector<1000x128xf32>
    %get3A_81 = arith.constant 0 : index
    %get3A_82 = arith.constant 0 : index
    %get3A_83 = vector.load %arg3[%get3A_81, %get3A_82] : memref<1x128xf32, #tpu.memory_space<vmem>>, vector<1x128xf32>
    %add3A_84 = vector.broadcast %get3A_83 : vector<1x128xf32> to vector<1000x128xf32>
    %add3A_85 = arith.addf %dot_general3A_80, %add3A_84 : vector<1000x128xf32>
    %get3A_86 = arith.constant 0 : index
    %get3A_87 = arith.constant 0 : index
    %get3A_88 = vector.load %arg4[%get3A_86, %get3A_87] : memref<1x128xf32, #tpu.memory_space<vmem>>, vector<1x128xf32>
    %get3A_89 = arith.constant 0 : index
    %get3A_90 = arith.constant 0 : index
    %get3A_91 = vector.load %arg5[%get3A_89, %get3A_90] : memref<1x128xf32, #tpu.memory_space<vmem>>, vector<1x128xf32>
    %reduce_sum3A = arith.constant dense<0.000000e+00> : vector<1000xf32>
    %reduce_sum3A_92 = vector.multi_reduction <add>, %add3A_85, %reduce_sum3A [1] : vector<1000x128xf32> to vector<1000xf32>
    %broadcast_in_dim3A_93 = vector.shape_cast %reduce_sum3A_92 : vector<1000xf32> to vector<1000x1xf32>
    %div3A_94 = arith.constant 1.280000e+02 : f32
    %div3A_95 = vector.broadcast %div3A_94 : f32 to vector<1000x1xf32>
    %div3A_96 = arith.divf %broadcast_in_dim3A_93, %div3A_95 : vector<1000x1xf32>
    %sub3A_97 = vector.broadcast %div3A_96 : vector<1000x1xf32> to vector<1000x128xf32>
    %sub3A_98 = arith.subf %add3A_85, %sub3A_97 : vector<1000x128xf32>
    %mul3A_99 = arith.mulf %sub3A_98, %sub3A_98 : vector<1000x128xf32>
    %reduce_sum3A_100 = arith.constant dense<0.000000e+00> : vector<1000xf32>
    %reduce_sum3A_101 = vector.multi_reduction <add>, %mul3A_99, %reduce_sum3A_100 [1] : vector<1000x128xf32> to vector<1000xf32>
    %broadcast_in_dim3A_102 = vector.shape_cast %reduce_sum3A_101 : vector<1000xf32> to vector<1000x1xf32>
    %mul3A_103 = arith.constant 0.00787401571 : f32
    %mul3A_104 = vector.broadcast %mul3A_103 : f32 to vector<1000x1xf32>
    %mul3A_105 = arith.mulf %broadcast_in_dim3A_102, %mul3A_104 : vector<1000x1xf32>
    %add3A_106 = arith.constant 9.99999997E-7 : f32
    %add3A_107 = vector.broadcast %add3A_106 : f32 to vector<1000x1xf32>
    %add3A_108 = arith.addf %mul3A_105, %add3A_107 : vector<1000x1xf32>
    %sqrt3A_109 = math.sqrt %add3A_108 : vector<1000x1xf32>
    %add3A_110 = arith.constant 9.99999997E-7 : f32
    %add3A_111 = vector.broadcast %add3A_110 : f32 to vector<1000x1xf32>
    %add3A_112 = arith.addf %sqrt3A_109, %add3A_111 : vector<1000x1xf32>
    %div3A_113 = arith.constant 1.000000e+00 : f32
    %div3A_114 = vector.broadcast %div3A_113 : f32 to vector<1000x1xf32>
    %div3A_115 = arith.divf %div3A_114, %add3A_112 : vector<1000x1xf32>
    %mul3A_116 = vector.broadcast %get3A_88 : vector<1x128xf32> to vector<1000x128xf32>
    %mul3A_117 = vector.broadcast %div3A_115 : vector<1000x1xf32> to vector<1000x128xf32>
    %mul3A_118 = arith.mulf %mul3A_116, %mul3A_117 : vector<1000x128xf32>
    %mul3A_119 = arith.mulf %sub3A_98, %mul3A_118 : vector<1000x128xf32>
    %add3A_120 = vector.broadcast %get3A_91 : vector<1x128xf32> to vector<1000x128xf32>
    %add3A_121 = arith.addf %mul3A_119, %add3A_120 : vector<1000x128xf32>
    %swap3A = arith.constant 0 : index
    %swap3A_122 = arith.constant 0 : index
    %swap3A_123 = vector.load %arg6[%swap3A, %swap3A_122] : memref<1000x128xf32, #tpu.memory_space<vmem>>, vector<1000x128xf32>
    tpu.vector_store %arg6[%swap3A, %swap3A_122], %add3A_121 {strides = array<i32>} : memref<1000x128xf32, #tpu.memory_space<vmem>>, vector<1000x128xf32>,
    return
  }
  func.func @transform_0(%arg0: i32) -> (i32, i32) {
    %c0_i32 = arith.constant 0 : i32
    %c0_i32_0 = arith.constant 0 : i32
    return %arg0, %c0_i32 : i32, i32
  }
  func.func @transform_1(%arg0: i32) -> (i32, i32) {
    %c0_i32 = arith.constant 0 : i32
    %c0_i32_0 = arith.constant 0 : i32
    %c0_i32_1 = arith.constant 0 : i32
    return %c0_i32, %c0_i32_0 : i32, i32
  }
  func.func @transform_2(%arg0: i32) -> (i32, i32) {
    %c0_i32 = arith.constant 0 : i32
    %c0_i32_0 = arith.constant 0 : i32
    %c0_i32_1 = arith.constant 0 : i32
    return %c0_i32, %c0_i32_0 : i32, i32
  }
  func.func @transform_3(%arg0: i32) -> (i32, i32) {
    %c0_i32 = arith.constant 0 : i32
    %c0_i32_0 = arith.constant 0 : i32
    %c0_i32_1 = arith.constant 0 : i32
    return %c0_i32, %c0_i32_0 : i32, i32
  }
  func.func @transform_4(%arg0: i32) -> (i32, i32) {
    %c0_i32 = arith.constant 0 : i32
    %c0_i32_0 = arith.constant 0 : i32
    %c0_i32_1 = arith.constant 0 : i32
    return %c0_i32, %c0_i32_0 : i32, i32
  }
  func.func @transform_5(%arg0: i32) -> (i32, i32) {
    %c0_i32 = arith.constant 0 : i32
    %c0_i32_0 = arith.constant 0 : i32
    return %arg0, %c0_i32 : i32, i32
  }
}

module attributes {stable_mosaic.version = 14 : i64} {
  func.func @_edge_body(%arg0: i32, %arg1: memref<5000x16xf32, #tpu.memory_space<vmem>>, %arg2: memref<5000x16xf32, #tpu.memory_space<vmem>>, %arg3: memref<268x256xbf16, #tpu.memory_space<vmem>>, %arg4: memref<1x256xf32, #tpu.memory_space<vmem>>, %arg5: memref<1x256xf32, #tpu.memory_space<vmem>>, %arg6: memref<1x256xf32, #tpu.memory_space<vmem>>, %arg7: memref<5000x256xf32, #tpu.memory_space<vmem>>) attributes {dimension_semantics = [#tpu.dimension_semantics<arbitrary>], iteration_bounds = array<i64: 32>, scalar_prefetch = 0 : i64, scratch_operands = 0 : i64, tpu.core_type = #tpu.core_type<tc>, window_params = [{transform_indices = @transform_0, window_bounds = array<i64: 5000, 16>}, {transform_indices = @transform_1, window_bounds = array<i64: 5000, 16>}, {pipeline_mode = #tpu.pipeline_mode<synchronous>, transform_indices = @transform_2, window_bounds = array<i64: 268, 256>}, {pipeline_mode = #tpu.pipeline_mode<synchronous>, transform_indices = @transform_3, window_bounds = array<i64: 1, 256>}, {pipeline_mode = #tpu.pipeline_mode<synchronous>, transform_indices = @transform_4, window_bounds = array<i64: 1, 256>}, {pipeline_mode = #tpu.pipeline_mode<synchronous>, transform_indices = @transform_5, window_bounds = array<i64: 1, 256>}, {transform_indices = @transform_6, window_bounds = array<i64: 5000, 256>}]} {
    %get3A = arith.constant 0 : index
    %get3A_0 = arith.constant 0 : index
    %get3A_1 = vector.load %arg1[%get3A, %get3A_0] : memref<5000x16xf32, #tpu.memory_space<vmem>>, vector<5000x13xf32>
    %transpose3A = tpu.transpose %get3A_1, [1, 0] : vector<5000x13xf32> -> vector<13x5000xf32>
    %get3A_2 = arith.constant 0 : index
    %get3A_3 = arith.constant 0 : index
    %get3A_4 = vector.load %arg2[%get3A_2, %get3A_3] : memref<5000x16xf32, #tpu.memory_space<vmem>>, vector<5000x12xf32>
    %transpose3A_5 = tpu.transpose %get3A_4, [1, 0] : vector<5000x12xf32> -> vector<12x5000xf32>
    %slice3A = vector.extract_strided_slice %transpose3A {offsets = [3, 0], sizes = [1, 5000], strides = [1, 1]} : vector<13x5000xf32> to vector<1x5000xf32>
    %slice3A_6 = vector.extract_strided_slice %transpose3A {offsets = [3, 0], sizes = [1, 5000], strides = [1, 1]} : vector<13x5000xf32> to vector<1x5000xf32>
    %slice3A_7 = vector.extract_strided_slice %transpose3A {offsets = [6, 0], sizes = [1, 5000], strides = [1, 1]} : vector<13x5000xf32> to vector<1x5000xf32>
    %slice3A_8 = vector.extract_strided_slice %transpose3A {offsets = [3, 0], sizes = [1, 5000], strides = [1, 1]} : vector<13x5000xf32> to vector<1x5000xf32>
    %slice3A_9 = vector.extract_strided_slice %transpose3A {offsets = [0, 0], sizes = [1, 5000], strides = [1, 1]} : vector<13x5000xf32> to vector<1x5000xf32>
    %slice3A_10 = vector.extract_strided_slice %transpose3A {offsets = [3, 0], sizes = [1, 5000], strides = [1, 1]} : vector<13x5000xf32> to vector<1x5000xf32>
    %slice3A_11 = vector.extract_strided_slice %transpose3A {offsets = [9, 0], sizes = [1, 5000], strides = [1, 1]} : vector<13x5000xf32> to vector<1x5000xf32>
    %slice3A_12 = vector.extract_strided_slice %transpose3A {offsets = [6, 0], sizes = [1, 5000], strides = [1, 1]} : vector<13x5000xf32> to vector<1x5000xf32>
    %slice3A_13 = vector.extract_strided_slice %transpose3A {offsets = [6, 0], sizes = [1, 5000], strides = [1, 1]} : vector<13x5000xf32> to vector<1x5000xf32>
    %slice3A_14 = vector.extract_strided_slice %transpose3A {offsets = [0, 0], sizes = [1, 5000], strides = [1, 1]} : vector<13x5000xf32> to vector<1x5000xf32>
    %slice3A_15 = vector.extract_strided_slice %transpose3A {offsets = [6, 0], sizes = [1, 5000], strides = [1, 1]} : vector<13x5000xf32> to vector<1x5000xf32>
    %slice3A_16 = vector.extract_strided_slice %transpose3A {offsets = [9, 0], sizes = [1, 5000], strides = [1, 1]} : vector<13x5000xf32> to vector<1x5000xf32>
    %slice3A_17 = vector.extract_strided_slice %transpose3A {offsets = [0, 0], sizes = [1, 5000], strides = [1, 1]} : vector<13x5000xf32> to vector<1x5000xf32>
    %slice3A_18 = vector.extract_strided_slice %transpose3A {offsets = [0, 0], sizes = [1, 5000], strides = [1, 1]} : vector<13x5000xf32> to vector<1x5000xf32>
    %slice3A_19 = vector.extract_strided_slice %transpose3A {offsets = [9, 0], sizes = [1, 5000], strides = [1, 1]} : vector<13x5000xf32> to vector<1x5000xf32>
    %slice3A_20 = vector.extract_strided_slice %transpose3A {offsets = [9, 0], sizes = [1, 5000], strides = [1, 1]} : vector<13x5000xf32> to vector<1x5000xf32>
    %concatenate3A = tpu.concatenate %slice3A, %slice3A_6, %slice3A_7, %slice3A_8, %slice3A_9, %slice3A_10, %slice3A_11, %slice3A_12, %slice3A_13, %slice3A_14, %slice3A_15, %slice3A_16, %slice3A_17, %slice3A_18, %slice3A_19, %slice3A_20 in 0 : vector<1x5000xf32>, vector<1x5000xf32>, vector<1x5000xf32>, vector<1x5000xf32>, vector<1x5000xf32>, vector<1x5000xf32>, vector<1x5000xf32>, vector<1x5000xf32>, vector<1x5000xf32>, vector<1x5000xf32>, vector<1x5000xf32>, vector<1x5000xf32>, vector<1x5000xf32>, vector<1x5000xf32>, vector<1x5000xf32>, vector<1x5000xf32> -> vector<16x5000xf32>
    %slice3A_21 = vector.extract_strided_slice %transpose3A_5 {offsets = [3, 0], sizes = [1, 5000], strides = [1, 1]} : vector<12x5000xf32> to vector<1x5000xf32>
    %slice3A_22 = vector.extract_strided_slice %transpose3A_5 {offsets = [6, 0], sizes = [1, 5000], strides = [1, 1]} : vector<12x5000xf32> to vector<1x5000xf32>
    %slice3A_23 = vector.extract_strided_slice %transpose3A_5 {offsets = [3, 0], sizes = [1, 5000], strides = [1, 1]} : vector<12x5000xf32> to vector<1x5000xf32>
    %slice3A_24 = vector.extract_strided_slice %transpose3A_5 {offsets = [0, 0], sizes = [1, 5000], strides = [1, 1]} : vector<12x5000xf32> to vector<1x5000xf32>
    %slice3A_25 = vector.extract_strided_slice %transpose3A_5 {offsets = [3, 0], sizes = [1, 5000], strides = [1, 1]} : vector<12x5000xf32> to vector<1x5000xf32>
    %slice3A_26 = vector.extract_strided_slice %transpose3A_5 {offsets = [9, 0], sizes = [1, 5000], strides = [1, 1]} : vector<12x5000xf32> to vector<1x5000xf32>
    %slice3A_27 = vector.extract_strided_slice %transpose3A_5 {offsets = [3, 0], sizes = [1, 5000], strides = [1, 1]} : vector<12x5000xf32> to vector<1x5000xf32>
    %slice3A_28 = vector.extract_strided_slice %transpose3A_5 {offsets = [6, 0], sizes = [1, 5000], strides = [1, 1]} : vector<12x5000xf32> to vector<1x5000xf32>
    %slice3A_29 = vector.extract_strided_slice %transpose3A_5 {offsets = [0, 0], sizes = [1, 5000], strides = [1, 1]} : vector<12x5000xf32> to vector<1x5000xf32>
    %slice3A_30 = vector.extract_strided_slice %transpose3A_5 {offsets = [6, 0], sizes = [1, 5000], strides = [1, 1]} : vector<12x5000xf32> to vector<1x5000xf32>
    %slice3A_31 = vector.extract_strided_slice %transpose3A_5 {offsets = [9, 0], sizes = [1, 5000], strides = [1, 1]} : vector<12x5000xf32> to vector<1x5000xf32>
    %slice3A_32 = vector.extract_strided_slice %transpose3A_5 {offsets = [6, 0], sizes = [1, 5000], strides = [1, 1]} : vector<12x5000xf32> to vector<1x5000xf32>
    %slice3A_33 = vector.extract_strided_slice %transpose3A_5 {offsets = [0, 0], sizes = [1, 5000], strides = [1, 1]} : vector<12x5000xf32> to vector<1x5000xf32>
    %slice3A_34 = vector.extract_strided_slice %transpose3A_5 {offsets = [9, 0], sizes = [1, 5000], strides = [1, 1]} : vector<12x5000xf32> to vector<1x5000xf32>
    %slice3A_35 = vector.extract_strided_slice %transpose3A_5 {offsets = [0, 0], sizes = [1, 5000], strides = [1, 1]} : vector<12x5000xf32> to vector<1x5000xf32>
    %slice3A_36 = vector.extract_strided_slice %transpose3A_5 {offsets = [9, 0], sizes = [1, 5000], strides = [1, 1]} : vector<12x5000xf32> to vector<1x5000xf32>
    %concatenate3A_37 = tpu.concatenate %slice3A_21, %slice3A_22, %slice3A_23, %slice3A_24, %slice3A_25, %slice3A_26, %slice3A_27, %slice3A_28, %slice3A_29, %slice3A_30, %slice3A_31, %slice3A_32, %slice3A_33, %slice3A_34, %slice3A_35, %slice3A_36 in 0 : vector<1x5000xf32>, vector<1x5000xf32>, vector<1x5000xf32>, vector<1x5000xf32>, vector<1x5000xf32>, vector<1x5000xf32>, vector<1x5000xf32>, vector<1x5000xf32>, vector<1x5000xf32>, vector<1x5000xf32>, vector<1x5000xf32>, vector<1x5000xf32>, vector<1x5000xf32>, vector<1x5000xf32>, vector<1x5000xf32>, vector<1x5000xf32> -> vector<16x5000xf32>
    %sub3A = arith.subf %concatenate3A, %concatenate3A_37 : vector<16x5000xf32>
    %mul3A = arith.mulf %sub3A, %sub3A : vector<16x5000xf32>
    %slice3A_38 = vector.extract_strided_slice %transpose3A {offsets = [4, 0], sizes = [1, 5000], strides = [1, 1]} : vector<13x5000xf32> to vector<1x5000xf32>
    %slice3A_39 = vector.extract_strided_slice %transpose3A {offsets = [4, 0], sizes = [1, 5000], strides = [1, 1]} : vector<13x5000xf32> to vector<1x5000xf32>
    %slice3A_40 = vector.extract_strided_slice %transpose3A {offsets = [7, 0], sizes = [1, 5000], strides = [1, 1]} : vector<13x5000xf32> to vector<1x5000xf32>
    %slice3A_41 = vector.extract_strided_slice %transpose3A {offsets = [4, 0], sizes = [1, 5000], strides = [1, 1]} : vector<13x5000xf32> to vector<1x5000xf32>
    %slice3A_42 = vector.extract_strided_slice %transpose3A {offsets = [1, 0], sizes = [1, 5000], strides = [1, 1]} : vector<13x5000xf32> to vector<1x5000xf32>
    %slice3A_43 = vector.extract_strided_slice %transpose3A {offsets = [4, 0], sizes = [1, 5000], strides = [1, 1]} : vector<13x5000xf32> to vector<1x5000xf32>
    %slice3A_44 = vector.extract_strided_slice %transpose3A {offsets = [10, 0], sizes = [1, 5000], strides = [1, 1]} : vector<13x5000xf32> to vector<1x5000xf32>
    %slice3A_45 = vector.extract_strided_slice %transpose3A {offsets = [7, 0], sizes = [1, 5000], strides = [1, 1]} : vector<13x5000xf32> to vector<1x5000xf32>
    %slice3A_46 = vector.extract_strided_slice %transpose3A {offsets = [7, 0], sizes = [1, 5000], strides = [1, 1]} : vector<13x5000xf32> to vector<1x5000xf32>
    %slice3A_47 = vector.extract_strided_slice %transpose3A {offsets = [1, 0], sizes = [1, 5000], strides = [1, 1]} : vector<13x5000xf32> to vector<1x5000xf32>
    %slice3A_48 = vector.extract_strided_slice %transpose3A {offsets = [7, 0], sizes = [1, 5000], strides = [1, 1]} : vector<13x5000xf32> to vector<1x5000xf32>
    %slice3A_49 = vector.extract_strided_slice %transpose3A {offsets = [10, 0], sizes = [1, 5000], strides = [1, 1]} : vector<13x5000xf32> to vector<1x5000xf32>
    %slice3A_50 = vector.extract_strided_slice %transpose3A {offsets = [1, 0], sizes = [1, 5000], strides = [1, 1]} : vector<13x5000xf32> to vector<1x5000xf32>
    %slice3A_51 = vector.extract_strided_slice %transpose3A {offsets = [1, 0], sizes = [1, 5000], strides = [1, 1]} : vector<13x5000xf32> to vector<1x5000xf32>
    %slice3A_52 = vector.extract_strided_slice %transpose3A {offsets = [10, 0], sizes = [1, 5000], strides = [1, 1]} : vector<13x5000xf32> to vector<1x5000xf32>
    %slice3A_53 = vector.extract_strided_slice %transpose3A {offsets = [10, 0], sizes = [1, 5000], strides = [1, 1]} : vector<13x5000xf32> to vector<1x5000xf32>
    %concatenate3A_54 = tpu.concatenate %slice3A_38, %slice3A_39, %slice3A_40, %slice3A_41, %slice3A_42, %slice3A_43, %slice3A_44, %slice3A_45, %slice3A_46, %slice3A_47, %slice3A_48, %slice3A_49, %slice3A_50, %slice3A_51, %slice3A_52, %slice3A_53 in 0 : vector<1x5000xf32>, vector<1x5000xf32>, vector<1x5000xf32>, vector<1x5000xf32>, vector<1x5000xf32>, vector<1x5000xf32>, vector<1x5000xf32>, vector<1x5000xf32>, vector<1x5000xf32>, vector<1x5000xf32>, vector<1x5000xf32>, vector<1x5000xf32>, vector<1x5000xf32>, vector<1x5000xf32>, vector<1x5000xf32>, vector<1x5000xf32> -> vector<16x5000xf32>
    %slice3A_55 = vector.extract_strided_slice %transpose3A_5 {offsets = [4, 0], sizes = [1, 5000], strides = [1, 1]} : vector<12x5000xf32> to vector<1x5000xf32>
    %slice3A_56 = vector.extract_strided_slice %transpose3A_5 {offsets = [7, 0], sizes = [1, 5000], strides = [1, 1]} : vector<12x5000xf32> to vector<1x5000xf32>
    %slice3A_57 = vector.extract_strided_slice %transpose3A_5 {offsets = [4, 0], sizes = [1, 5000], strides = [1, 1]} : vector<12x5000xf32> to vector<1x5000xf32>
    %slice3A_58 = vector.extract_strided_slice %transpose3A_5 {offsets = [1, 0], sizes = [1, 5000], strides = [1, 1]} : vector<12x5000xf32> to vector<1x5000xf32>
    %slice3A_59 = vector.extract_strided_slice %transpose3A_5 {offsets = [4, 0], sizes = [1, 5000], strides = [1, 1]} : vector<12x5000xf32> to vector<1x5000xf32>
    %slice3A_60 = vector.extract_strided_slice %transpose3A_5 {offsets = [10, 0], sizes = [1, 5000], strides = [1, 1]} : vector<12x5000xf32> to vector<1x5000xf32>
    %slice3A_61 = vector.extract_strided_slice %transpose3A_5 {offsets = [4, 0], sizes = [1, 5000], strides = [1, 1]} : vector<12x5000xf32> to vector<1x5000xf32>
    %slice3A_62 = vector.extract_strided_slice %transpose3A_5 {offsets = [7, 0], sizes = [1, 5000], strides = [1, 1]} : vector<12x5000xf32> to vector<1x5000xf32>
    %slice3A_63 = vector.extract_strided_slice %transpose3A_5 {offsets = [1, 0], sizes = [1, 5000], strides = [1, 1]} : vector<12x5000xf32> to vector<1x5000xf32>
    %slice3A_64 = vector.extract_strided_slice %transpose3A_5 {offsets = [7, 0], sizes = [1, 5000], strides = [1, 1]} : vector<12x5000xf32> to vector<1x5000xf32>
    %slice3A_65 = vector.extract_strided_slice %transpose3A_5 {offsets = [10, 0], sizes = [1, 5000], strides = [1, 1]} : vector<12x5000xf32> to vector<1x5000xf32>
    %slice3A_66 = vector.extract_strided_slice %transpose3A_5 {offsets = [7, 0], sizes = [1, 5000], strides = [1, 1]} : vector<12x5000xf32> to vector<1x5000xf32>
    %slice3A_67 = vector.extract_strided_slice %transpose3A_5 {offsets = [1, 0], sizes = [1, 5000], strides = [1, 1]} : vector<12x5000xf32> to vector<1x5000xf32>
    %slice3A_68 = vector.extract_strided_slice %transpose3A_5 {offsets = [10, 0], sizes = [1, 5000], strides = [1, 1]} : vector<12x5000xf32> to vector<1x5000xf32>
    %slice3A_69 = vector.extract_strided_slice %transpose3A_5 {offsets = [1, 0], sizes = [1, 5000], strides = [1, 1]} : vector<12x5000xf32> to vector<1x5000xf32>
    %slice3A_70 = vector.extract_strided_slice %transpose3A_5 {offsets = [10, 0], sizes = [1, 5000], strides = [1, 1]} : vector<12x5000xf32> to vector<1x5000xf32>
    %concatenate3A_71 = tpu.concatenate %slice3A_55, %slice3A_56, %slice3A_57, %slice3A_58, %slice3A_59, %slice3A_60, %slice3A_61, %slice3A_62, %slice3A_63, %slice3A_64, %slice3A_65, %slice3A_66, %slice3A_67, %slice3A_68, %slice3A_69, %slice3A_70 in 0 : vector<1x5000xf32>, vector<1x5000xf32>, vector<1x5000xf32>, vector<1x5000xf32>, vector<1x5000xf32>, vector<1x5000xf32>, vector<1x5000xf32>, vector<1x5000xf32>, vector<1x5000xf32>, vector<1x5000xf32>, vector<1x5000xf32>, vector<1x5000xf32>, vector<1x5000xf32>, vector<1x5000xf32>, vector<1x5000xf32>, vector<1x5000xf32> -> vector<16x5000xf32>
    %sub3A_72 = arith.subf %concatenate3A_54, %concatenate3A_71 : vector<16x5000xf32>
    %mul3A_73 = arith.mulf %sub3A_72, %sub3A_72 : vector<16x5000xf32>
    %add3A = arith.addf %mul3A, %mul3A_73 : vector<16x5000xf32>
    %slice3A_74 = vector.extract_strided_slice %transpose3A {offsets = [5, 0], sizes = [1, 5000], strides = [1, 1]} : vector<13x5000xf32> to vector<1x5000xf32>
    %slice3A_75 = vector.extract_strided_slice %transpose3A {offsets = [5, 0], sizes = [1, 5000], strides = [1, 1]} : vector<13x5000xf32> to vector<1x5000xf32>
    %slice3A_76 = vector.extract_strided_slice %transpose3A {offsets = [8, 0], sizes = [1, 5000], strides = [1, 1]} : vector<13x5000xf32> to vector<1x5000xf32>
    %slice3A_77 = vector.extract_strided_slice %transpose3A {offsets = [5, 0], sizes = [1, 5000], strides = [1, 1]} : vector<13x5000xf32> to vector<1x5000xf32>
    %slice3A_78 = vector.extract_strided_slice %transpose3A {offsets = [2, 0], sizes = [1, 5000], strides = [1, 1]} : vector<13x5000xf32> to vector<1x5000xf32>
    %slice3A_79 = vector.extract_strided_slice %transpose3A {offsets = [5, 0], sizes = [1, 5000], strides = [1, 1]} : vector<13x5000xf32> to vector<1x5000xf32>
    %slice3A_80 = vector.extract_strided_slice %transpose3A {offsets = [11, 0], sizes = [1, 5000], strides = [1, 1]} : vector<13x5000xf32> to vector<1x5000xf32>
    %slice3A_81 = vector.extract_strided_slice %transpose3A {offsets = [8, 0], sizes = [1, 5000], strides = [1, 1]} : vector<13x5000xf32> to vector<1x5000xf32>
    %slice3A_82 = vector.extract_strided_slice %transpose3A {offsets = [8, 0], sizes = [1, 5000], strides = [1, 1]} : vector<13x5000xf32> to vector<1x5000xf32>
    %slice3A_83 = vector.extract_strided_slice %transpose3A {offsets = [2, 0], sizes = [1, 5000], strides = [1, 1]} : vector<13x5000xf32> to vector<1x5000xf32>
    %slice3A_84 = vector.extract_strided_slice %transpose3A {offsets = [8, 0], sizes = [1, 5000], strides = [1, 1]} : vector<13x5000xf32> to vector<1x5000xf32>
    %slice3A_85 = vector.extract_strided_slice %transpose3A {offsets = [11, 0], sizes = [1, 5000], strides = [1, 1]} : vector<13x5000xf32> to vector<1x5000xf32>
    %slice3A_86 = vector.extract_strided_slice %transpose3A {offsets = [2, 0], sizes = [1, 5000], strides = [1, 1]} : vector<13x5000xf32> to vector<1x5000xf32>
    %slice3A_87 = vector.extract_strided_slice %transpose3A {offsets = [2, 0], sizes = [1, 5000], strides = [1, 1]} : vector<13x5000xf32> to vector<1x5000xf32>
    %slice3A_88 = vector.extract_strided_slice %transpose3A {offsets = [11, 0], sizes = [1, 5000], strides = [1, 1]} : vector<13x5000xf32> to vector<1x5000xf32>
    %slice3A_89 = vector.extract_strided_slice %transpose3A {offsets = [11, 0], sizes = [1, 5000], strides = [1, 1]} : vector<13x5000xf32> to vector<1x5000xf32>
    %concatenate3A_90 = tpu.concatenate %slice3A_74, %slice3A_75, %slice3A_76, %slice3A_77, %slice3A_78, %slice3A_79, %slice3A_80, %slice3A_81, %slice3A_82, %slice3A_83, %slice3A_84, %slice3A_85, %slice3A_86, %slice3A_87, %slice3A_88, %slice3A_89 in 0 : vector<1x5000xf32>, vector<1x5000xf32>, vector<1x5000xf32>, vector<1x5000xf32>, vector<1x5000xf32>, vector<1x5000xf32>, vector<1x5000xf32>, vector<1x5000xf32>, vector<1x5000xf32>, vector<1x5000xf32>, vector<1x5000xf32>, vector<1x5000xf32>, vector<1x5000xf32>, vector<1x5000xf32>, vector<1x5000xf32>, vector<1x5000xf32> -> vector<16x5000xf32>
    %slice3A_91 = vector.extract_strided_slice %transpose3A_5 {offsets = [5, 0], sizes = [1, 5000], strides = [1, 1]} : vector<12x5000xf32> to vector<1x5000xf32>
    %slice3A_92 = vector.extract_strided_slice %transpose3A_5 {offsets = [8, 0], sizes = [1, 5000], strides = [1, 1]} : vector<12x5000xf32> to vector<1x5000xf32>
    %slice3A_93 = vector.extract_strided_slice %transpose3A_5 {offsets = [5, 0], sizes = [1, 5000], strides = [1, 1]} : vector<12x5000xf32> to vector<1x5000xf32>
    %slice3A_94 = vector.extract_strided_slice %transpose3A_5 {offsets = [2, 0], sizes = [1, 5000], strides = [1, 1]} : vector<12x5000xf32> to vector<1x5000xf32>
    %slice3A_95 = vector.extract_strided_slice %transpose3A_5 {offsets = [5, 0], sizes = [1, 5000], strides = [1, 1]} : vector<12x5000xf32> to vector<1x5000xf32>
    %slice3A_96 = vector.extract_strided_slice %transpose3A_5 {offsets = [11, 0], sizes = [1, 5000], strides = [1, 1]} : vector<12x5000xf32> to vector<1x5000xf32>
    %slice3A_97 = vector.extract_strided_slice %transpose3A_5 {offsets = [5, 0], sizes = [1, 5000], strides = [1, 1]} : vector<12x5000xf32> to vector<1x5000xf32>
    %slice3A_98 = vector.extract_strided_slice %transpose3A_5 {offsets = [8, 0], sizes = [1, 5000], strides = [1, 1]} : vector<12x5000xf32> to vector<1x5000xf32>
    %slice3A_99 = vector.extract_strided_slice %transpose3A_5 {offsets = [2, 0], sizes = [1, 5000], strides = [1, 1]} : vector<12x5000xf32> to vector<1x5000xf32>
    %slice3A_100 = vector.extract_strided_slice %transpose3A_5 {offsets = [8, 0], sizes = [1, 5000], strides = [1, 1]} : vector<12x5000xf32> to vector<1x5000xf32>
    %slice3A_101 = vector.extract_strided_slice %transpose3A_5 {offsets = [11, 0], sizes = [1, 5000], strides = [1, 1]} : vector<12x5000xf32> to vector<1x5000xf32>
    %slice3A_102 = vector.extract_strided_slice %transpose3A_5 {offsets = [8, 0], sizes = [1, 5000], strides = [1, 1]} : vector<12x5000xf32> to vector<1x5000xf32>
    %slice3A_103 = vector.extract_strided_slice %transpose3A_5 {offsets = [2, 0], sizes = [1, 5000], strides = [1, 1]} : vector<12x5000xf32> to vector<1x5000xf32>
    %slice3A_104 = vector.extract_strided_slice %transpose3A_5 {offsets = [11, 0], sizes = [1, 5000], strides = [1, 1]} : vector<12x5000xf32> to vector<1x5000xf32>
    %slice3A_105 = vector.extract_strided_slice %transpose3A_5 {offsets = [2, 0], sizes = [1, 5000], strides = [1, 1]} : vector<12x5000xf32> to vector<1x5000xf32>
    %slice3A_106 = vector.extract_strided_slice %transpose3A_5 {offsets = [11, 0], sizes = [1, 5000], strides = [1, 1]} : vector<12x5000xf32> to vector<1x5000xf32>
    %concatenate3A_107 = tpu.concatenate %slice3A_91, %slice3A_92, %slice3A_93, %slice3A_94, %slice3A_95, %slice3A_96, %slice3A_97, %slice3A_98, %slice3A_99, %slice3A_100, %slice3A_101, %slice3A_102, %slice3A_103, %slice3A_104, %slice3A_105, %slice3A_106 in 0 : vector<1x5000xf32>, vector<1x5000xf32>, vector<1x5000xf32>, vector<1x5000xf32>, vector<1x5000xf32>, vector<1x5000xf32>, vector<1x5000xf32>, vector<1x5000xf32>, vector<1x5000xf32>, vector<1x5000xf32>, vector<1x5000xf32>, vector<1x5000xf32>, vector<1x5000xf32>, vector<1x5000xf32>, vector<1x5000xf32>, vector<1x5000xf32> -> vector<16x5000xf32>
    %sub3A_108 = arith.subf %concatenate3A_90, %concatenate3A_107 : vector<16x5000xf32>
    %mul3A_109 = arith.mulf %sub3A_108, %sub3A_108 : vector<16x5000xf32>
    %add3A_110 = arith.addf %add3A, %mul3A_109 : vector<16x5000xf32>
    %add3A_111 = arith.constant 9.99999997E-7 : f32
    %add3A_112 = vector.broadcast %add3A_111 : f32 to vector<16x5000xf32>
    %add3A_113 = arith.addf %add3A_110, %add3A_112 : vector<16x5000xf32>
    %sqrt3A = math.sqrt %add3A_113 : vector<16x5000xf32>
    %slice3A_114 = vector.extract_strided_slice %sqrt3A {offsets = [0, 0], sizes = [1, 5000], strides = [1, 1]} : vector<16x5000xf32> to vector<1x5000xf32>
    %broadcast_in_dim3A = vector.shape_cast %slice3A_114 : vector<1x5000xf32> to vector<1x5000xf32>
    %broadcast_in_dim3A_115 = vector.broadcast %broadcast_in_dim3A : vector<1x5000xf32> to vector<16x5000xf32>
    %slice3A_116 = vector.extract_strided_slice %sqrt3A {offsets = [1, 0], sizes = [1, 5000], strides = [1, 1]} : vector<16x5000xf32> to vector<1x5000xf32>
    %broadcast_in_dim3A_117 = vector.shape_cast %slice3A_116 : vector<1x5000xf32> to vector<1x5000xf32>
    %broadcast_in_dim3A_118 = vector.broadcast %broadcast_in_dim3A_117 : vector<1x5000xf32> to vector<16x5000xf32>
    %slice3A_119 = vector.extract_strided_slice %sqrt3A {offsets = [2, 0], sizes = [1, 5000], strides = [1, 1]} : vector<16x5000xf32> to vector<1x5000xf32>
    %broadcast_in_dim3A_120 = vector.shape_cast %slice3A_119 : vector<1x5000xf32> to vector<1x5000xf32>
    %broadcast_in_dim3A_121 = vector.broadcast %broadcast_in_dim3A_120 : vector<1x5000xf32> to vector<16x5000xf32>
    %slice3A_122 = vector.extract_strided_slice %sqrt3A {offsets = [3, 0], sizes = [1, 5000], strides = [1, 1]} : vector<16x5000xf32> to vector<1x5000xf32>
    %broadcast_in_dim3A_123 = vector.shape_cast %slice3A_122 : vector<1x5000xf32> to vector<1x5000xf32>
    %broadcast_in_dim3A_124 = vector.broadcast %broadcast_in_dim3A_123 : vector<1x5000xf32> to vector<16x5000xf32>
    %slice3A_125 = vector.extract_strided_slice %sqrt3A {offsets = [4, 0], sizes = [1, 5000], strides = [1, 1]} : vector<16x5000xf32> to vector<1x5000xf32>
    %broadcast_in_dim3A_126 = vector.shape_cast %slice3A_125 : vector<1x5000xf32> to vector<1x5000xf32>
    %broadcast_in_dim3A_127 = vector.broadcast %broadcast_in_dim3A_126 : vector<1x5000xf32> to vector<16x5000xf32>
    %slice3A_128 = vector.extract_strided_slice %sqrt3A {offsets = [5, 0], sizes = [1, 5000], strides = [1, 1]} : vector<16x5000xf32> to vector<1x5000xf32>
    %broadcast_in_dim3A_129 = vector.shape_cast %slice3A_128 : vector<1x5000xf32> to vector<1x5000xf32>
    %broadcast_in_dim3A_130 = vector.broadcast %broadcast_in_dim3A_129 : vector<1x5000xf32> to vector<16x5000xf32>
    %slice3A_131 = vector.extract_strided_slice %sqrt3A {offsets = [6, 0], sizes = [1, 5000], strides = [1, 1]} : vector<16x5000xf32> to vector<1x5000xf32>
    %broadcast_in_dim3A_132 = vector.shape_cast %slice3A_131 : vector<1x5000xf32> to vector<1x5000xf32>
    %broadcast_in_dim3A_133 = vector.broadcast %broadcast_in_dim3A_132 : vector<1x5000xf32> to vector<16x5000xf32>
    %slice3A_134 = vector.extract_strided_slice %sqrt3A {offsets = [7, 0], sizes = [1, 5000], strides = [1, 1]} : vector<16x5000xf32> to vector<1x5000xf32>
    %broadcast_in_dim3A_135 = vector.shape_cast %slice3A_134 : vector<1x5000xf32> to vector<1x5000xf32>
    %broadcast_in_dim3A_136 = vector.broadcast %broadcast_in_dim3A_135 : vector<1x5000xf32> to vector<16x5000xf32>
    %slice3A_137 = vector.extract_strided_slice %sqrt3A {offsets = [8, 0], sizes = [1, 5000], strides = [1, 1]} : vector<16x5000xf32> to vector<1x5000xf32>
    %broadcast_in_dim3A_138 = vector.shape_cast %slice3A_137 : vector<1x5000xf32> to vector<1x5000xf32>
    %broadcast_in_dim3A_139 = vector.broadcast %broadcast_in_dim3A_138 : vector<1x5000xf32> to vector<16x5000xf32>
    %slice3A_140 = vector.extract_strided_slice %sqrt3A {offsets = [9, 0], sizes = [1, 5000], strides = [1, 1]} : vector<16x5000xf32> to vector<1x5000xf32>
    %broadcast_in_dim3A_141 = vector.shape_cast %slice3A_140 : vector<1x5000xf32> to vector<1x5000xf32>
    %broadcast_in_dim3A_142 = vector.broadcast %broadcast_in_dim3A_141 : vector<1x5000xf32> to vector<16x5000xf32>
    %slice3A_143 = vector.extract_strided_slice %sqrt3A {offsets = [10, 0], sizes = [1, 5000], strides = [1, 1]} : vector<16x5000xf32> to vector<1x5000xf32>
    %broadcast_in_dim3A_144 = vector.shape_cast %slice3A_143 : vector<1x5000xf32> to vector<1x5000xf32>
    %broadcast_in_dim3A_145 = vector.broadcast %broadcast_in_dim3A_144 : vector<1x5000xf32> to vector<16x5000xf32>
    %slice3A_146 = vector.extract_strided_slice %sqrt3A {offsets = [11, 0], sizes = [1, 5000], strides = [1, 1]} : vector<16x5000xf32> to vector<1x5000xf32>
    %broadcast_in_dim3A_147 = vector.shape_cast %slice3A_146 : vector<1x5000xf32> to vector<1x5000xf32>
    %broadcast_in_dim3A_148 = vector.broadcast %broadcast_in_dim3A_147 : vector<1x5000xf32> to vector<16x5000xf32>
    %slice3A_149 = vector.extract_strided_slice %sqrt3A {offsets = [12, 0], sizes = [1, 5000], strides = [1, 1]} : vector<16x5000xf32> to vector<1x5000xf32>
    %broadcast_in_dim3A_150 = vector.shape_cast %slice3A_149 : vector<1x5000xf32> to vector<1x5000xf32>
    %broadcast_in_dim3A_151 = vector.broadcast %broadcast_in_dim3A_150 : vector<1x5000xf32> to vector<16x5000xf32>
    %slice3A_152 = vector.extract_strided_slice %sqrt3A {offsets = [13, 0], sizes = [1, 5000], strides = [1, 1]} : vector<16x5000xf32> to vector<1x5000xf32>
    %broadcast_in_dim3A_153 = vector.shape_cast %slice3A_152 : vector<1x5000xf32> to vector<1x5000xf32>
    %broadcast_in_dim3A_154 = vector.broadcast %broadcast_in_dim3A_153 : vector<1x5000xf32> to vector<16x5000xf32>
    %slice3A_155 = vector.extract_strided_slice %sqrt3A {offsets = [14, 0], sizes = [1, 5000], strides = [1, 1]} : vector<16x5000xf32> to vector<1x5000xf32>
    %broadcast_in_dim3A_156 = vector.shape_cast %slice3A_155 : vector<1x5000xf32> to vector<1x5000xf32>
    %broadcast_in_dim3A_157 = vector.broadcast %broadcast_in_dim3A_156 : vector<1x5000xf32> to vector<16x5000xf32>
    %slice3A_158 = vector.extract_strided_slice %sqrt3A {offsets = [15, 0], sizes = [1, 5000], strides = [1, 1]} : vector<16x5000xf32> to vector<1x5000xf32>
    %broadcast_in_dim3A_159 = vector.shape_cast %slice3A_158 : vector<1x5000xf32> to vector<1x5000xf32>
    %broadcast_in_dim3A_160 = vector.broadcast %broadcast_in_dim3A_159 : vector<1x5000xf32> to vector<16x5000xf32>
    %concatenate3A_161 = tpu.concatenate %broadcast_in_dim3A_115, %broadcast_in_dim3A_118, %broadcast_in_dim3A_121, %broadcast_in_dim3A_124, %broadcast_in_dim3A_127, %broadcast_in_dim3A_130, %broadcast_in_dim3A_133, %broadcast_in_dim3A_136, %broadcast_in_dim3A_139, %broadcast_in_dim3A_142, %broadcast_in_dim3A_145, %broadcast_in_dim3A_148, %broadcast_in_dim3A_151, %broadcast_in_dim3A_154, %broadcast_in_dim3A_157, %broadcast_in_dim3A_160 in 0 : vector<16x5000xf32>, vector<16x5000xf32>, vector<16x5000xf32>, vector<16x5000xf32>, vector<16x5000xf32>, vector<16x5000xf32>, vector<16x5000xf32>, vector<16x5000xf32>, vector<16x5000xf32>, vector<16x5000xf32>, vector<16x5000xf32>, vector<16x5000xf32>, vector<16x5000xf32>, vector<16x5000xf32>, vector<16x5000xf32>, vector<16x5000xf32> -> vector<256x5000xf32>
    %iota3A = tpu.iota {dimensions = array<i32: 0>} : vector<16x1xi32>
    %convert_element_type3A = arith.sitofp %iota3A : vector<16x1xi32> to vector<16x1xf32>
    %concatenate3A_162 = tpu.concatenate %convert_element_type3A, %convert_element_type3A, %convert_element_type3A, %convert_element_type3A, %convert_element_type3A, %convert_element_type3A, %convert_element_type3A, %convert_element_type3A, %convert_element_type3A, %convert_element_type3A, %convert_element_type3A, %convert_element_type3A, %convert_element_type3A, %convert_element_type3A, %convert_element_type3A, %convert_element_type3A in 0 : vector<16x1xf32>, vector<16x1xf32>, vector<16x1xf32>, vector<16x1xf32>, vector<16x1xf32>, vector<16x1xf32>, vector<16x1xf32>, vector<16x1xf32>, vector<16x1xf32>, vector<16x1xf32>, vector<16x1xf32>, vector<16x1xf32>, vector<16x1xf32>, vector<16x1xf32>, vector<16x1xf32>, vector<16x1xf32> -> vector<256x1xf32>
    %mul3A_163 = arith.constant 1.33333337 : f32
    %mul3A_164 = vector.broadcast %mul3A_163 : f32 to vector<256x1xf32>
    %mul3A_165 = arith.mulf %concatenate3A_162, %mul3A_164 : vector<256x1xf32>
    %sub3A_166 = vector.broadcast %mul3A_165 : vector<256x1xf32> to vector<256x5000xf32>
    %sub3A_167 = arith.subf %concatenate3A_161, %sub3A_166 : vector<256x5000xf32>
    %div3A = arith.constant 1.250000e+00 : f32
    %div3A_168 = vector.broadcast %div3A : f32 to vector<256x5000xf32>
    %div3A_169 = arith.divf %sub3A_167, %div3A_168 : vector<256x5000xf32>
    %mul3A_170 = arith.mulf %div3A_169, %div3A_169 : vector<256x5000xf32>
    %neg3A = arith.constant 0.000000e+00 : f32
    %neg3A_171 = vector.broadcast %neg3A : f32 to vector<256x5000xf32>
    %neg3A_172 = arith.subf %neg3A_171, %mul3A_170 : vector<256x5000xf32>
    %exp3A = math.exp %neg3A_172 : vector<256x5000xf32>
    %slice3A_173 = vector.extract_strided_slice %transpose3A {offsets = [0, 0], sizes = [3, 5000], strides = [1, 1]} : vector<13x5000xf32> to vector<3x5000xf32>
    %slice3A_174 = vector.extract_strided_slice %transpose3A {offsets = [12, 0], sizes = [1, 5000], strides = [1, 1]} : vector<13x5000xf32> to vector<1x5000xf32>
    %slice3A_175 = vector.extract_strided_slice %transpose3A {offsets = [3, 0], sizes = [3, 5000], strides = [1, 1]} : vector<13x5000xf32> to vector<3x5000xf32>
    %sub3A_176 = arith.subf %slice3A_175, %slice3A_173 : vector<3x5000xf32>
    %slice3A_177 = vector.extract_strided_slice %sub3A_176 {offsets = [0, 0], sizes = [1, 5000], strides = [1, 1]} : vector<3x5000xf32> to vector<1x5000xf32>
    %slice3A_178 = vector.extract_strided_slice %sub3A_176 {offsets = [0, 0], sizes = [1, 5000], strides = [1, 1]} : vector<3x5000xf32> to vector<1x5000xf32>
    %mul3A_179 = arith.mulf %slice3A_177, %slice3A_178 : vector<1x5000xf32>
    %slice3A_180 = vector.extract_strided_slice %sub3A_176 {offsets = [1, 0], sizes = [1, 5000], strides = [1, 1]} : vector<3x5000xf32> to vector<1x5000xf32>
    %slice3A_181 = vector.extract_strided_slice %sub3A_176 {offsets = [1, 0], sizes = [1, 5000], strides = [1, 1]} : vector<3x5000xf32> to vector<1x5000xf32>
    %mul3A_182 = arith.mulf %slice3A_180, %slice3A_181 : vector<1x5000xf32>
    %add3A_183 = arith.addf %mul3A_179, %mul3A_182 : vector<1x5000xf32>
    %slice3A_184 = vector.extract_strided_slice %sub3A_176 {offsets = [2, 0], sizes = [1, 5000], strides = [1, 1]} : vector<3x5000xf32> to vector<1x5000xf32>
    %slice3A_185 = vector.extract_strided_slice %sub3A_176 {offsets = [2, 0], sizes = [1, 5000], strides = [1, 1]} : vector<3x5000xf32> to vector<1x5000xf32>
    %mul3A_186 = arith.mulf %slice3A_184, %slice3A_185 : vector<1x5000xf32>
    %add3A_187 = arith.addf %add3A_183, %mul3A_186 : vector<1x5000xf32>
    %sqrt3A_188 = math.sqrt %add3A_187 : vector<1x5000xf32>
    %eq3A = arith.constant 0.000000e+00 : f32
    %eq3A_189 = vector.broadcast %eq3A : f32 to vector<1x5000xf32>
    %eq3A_190 = arith.cmpf oeq, %sqrt3A_188, %eq3A_189 : vector<1x5000xf32>
    %jit3A = arith.constant 1.000000e+00 : f32
    %broadcast_in_dim3A_191 = vector.broadcast %jit3A : f32 to vector<1x5000xf32>
    %select_n3A = arith.select %eq3A_190, %broadcast_in_dim3A_191, %sqrt3A_188 : vector<1x5000xi1>, vector<1x5000xf32>
    %div3A_192 = vector.broadcast %select_n3A : vector<1x5000xf32> to vector<3x5000xf32>
    %div3A_193 = arith.divf %sub3A_176, %div3A_192 : vector<3x5000xf32>
    %slice3A_194 = vector.extract_strided_slice %transpose3A {offsets = [6, 0], sizes = [3, 5000], strides = [1, 1]} : vector<13x5000xf32> to vector<3x5000xf32>
    %slice3A_195 = vector.extract_strided_slice %transpose3A {offsets = [3, 0], sizes = [3, 5000], strides = [1, 1]} : vector<13x5000xf32> to vector<3x5000xf32>
    %sub3A_196 = arith.subf %slice3A_194, %slice3A_195 : vector<3x5000xf32>
    %slice3A_197 = vector.extract_strided_slice %sub3A_196 {offsets = [0, 0], sizes = [1, 5000], strides = [1, 1]} : vector<3x5000xf32> to vector<1x5000xf32>
    %slice3A_198 = vector.extract_strided_slice %sub3A_196 {offsets = [0, 0], sizes = [1, 5000], strides = [1, 1]} : vector<3x5000xf32> to vector<1x5000xf32>
    %mul3A_199 = arith.mulf %slice3A_197, %slice3A_198 : vector<1x5000xf32>
    %slice3A_200 = vector.extract_strided_slice %sub3A_196 {offsets = [1, 0], sizes = [1, 5000], strides = [1, 1]} : vector<3x5000xf32> to vector<1x5000xf32>
    %slice3A_201 = vector.extract_strided_slice %sub3A_196 {offsets = [1, 0], sizes = [1, 5000], strides = [1, 1]} : vector<3x5000xf32> to vector<1x5000xf32>
    %mul3A_202 = arith.mulf %slice3A_200, %slice3A_201 : vector<1x5000xf32>
    %add3A_203 = arith.addf %mul3A_199, %mul3A_202 : vector<1x5000xf32>
    %slice3A_204 = vector.extract_strided_slice %sub3A_196 {offsets = [2, 0], sizes = [1, 5000], strides = [1, 1]} : vector<3x5000xf32> to vector<1x5000xf32>
    %slice3A_205 = vector.extract_strided_slice %sub3A_196 {offsets = [2, 0], sizes = [1, 5000], strides = [1, 1]} : vector<3x5000xf32> to vector<1x5000xf32>
    %mul3A_206 = arith.mulf %slice3A_204, %slice3A_205 : vector<1x5000xf32>
    %add3A_207 = arith.addf %add3A_203, %mul3A_206 : vector<1x5000xf32>
    %sqrt3A_208 = math.sqrt %add3A_207 : vector<1x5000xf32>
    %eq3A_209 = arith.constant 0.000000e+00 : f32
    %eq3A_210 = vector.broadcast %eq3A_209 : f32 to vector<1x5000xf32>
    %eq3A_211 = arith.cmpf oeq, %sqrt3A_208, %eq3A_210 : vector<1x5000xf32>
    %jit3A_212 = arith.constant 1.000000e+00 : f32
    %broadcast_in_dim3A_213 = vector.broadcast %jit3A_212 : f32 to vector<1x5000xf32>
    %select_n3A_214 = arith.select %eq3A_211, %broadcast_in_dim3A_213, %sqrt3A_208 : vector<1x5000xi1>, vector<1x5000xf32>
    %div3A_215 = vector.broadcast %select_n3A_214 : vector<1x5000xf32> to vector<3x5000xf32>
    %div3A_216 = arith.divf %sub3A_196, %div3A_215 : vector<3x5000xf32>
    %slice3A_217 = vector.extract_strided_slice %div3A_193 {offsets = [1, 0], sizes = [1, 5000], strides = [1, 1]} : vector<3x5000xf32> to vector<1x5000xf32>
    %slice3A_218 = vector.extract_strided_slice %div3A_216 {offsets = [2, 0], sizes = [1, 5000], strides = [1, 1]} : vector<3x5000xf32> to vector<1x5000xf32>
    %mul3A_219 = arith.mulf %slice3A_217, %slice3A_218 : vector<1x5000xf32>
    %slice3A_220 = vector.extract_strided_slice %div3A_193 {offsets = [2, 0], sizes = [1, 5000], strides = [1, 1]} : vector<3x5000xf32> to vector<1x5000xf32>
    %slice3A_221 = vector.extract_strided_slice %div3A_216 {offsets = [1, 0], sizes = [1, 5000], strides = [1, 1]} : vector<3x5000xf32> to vector<1x5000xf32>
    %mul3A_222 = arith.mulf %slice3A_220, %slice3A_221 : vector<1x5000xf32>
    %sub3A_223 = arith.subf %mul3A_219, %mul3A_222 : vector<1x5000xf32>
    %slice3A_224 = vector.extract_strided_slice %div3A_193 {offsets = [2, 0], sizes = [1, 5000], strides = [1, 1]} : vector<3x5000xf32> to vector<1x5000xf32>
    %slice3A_225 = vector.extract_strided_slice %div3A_216 {offsets = [0, 0], sizes = [1, 5000], strides = [1, 1]} : vector<3x5000xf32> to vector<1x5000xf32>
    %mul3A_226 = arith.mulf %slice3A_224, %slice3A_225 : vector<1x5000xf32>
    %slice3A_227 = vector.extract_strided_slice %div3A_193 {offsets = [0, 0], sizes = [1, 5000], strides = [1, 1]} : vector<3x5000xf32> to vector<1x5000xf32>
    %slice3A_228 = vector.extract_strided_slice %div3A_216 {offsets = [2, 0], sizes = [1, 5000], strides = [1, 1]} : vector<3x5000xf32> to vector<1x5000xf32>
    %mul3A_229 = arith.mulf %slice3A_227, %slice3A_228 : vector<1x5000xf32>
    %sub3A_230 = arith.subf %mul3A_226, %mul3A_229 : vector<1x5000xf32>
    %slice3A_231 = vector.extract_strided_slice %div3A_193 {offsets = [0, 0], sizes = [1, 5000], strides = [1, 1]} : vector<3x5000xf32> to vector<1x5000xf32>
    %slice3A_232 = vector.extract_strided_slice %div3A_216 {offsets = [1, 0], sizes = [1, 5000], strides = [1, 1]} : vector<3x5000xf32> to vector<1x5000xf32>
    %mul3A_233 = arith.mulf %slice3A_231, %slice3A_232 : vector<1x5000xf32>
    %slice3A_234 = vector.extract_strided_slice %div3A_193 {offsets = [1, 0], sizes = [1, 5000], strides = [1, 1]} : vector<3x5000xf32> to vector<1x5000xf32>
    %slice3A_235 = vector.extract_strided_slice %div3A_216 {offsets = [0, 0], sizes = [1, 5000], strides = [1, 1]} : vector<3x5000xf32> to vector<1x5000xf32>
    %mul3A_236 = arith.mulf %slice3A_234, %slice3A_235 : vector<1x5000xf32>
    %sub3A_237 = arith.subf %mul3A_233, %mul3A_236 : vector<1x5000xf32>
    %concatenate3A_238 = tpu.concatenate %sub3A_223, %sub3A_230, %sub3A_237 in 0 : vector<1x5000xf32>, vector<1x5000xf32>, vector<1x5000xf32> -> vector<3x5000xf32>
    %slice3A_239 = vector.extract_strided_slice %concatenate3A_238 {offsets = [0, 0], sizes = [1, 5000], strides = [1, 1]} : vector<3x5000xf32> to vector<1x5000xf32>
    %slice3A_240 = vector.extract_strided_slice %concatenate3A_238 {offsets = [0, 0], sizes = [1, 5000], strides = [1, 1]} : vector<3x5000xf32> to vector<1x5000xf32>
    %mul3A_241 = arith.mulf %slice3A_239, %slice3A_240 : vector<1x5000xf32>
    %slice3A_242 = vector.extract_strided_slice %concatenate3A_238 {offsets = [1, 0], sizes = [1, 5000], strides = [1, 1]} : vector<3x5000xf32> to vector<1x5000xf32>
    %slice3A_243 = vector.extract_strided_slice %concatenate3A_238 {offsets = [1, 0], sizes = [1, 5000], strides = [1, 1]} : vector<3x5000xf32> to vector<1x5000xf32>
    %mul3A_244 = arith.mulf %slice3A_242, %slice3A_243 : vector<1x5000xf32>
    %add3A_245 = arith.addf %mul3A_241, %mul3A_244 : vector<1x5000xf32>
    %slice3A_246 = vector.extract_strided_slice %concatenate3A_238 {offsets = [2, 0], sizes = [1, 5000], strides = [1, 1]} : vector<3x5000xf32> to vector<1x5000xf32>
    %slice3A_247 = vector.extract_strided_slice %concatenate3A_238 {offsets = [2, 0], sizes = [1, 5000], strides = [1, 1]} : vector<3x5000xf32> to vector<1x5000xf32>
    %mul3A_248 = arith.mulf %slice3A_246, %slice3A_247 : vector<1x5000xf32>
    %add3A_249 = arith.addf %add3A_245, %mul3A_248 : vector<1x5000xf32>
    %sqrt3A_250 = math.sqrt %add3A_249 : vector<1x5000xf32>
    %eq3A_251 = arith.constant 0.000000e+00 : f32
    %eq3A_252 = vector.broadcast %eq3A_251 : f32 to vector<1x5000xf32>
    %eq3A_253 = arith.cmpf oeq, %sqrt3A_250, %eq3A_252 : vector<1x5000xf32>
    %jit3A_254 = arith.constant 1.000000e+00 : f32
    %broadcast_in_dim3A_255 = vector.broadcast %jit3A_254 : f32 to vector<1x5000xf32>
    %select_n3A_256 = arith.select %eq3A_253, %broadcast_in_dim3A_255, %sqrt3A_250 : vector<1x5000xi1>, vector<1x5000xf32>
    %div3A_257 = vector.broadcast %select_n3A_256 : vector<1x5000xf32> to vector<3x5000xf32>
    %div3A_258 = arith.divf %concatenate3A_238, %div3A_257 : vector<3x5000xf32>
    %sub3A_259 = arith.subf %div3A_193, %div3A_216 : vector<3x5000xf32>
    %slice3A_260 = vector.extract_strided_slice %sub3A_259 {offsets = [0, 0], sizes = [1, 5000], strides = [1, 1]} : vector<3x5000xf32> to vector<1x5000xf32>
    %slice3A_261 = vector.extract_strided_slice %sub3A_259 {offsets = [0, 0], sizes = [1, 5000], strides = [1, 1]} : vector<3x5000xf32> to vector<1x5000xf32>
    %mul3A_262 = arith.mulf %slice3A_260, %slice3A_261 : vector<1x5000xf32>
    %slice3A_263 = vector.extract_strided_slice %sub3A_259 {offsets = [1, 0], sizes = [1, 5000], strides = [1, 1]} : vector<3x5000xf32> to vector<1x5000xf32>
    %slice3A_264 = vector.extract_strided_slice %sub3A_259 {offsets = [1, 0], sizes = [1, 5000], strides = [1, 1]} : vector<3x5000xf32> to vector<1x5000xf32>
    %mul3A_265 = arith.mulf %slice3A_263, %slice3A_264 : vector<1x5000xf32>
    %add3A_266 = arith.addf %mul3A_262, %mul3A_265 : vector<1x5000xf32>
    %slice3A_267 = vector.extract_strided_slice %sub3A_259 {offsets = [2, 0], sizes = [1, 5000], strides = [1, 1]} : vector<3x5000xf32> to vector<1x5000xf32>
    %slice3A_268 = vector.extract_strided_slice %sub3A_259 {offsets = [2, 0], sizes = [1, 5000], strides = [1, 1]} : vector<3x5000xf32> to vector<1x5000xf32>
    %mul3A_269 = arith.mulf %slice3A_267, %slice3A_268 : vector<1x5000xf32>
    %add3A_270 = arith.addf %add3A_266, %mul3A_269 : vector<1x5000xf32>
    %sqrt3A_271 = math.sqrt %add3A_270 : vector<1x5000xf32>
    %eq3A_272 = arith.constant 0.000000e+00 : f32
    %eq3A_273 = vector.broadcast %eq3A_272 : f32 to vector<1x5000xf32>
    %eq3A_274 = arith.cmpf oeq, %sqrt3A_271, %eq3A_273 : vector<1x5000xf32>
    %jit3A_275 = arith.constant 1.000000e+00 : f32
    %broadcast_in_dim3A_276 = vector.broadcast %jit3A_275 : f32 to vector<1x5000xf32>
    %select_n3A_277 = arith.select %eq3A_274, %broadcast_in_dim3A_276, %sqrt3A_271 : vector<1x5000xi1>, vector<1x5000xf32>
    %div3A_278 = vector.broadcast %select_n3A_277 : vector<1x5000xf32> to vector<3x5000xf32>
    %div3A_279 = arith.divf %sub3A_259, %div3A_278 : vector<3x5000xf32>
    %slice3A_280 = vector.extract_strided_slice %div3A_279 {offsets = [1, 0], sizes = [1, 5000], strides = [1, 1]} : vector<3x5000xf32> to vector<1x5000xf32>
    %slice3A_281 = vector.extract_strided_slice %div3A_258 {offsets = [2, 0], sizes = [1, 5000], strides = [1, 1]} : vector<3x5000xf32> to vector<1x5000xf32>
    %mul3A_282 = arith.mulf %slice3A_280, %slice3A_281 : vector<1x5000xf32>
    %slice3A_283 = vector.extract_strided_slice %div3A_279 {offsets = [2, 0], sizes = [1, 5000], strides = [1, 1]} : vector<3x5000xf32> to vector<1x5000xf32>
    %slice3A_284 = vector.extract_strided_slice %div3A_258 {offsets = [1, 0], sizes = [1, 5000], strides = [1, 1]} : vector<3x5000xf32> to vector<1x5000xf32>
    %mul3A_285 = arith.mulf %slice3A_283, %slice3A_284 : vector<1x5000xf32>
    %sub3A_286 = arith.subf %mul3A_282, %mul3A_285 : vector<1x5000xf32>
    %slice3A_287 = vector.extract_strided_slice %div3A_279 {offsets = [2, 0], sizes = [1, 5000], strides = [1, 1]} : vector<3x5000xf32> to vector<1x5000xf32>
    %slice3A_288 = vector.extract_strided_slice %div3A_258 {offsets = [0, 0], sizes = [1, 5000], strides = [1, 1]} : vector<3x5000xf32> to vector<1x5000xf32>
    %mul3A_289 = arith.mulf %slice3A_287, %slice3A_288 : vector<1x5000xf32>
    %slice3A_290 = vector.extract_strided_slice %div3A_279 {offsets = [0, 0], sizes = [1, 5000], strides = [1, 1]} : vector<3x5000xf32> to vector<1x5000xf32>
    %slice3A_291 = vector.extract_strided_slice %div3A_258 {offsets = [2, 0], sizes = [1, 5000], strides = [1, 1]} : vector<3x5000xf32> to vector<1x5000xf32>
    %mul3A_292 = arith.mulf %slice3A_290, %slice3A_291 : vector<1x5000xf32>
    %sub3A_293 = arith.subf %mul3A_289, %mul3A_292 : vector<1x5000xf32>
    %slice3A_294 = vector.extract_strided_slice %div3A_279 {offsets = [0, 0], sizes = [1, 5000], strides = [1, 1]} : vector<3x5000xf32> to vector<1x5000xf32>
    %slice3A_295 = vector.extract_strided_slice %div3A_258 {offsets = [1, 0], sizes = [1, 5000], strides = [1, 1]} : vector<3x5000xf32> to vector<1x5000xf32>
    %mul3A_296 = arith.mulf %slice3A_294, %slice3A_295 : vector<1x5000xf32>
    %slice3A_297 = vector.extract_strided_slice %div3A_279 {offsets = [1, 0], sizes = [1, 5000], strides = [1, 1]} : vector<3x5000xf32> to vector<1x5000xf32>
    %slice3A_298 = vector.extract_strided_slice %div3A_258 {offsets = [0, 0], sizes = [1, 5000], strides = [1, 1]} : vector<3x5000xf32> to vector<1x5000xf32>
    %mul3A_299 = arith.mulf %slice3A_297, %slice3A_298 : vector<1x5000xf32>
    %sub3A_300 = arith.subf %mul3A_296, %mul3A_299 : vector<1x5000xf32>
    %concatenate3A_301 = tpu.concatenate %sub3A_286, %sub3A_293, %sub3A_300 in 0 : vector<1x5000xf32>, vector<1x5000xf32>, vector<1x5000xf32> -> vector<3x5000xf32>
    %slice3A_302 = vector.extract_strided_slice %transpose3A_5 {offsets = [3, 0], sizes = [3, 5000], strides = [1, 1]} : vector<12x5000xf32> to vector<3x5000xf32>
    %sub3A_303 = arith.subf %slice3A_302, %slice3A_173 : vector<3x5000xf32>
    %slice3A_304 = vector.extract_strided_slice %sub3A_303 {offsets = [0, 0], sizes = [1, 5000], strides = [1, 1]} : vector<3x5000xf32> to vector<1x5000xf32>
    %mul3A_305 = vector.broadcast %slice3A_304 : vector<1x5000xf32> to vector<3x5000xf32>
    %mul3A_306 = arith.mulf %div3A_279, %mul3A_305 : vector<3x5000xf32>
    %slice3A_307 = vector.extract_strided_slice %sub3A_303 {offsets = [1, 0], sizes = [1, 5000], strides = [1, 1]} : vector<3x5000xf32> to vector<1x5000xf32>
    %mul3A_308 = vector.broadcast %slice3A_307 : vector<1x5000xf32> to vector<3x5000xf32>
    %mul3A_309 = arith.mulf %div3A_258, %mul3A_308 : vector<3x5000xf32>
    %add3A_310 = arith.addf %mul3A_306, %mul3A_309 : vector<3x5000xf32>
    %slice3A_311 = vector.extract_strided_slice %sub3A_303 {offsets = [2, 0], sizes = [1, 5000], strides = [1, 1]} : vector<3x5000xf32> to vector<1x5000xf32>
    %mul3A_312 = vector.broadcast %slice3A_311 : vector<1x5000xf32> to vector<3x5000xf32>
    %mul3A_313 = arith.mulf %concatenate3A_301, %mul3A_312 : vector<3x5000xf32>
    %add3A_314 = arith.addf %add3A_310, %mul3A_313 : vector<3x5000xf32>
    %mul3A_315 = vector.broadcast %slice3A_174 : vector<1x5000xf32> to vector<3x5000xf32>
    %mul3A_316 = arith.mulf %add3A_314, %mul3A_315 : vector<3x5000xf32>
    %slice3A_317 = vector.extract_strided_slice %mul3A_316 {offsets = [0, 0], sizes = [1, 5000], strides = [1, 1]} : vector<3x5000xf32> to vector<1x5000xf32>
    %slice3A_318 = vector.extract_strided_slice %mul3A_316 {offsets = [0, 0], sizes = [1, 5000], strides = [1, 1]} : vector<3x5000xf32> to vector<1x5000xf32>
    %mul3A_319 = arith.mulf %slice3A_317, %slice3A_318 : vector<1x5000xf32>
    %slice3A_320 = vector.extract_strided_slice %mul3A_316 {offsets = [1, 0], sizes = [1, 5000], strides = [1, 1]} : vector<3x5000xf32> to vector<1x5000xf32>
    %slice3A_321 = vector.extract_strided_slice %mul3A_316 {offsets = [1, 0], sizes = [1, 5000], strides = [1, 1]} : vector<3x5000xf32> to vector<1x5000xf32>
    %mul3A_322 = arith.mulf %slice3A_320, %slice3A_321 : vector<1x5000xf32>
    %add3A_323 = arith.addf %mul3A_319, %mul3A_322 : vector<1x5000xf32>
    %slice3A_324 = vector.extract_strided_slice %mul3A_316 {offsets = [2, 0], sizes = [1, 5000], strides = [1, 1]} : vector<3x5000xf32> to vector<1x5000xf32>
    %slice3A_325 = vector.extract_strided_slice %mul3A_316 {offsets = [2, 0], sizes = [1, 5000], strides = [1, 1]} : vector<3x5000xf32> to vector<1x5000xf32>
    %mul3A_326 = arith.mulf %slice3A_324, %slice3A_325 : vector<1x5000xf32>
    %add3A_327 = arith.addf %add3A_323, %mul3A_326 : vector<1x5000xf32>
    %sqrt3A_328 = math.sqrt %add3A_327 : vector<1x5000xf32>
    %eq3A_329 = arith.constant 0.000000e+00 : f32
    %eq3A_330 = vector.broadcast %eq3A_329 : f32 to vector<1x5000xf32>
    %eq3A_331 = arith.cmpf oeq, %sqrt3A_328, %eq3A_330 : vector<1x5000xf32>
    %jit3A_332 = arith.constant 1.000000e+00 : f32
    %broadcast_in_dim3A_333 = vector.broadcast %jit3A_332 : f32 to vector<1x5000xf32>
    %select_n3A_334 = arith.select %eq3A_331, %broadcast_in_dim3A_333, %sqrt3A_328 : vector<1x5000xi1>, vector<1x5000xf32>
    %div3A_335 = vector.broadcast %select_n3A_334 : vector<1x5000xf32> to vector<3x5000xf32>
    %div3A_336 = arith.divf %mul3A_316, %div3A_335 : vector<3x5000xf32>
    %slice3A_337 = vector.extract_strided_slice %transpose3A_5 {offsets = [0, 0], sizes = [3, 5000], strides = [1, 1]} : vector<12x5000xf32> to vector<3x5000xf32>
    %sub3A_338 = arith.subf %slice3A_337, %slice3A_173 : vector<3x5000xf32>
    %slice3A_339 = vector.extract_strided_slice %sub3A_338 {offsets = [0, 0], sizes = [1, 5000], strides = [1, 1]} : vector<3x5000xf32> to vector<1x5000xf32>
    %mul3A_340 = vector.broadcast %slice3A_339 : vector<1x5000xf32> to vector<3x5000xf32>
    %mul3A_341 = arith.mulf %div3A_279, %mul3A_340 : vector<3x5000xf32>
    %slice3A_342 = vector.extract_strided_slice %sub3A_338 {offsets = [1, 0], sizes = [1, 5000], strides = [1, 1]} : vector<3x5000xf32> to vector<1x5000xf32>
    %mul3A_343 = vector.broadcast %slice3A_342 : vector<1x5000xf32> to vector<3x5000xf32>
    %mul3A_344 = arith.mulf %div3A_258, %mul3A_343 : vector<3x5000xf32>
    %add3A_345 = arith.addf %mul3A_341, %mul3A_344 : vector<3x5000xf32>
    %slice3A_346 = vector.extract_strided_slice %sub3A_338 {offsets = [2, 0], sizes = [1, 5000], strides = [1, 1]} : vector<3x5000xf32> to vector<1x5000xf32>
    %mul3A_347 = vector.broadcast %slice3A_346 : vector<1x5000xf32> to vector<3x5000xf32>
    %mul3A_348 = arith.mulf %concatenate3A_301, %mul3A_347 : vector<3x5000xf32>
    %add3A_349 = arith.addf %add3A_345, %mul3A_348 : vector<3x5000xf32>
    %mul3A_350 = vector.broadcast %slice3A_174 : vector<1x5000xf32> to vector<3x5000xf32>
    %mul3A_351 = arith.mulf %add3A_349, %mul3A_350 : vector<3x5000xf32>
    %slice3A_352 = vector.extract_strided_slice %mul3A_351 {offsets = [0, 0], sizes = [1, 5000], strides = [1, 1]} : vector<3x5000xf32> to vector<1x5000xf32>
    %slice3A_353 = vector.extract_strided_slice %mul3A_351 {offsets = [0, 0], sizes = [1, 5000], strides = [1, 1]} : vector<3x5000xf32> to vector<1x5000xf32>
    %mul3A_354 = arith.mulf %slice3A_352, %slice3A_353 : vector<1x5000xf32>
    %slice3A_355 = vector.extract_strided_slice %mul3A_351 {offsets = [1, 0], sizes = [1, 5000], strides = [1, 1]} : vector<3x5000xf32> to vector<1x5000xf32>
    %slice3A_356 = vector.extract_strided_slice %mul3A_351 {offsets = [1, 0], sizes = [1, 5000], strides = [1, 1]} : vector<3x5000xf32> to vector<1x5000xf32>
    %mul3A_357 = arith.mulf %slice3A_355, %slice3A_356 : vector<1x5000xf32>
    %add3A_358 = arith.addf %mul3A_354, %mul3A_357 : vector<1x5000xf32>
    %slice3A_359 = vector.extract_strided_slice %mul3A_351 {offsets = [2, 0], sizes = [1, 5000], strides = [1, 1]} : vector<3x5000xf32> to vector<1x5000xf32>
    %slice3A_360 = vector.extract_strided_slice %mul3A_351 {offsets = [2, 0], sizes = [1, 5000], strides = [1, 1]} : vector<3x5000xf32> to vector<1x5000xf32>
    %mul3A_361 = arith.mulf %slice3A_359, %slice3A_360 : vector<1x5000xf32>
    %add3A_362 = arith.addf %add3A_358, %mul3A_361 : vector<1x5000xf32>
    %sqrt3A_363 = math.sqrt %add3A_362 : vector<1x5000xf32>
    %eq3A_364 = arith.constant 0.000000e+00 : f32
    %eq3A_365 = vector.broadcast %eq3A_364 : f32 to vector<1x5000xf32>
    %eq3A_366 = arith.cmpf oeq, %sqrt3A_363, %eq3A_365 : vector<1x5000xf32>
    %jit3A_367 = arith.constant 1.000000e+00 : f32
    %broadcast_in_dim3A_368 = vector.broadcast %jit3A_367 : f32 to vector<1x5000xf32>
    %select_n3A_369 = arith.select %eq3A_366, %broadcast_in_dim3A_368, %sqrt3A_363 : vector<1x5000xi1>, vector<1x5000xf32>
    %div3A_370 = vector.broadcast %select_n3A_369 : vector<1x5000xf32> to vector<3x5000xf32>
    %div3A_371 = arith.divf %mul3A_351, %div3A_370 : vector<3x5000xf32>
    %slice3A_372 = vector.extract_strided_slice %transpose3A_5 {offsets = [6, 0], sizes = [3, 5000], strides = [1, 1]} : vector<12x5000xf32> to vector<3x5000xf32>
    %sub3A_373 = arith.subf %slice3A_372, %slice3A_173 : vector<3x5000xf32>
    %slice3A_374 = vector.extract_strided_slice %sub3A_373 {offsets = [0, 0], sizes = [1, 5000], strides = [1, 1]} : vector<3x5000xf32> to vector<1x5000xf32>
    %mul3A_375 = vector.broadcast %slice3A_374 : vector<1x5000xf32> to vector<3x5000xf32>
    %mul3A_376 = arith.mulf %div3A_279, %mul3A_375 : vector<3x5000xf32>
    %slice3A_377 = vector.extract_strided_slice %sub3A_373 {offsets = [1, 0], sizes = [1, 5000], strides = [1, 1]} : vector<3x5000xf32> to vector<1x5000xf32>
    %mul3A_378 = vector.broadcast %slice3A_377 : vector<1x5000xf32> to vector<3x5000xf32>
    %mul3A_379 = arith.mulf %div3A_258, %mul3A_378 : vector<3x5000xf32>
    %add3A_380 = arith.addf %mul3A_376, %mul3A_379 : vector<3x5000xf32>
    %slice3A_381 = vector.extract_strided_slice %sub3A_373 {offsets = [2, 0], sizes = [1, 5000], strides = [1, 1]} : vector<3x5000xf32> to vector<1x5000xf32>
    %mul3A_382 = vector.broadcast %slice3A_381 : vector<1x5000xf32> to vector<3x5000xf32>
    %mul3A_383 = arith.mulf %concatenate3A_301, %mul3A_382 : vector<3x5000xf32>
    %add3A_384 = arith.addf %add3A_380, %mul3A_383 : vector<3x5000xf32>
    %mul3A_385 = vector.broadcast %slice3A_174 : vector<1x5000xf32> to vector<3x5000xf32>
    %mul3A_386 = arith.mulf %add3A_384, %mul3A_385 : vector<3x5000xf32>
    %slice3A_387 = vector.extract_strided_slice %mul3A_386 {offsets = [0, 0], sizes = [1, 5000], strides = [1, 1]} : vector<3x5000xf32> to vector<1x5000xf32>
    %slice3A_388 = vector.extract_strided_slice %mul3A_386 {offsets = [0, 0], sizes = [1, 5000], strides = [1, 1]} : vector<3x5000xf32> to vector<1x5000xf32>
    %mul3A_389 = arith.mulf %slice3A_387, %slice3A_388 : vector<1x5000xf32>
    %slice3A_390 = vector.extract_strided_slice %mul3A_386 {offsets = [1, 0], sizes = [1, 5000], strides = [1, 1]} : vector<3x5000xf32> to vector<1x5000xf32>
    %slice3A_391 = vector.extract_strided_slice %mul3A_386 {offsets = [1, 0], sizes = [1, 5000], strides = [1, 1]} : vector<3x5000xf32> to vector<1x5000xf32>
    %mul3A_392 = arith.mulf %slice3A_390, %slice3A_391 : vector<1x5000xf32>
    %add3A_393 = arith.addf %mul3A_389, %mul3A_392 : vector<1x5000xf32>
    %slice3A_394 = vector.extract_strided_slice %mul3A_386 {offsets = [2, 0], sizes = [1, 5000], strides = [1, 1]} : vector<3x5000xf32> to vector<1x5000xf32>
    %slice3A_395 = vector.extract_strided_slice %mul3A_386 {offsets = [2, 0], sizes = [1, 5000], strides = [1, 1]} : vector<3x5000xf32> to vector<1x5000xf32>
    %mul3A_396 = arith.mulf %slice3A_394, %slice3A_395 : vector<1x5000xf32>
    %add3A_397 = arith.addf %add3A_393, %mul3A_396 : vector<1x5000xf32>
    %sqrt3A_398 = math.sqrt %add3A_397 : vector<1x5000xf32>
    %eq3A_399 = arith.constant 0.000000e+00 : f32
    %eq3A_400 = vector.broadcast %eq3A_399 : f32 to vector<1x5000xf32>
    %eq3A_401 = arith.cmpf oeq, %sqrt3A_398, %eq3A_400 : vector<1x5000xf32>
    %jit3A_402 = arith.constant 1.000000e+00 : f32
    %broadcast_in_dim3A_403 = vector.broadcast %jit3A_402 : f32 to vector<1x5000xf32>
    %select_n3A_404 = arith.select %eq3A_401, %broadcast_in_dim3A_403, %sqrt3A_398 : vector<1x5000xi1>, vector<1x5000xf32>
    %div3A_405 = vector.broadcast %select_n3A_404 : vector<1x5000xf32> to vector<3x5000xf32>
    %div3A_406 = arith.divf %mul3A_386, %div3A_405 : vector<3x5000xf32>
    %slice3A_407 = vector.extract_strided_slice %transpose3A_5 {offsets = [9, 0], sizes = [3, 5000], strides = [1, 1]} : vector<12x5000xf32> to vector<3x5000xf32>
    %sub3A_408 = arith.subf %slice3A_407, %slice3A_173 : vector<3x5000xf32>
    %slice3A_409 = vector.extract_strided_slice %sub3A_408 {offsets = [0, 0], sizes = [1, 5000], strides = [1, 1]} : vector<3x5000xf32> to vector<1x5000xf32>
    %mul3A_410 = vector.broadcast %slice3A_409 : vector<1x5000xf32> to vector<3x5000xf32>
    %mul3A_411 = arith.mulf %div3A_279, %mul3A_410 : vector<3x5000xf32>
    %slice3A_412 = vector.extract_strided_slice %sub3A_408 {offsets = [1, 0], sizes = [1, 5000], strides = [1, 1]} : vector<3x5000xf32> to vector<1x5000xf32>
    %mul3A_413 = vector.broadcast %slice3A_412 : vector<1x5000xf32> to vector<3x5000xf32>
    %mul3A_414 = arith.mulf %div3A_258, %mul3A_413 : vector<3x5000xf32>
    %add3A_415 = arith.addf %mul3A_411, %mul3A_414 : vector<3x5000xf32>
    %slice3A_416 = vector.extract_strided_slice %sub3A_408 {offsets = [2, 0], sizes = [1, 5000], strides = [1, 1]} : vector<3x5000xf32> to vector<1x5000xf32>
    %mul3A_417 = vector.broadcast %slice3A_416 : vector<1x5000xf32> to vector<3x5000xf32>
    %mul3A_418 = arith.mulf %concatenate3A_301, %mul3A_417 : vector<3x5000xf32>
    %add3A_419 = arith.addf %add3A_415, %mul3A_418 : vector<3x5000xf32>
    %mul3A_420 = vector.broadcast %slice3A_174 : vector<1x5000xf32> to vector<3x5000xf32>
    %mul3A_421 = arith.mulf %add3A_419, %mul3A_420 : vector<3x5000xf32>
    %slice3A_422 = vector.extract_strided_slice %mul3A_421 {offsets = [0, 0], sizes = [1, 5000], strides = [1, 1]} : vector<3x5000xf32> to vector<1x5000xf32>
    %slice3A_423 = vector.extract_strided_slice %mul3A_421 {offsets = [0, 0], sizes = [1, 5000], strides = [1, 1]} : vector<3x5000xf32> to vector<1x5000xf32>
    %mul3A_424 = arith.mulf %slice3A_422, %slice3A_423 : vector<1x5000xf32>
    %slice3A_425 = vector.extract_strided_slice %mul3A_421 {offsets = [1, 0], sizes = [1, 5000], strides = [1, 1]} : vector<3x5000xf32> to vector<1x5000xf32>
    %slice3A_426 = vector.extract_strided_slice %mul3A_421 {offsets = [1, 0], sizes = [1, 5000], strides = [1, 1]} : vector<3x5000xf32> to vector<1x5000xf32>
    %mul3A_427 = arith.mulf %slice3A_425, %slice3A_426 : vector<1x5000xf32>
    %add3A_428 = arith.addf %mul3A_424, %mul3A_427 : vector<1x5000xf32>
    %slice3A_429 = vector.extract_strided_slice %mul3A_421 {offsets = [2, 0], sizes = [1, 5000], strides = [1, 1]} : vector<3x5000xf32> to vector<1x5000xf32>
    %slice3A_430 = vector.extract_strided_slice %mul3A_421 {offsets = [2, 0], sizes = [1, 5000], strides = [1, 1]} : vector<3x5000xf32> to vector<1x5000xf32>
    %mul3A_431 = arith.mulf %slice3A_429, %slice3A_430 : vector<1x5000xf32>
    %add3A_432 = arith.addf %add3A_428, %mul3A_431 : vector<1x5000xf32>
    %sqrt3A_433 = math.sqrt %add3A_432 : vector<1x5000xf32>
    %eq3A_434 = arith.constant 0.000000e+00 : f32
    %eq3A_435 = vector.broadcast %eq3A_434 : f32 to vector<1x5000xf32>
    %eq3A_436 = arith.cmpf oeq, %sqrt3A_433, %eq3A_435 : vector<1x5000xf32>
    %jit3A_437 = arith.constant 1.000000e+00 : f32
    %broadcast_in_dim3A_438 = vector.broadcast %jit3A_437 : f32 to vector<1x5000xf32>
    %select_n3A_439 = arith.select %eq3A_436, %broadcast_in_dim3A_438, %sqrt3A_433 : vector<1x5000xi1>, vector<1x5000xf32>
    %div3A_440 = vector.broadcast %select_n3A_439 : vector<1x5000xf32> to vector<3x5000xf32>
    %div3A_441 = arith.divf %mul3A_421, %div3A_440 : vector<3x5000xf32>
    %concatenate3A_442 = tpu.concatenate %exp3A, %div3A_336, %div3A_371, %div3A_406, %div3A_441 in 0 : vector<256x5000xf32>, vector<3x5000xf32>, vector<3x5000xf32>, vector<3x5000xf32>, vector<3x5000xf32> -> vector<268x5000xf32>
    %convert_element_type3A_443 = arith.truncf %concatenate3A_442 : vector<268x5000xf32> to vector<268x5000xbf16>
    %get3A_444 = arith.constant 0 : index
    %get3A_445 = arith.constant 0 : index
    %get3A_446 = vector.load %arg3[%get3A_444, %get3A_445] : memref<268x256xbf16, #tpu.memory_space<vmem>>, vector<268x256xbf16>
    %dot_general3A = arith.constant dense<0.000000e+00> : vector<5000x256xf32>
    %dot_general3A_447 = tpu.matmul %convert_element_type3A_443, %get3A_446, %dot_general3A {dimension_numbers = #tpu.dot_dimension_numbers<[0], [0], [1], [1], [0, 1, 1, 1], [], []>, transpose_lhs_hint = false} : vector<268x5000xbf16>, vector<268x256xbf16>, vector<5000x256xf32> -> vector<5000x256xf32>
    %get3A_448 = arith.constant 0 : index
    %get3A_449 = arith.constant 0 : index
    %get3A_450 = vector.load %arg4[%get3A_448, %get3A_449] : memref<1x256xf32, #tpu.memory_space<vmem>>, vector<1x256xf32>
    %add3A_451 = vector.broadcast %get3A_450 : vector<1x256xf32> to vector<5000x256xf32>
    %add3A_452 = arith.addf %dot_general3A_447, %add3A_451 : vector<5000x256xf32>
    %get3A_453 = arith.constant 0 : index
    %get3A_454 = arith.constant 0 : index
    %get3A_455 = vector.load %arg5[%get3A_453, %get3A_454] : memref<1x256xf32, #tpu.memory_space<vmem>>, vector<1x256xf32>
    %get3A_456 = arith.constant 0 : index
    %get3A_457 = arith.constant 0 : index
    %get3A_458 = vector.load %arg6[%get3A_456, %get3A_457] : memref<1x256xf32, #tpu.memory_space<vmem>>, vector<1x256xf32>
    %reduce_sum3A = arith.constant dense<0.000000e+00> : vector<5000xf32>
    %reduce_sum3A_459 = vector.multi_reduction <add>, %add3A_452, %reduce_sum3A [1] : vector<5000x256xf32> to vector<5000xf32>
    %broadcast_in_dim3A_460 = vector.shape_cast %reduce_sum3A_459 : vector<5000xf32> to vector<5000x1xf32>
    %div3A_461 = arith.constant 2.560000e+02 : f32
    %div3A_462 = vector.broadcast %div3A_461 : f32 to vector<5000x1xf32>
    %div3A_463 = arith.divf %broadcast_in_dim3A_460, %div3A_462 : vector<5000x1xf32>
    %sub3A_464 = vector.broadcast %div3A_463 : vector<5000x1xf32> to vector<5000x256xf32>
    %sub3A_465 = arith.subf %add3A_452, %sub3A_464 : vector<5000x256xf32>
    %mul3A_466 = arith.mulf %sub3A_465, %sub3A_465 : vector<5000x256xf32>
    %reduce_sum3A_467 = arith.constant dense<0.000000e+00> : vector<5000xf32>
    %reduce_sum3A_468 = vector.multi_reduction <add>, %mul3A_466, %reduce_sum3A_467 [1] : vector<5000x256xf32> to vector<5000xf32>
    %broadcast_in_dim3A_469 = vector.shape_cast %reduce_sum3A_468 : vector<5000xf32> to vector<5000x1xf32>
    %mul3A_470 = arith.constant 0.00392156886 : f32
    %mul3A_471 = vector.broadcast %mul3A_470 : f32 to vector<5000x1xf32>
    %mul3A_472 = arith.mulf %broadcast_in_dim3A_469, %mul3A_471 : vector<5000x1xf32>
    %add3A_473 = arith.constant 9.99999997E-7 : f32
    %add3A_474 = vector.broadcast %add3A_473 : f32 to vector<5000x1xf32>
    %add3A_475 = arith.addf %mul3A_472, %add3A_474 : vector<5000x1xf32>
    %sqrt3A_476 = math.sqrt %add3A_475 : vector<5000x1xf32>
    %add3A_477 = arith.constant 9.99999997E-7 : f32
    %add3A_478 = vector.broadcast %add3A_477 : f32 to vector<5000x1xf32>
    %add3A_479 = arith.addf %sqrt3A_476, %add3A_478 : vector<5000x1xf32>
    %div3A_480 = arith.constant 1.000000e+00 : f32
    %div3A_481 = vector.broadcast %div3A_480 : f32 to vector<5000x1xf32>
    %div3A_482 = arith.divf %div3A_481, %add3A_479 : vector<5000x1xf32>
    %mul3A_483 = vector.broadcast %get3A_455 : vector<1x256xf32> to vector<5000x256xf32>
    %mul3A_484 = vector.broadcast %div3A_482 : vector<5000x1xf32> to vector<5000x256xf32>
    %mul3A_485 = arith.mulf %mul3A_483, %mul3A_484 : vector<5000x256xf32>
    %mul3A_486 = arith.mulf %sub3A_465, %mul3A_485 : vector<5000x256xf32>
    %add3A_487 = vector.broadcast %get3A_458 : vector<1x256xf32> to vector<5000x256xf32>
    %add3A_488 = arith.addf %mul3A_486, %add3A_487 : vector<5000x256xf32>
    %swap3A = arith.constant 0 : index
    %swap3A_489 = arith.constant 0 : index
    %swap3A_490 = vector.load %arg7[%swap3A, %swap3A_489] : memref<5000x256xf32, #tpu.memory_space<vmem>>, vector<5000x256xf32>
    tpu.vector_store %arg7[%swap3A, %swap3A_489], %add3A_488 {strides = array<i32>} : memref<5000x256xf32, #tpu.memory_space<vmem>>, vector<5000x256xf32>,
    return
  }
  func.func @transform_0(%arg0: i32) -> (i32, i32) {
    %add3A = arith.constant 0 : i32
    %add3A_0 = arith.addi %arg0, %add3A : i32
    %c0_i32 = arith.constant 0 : i32
    %c0_i32_1 = arith.constant 0 : i32
    return %add3A_0, %c0_i32 : i32, i32
  }
  func.func @transform_1(%arg0: i32) -> (i32, i32) {
    %add3A = arith.constant 32 : i32
    %add3A_0 = arith.addi %arg0, %add3A : i32
    %c0_i32 = arith.constant 0 : i32
    %c0_i32_1 = arith.constant 0 : i32
    return %add3A_0, %c0_i32 : i32, i32
  }
  func.func @transform_2(%arg0: i32) -> (i32, i32) {
    %c0_i32 = arith.constant 0 : i32
    %c0_i32_0 = arith.constant 0 : i32
    %c0_i32_1 = arith.constant 0 : i32
    return %c0_i32, %c0_i32_0 : i32, i32
  }
  func.func @transform_3(%arg0: i32) -> (i32, i32) {
    %c0_i32 = arith.constant 0 : i32
    %c0_i32_0 = arith.constant 0 : i32
    %c0_i32_1 = arith.constant 0 : i32
    return %c0_i32, %c0_i32_0 : i32, i32
  }
  func.func @transform_4(%arg0: i32) -> (i32, i32) {
    %c0_i32 = arith.constant 0 : i32
    %c0_i32_0 = arith.constant 0 : i32
    %c0_i32_1 = arith.constant 0 : i32
    return %c0_i32, %c0_i32_0 : i32, i32
  }
  func.func @transform_5(%arg0: i32) -> (i32, i32) {
    %c0_i32 = arith.constant 0 : i32
    %c0_i32_0 = arith.constant 0 : i32
    %c0_i32_1 = arith.constant 0 : i32
    return %c0_i32, %c0_i32_0 : i32, i32
  }
  func.func @transform_6(%arg0: i32) -> (i32, i32) {
    %c0_i32 = arith.constant 0 : i32
    %c0_i32_0 = arith.constant 0 : i32
    return %arg0, %c0_i32 : i32, i32
  }
}

module attributes {stable_mosaic.version = 14 : i64} {
  func.func @_edge_body(%arg0: i32, %arg1: memref<5000x16xf32, #tpu.memory_space<vmem>>, %arg2: memref<5000x16xf32, #tpu.memory_space<vmem>>, %arg3: memref<268x256xbf16, #tpu.memory_space<vmem>>, %arg4: memref<1x256xf32, #tpu.memory_space<vmem>>, %arg5: memref<1x256xf32, #tpu.memory_space<vmem>>, %arg6: memref<1x256xf32, #tpu.memory_space<vmem>>, %arg7: memref<5000x256xf32, #tpu.memory_space<vmem>>) attributes {dimension_semantics = [#tpu.dimension_semantics<arbitrary>], iteration_bounds = array<i64: 32>, scalar_prefetch = 0 : i64, scratch_operands = 0 : i64, tpu.core_type = #tpu.core_type<tc>, window_params = [{transform_indices = @transform_0, window_bounds = array<i64: 5000, 16>}, {transform_indices = @transform_1, window_bounds = array<i64: 5000, 16>}, {pipeline_mode = #tpu.pipeline_mode<synchronous>, transform_indices = @transform_2, window_bounds = array<i64: 268, 256>}, {pipeline_mode = #tpu.pipeline_mode<synchronous>, transform_indices = @transform_3, window_bounds = array<i64: 1, 256>}, {pipeline_mode = #tpu.pipeline_mode<synchronous>, transform_indices = @transform_4, window_bounds = array<i64: 1, 256>}, {pipeline_mode = #tpu.pipeline_mode<synchronous>, transform_indices = @transform_5, window_bounds = array<i64: 1, 256>}, {transform_indices = @transform_6, window_bounds = array<i64: 5000, 256>}]} {
    %get3A = arith.constant 0 : index
    %get3A_0 = arith.constant 0 : index
    %get3A_1 = vector.load %arg1[%get3A, %get3A_0] : memref<5000x16xf32, #tpu.memory_space<vmem>>, vector<5000x13xf32>
    %transpose3A = tpu.transpose %get3A_1, [1, 0] : vector<5000x13xf32> -> vector<13x5000xf32>
    %get3A_2 = arith.constant 0 : index
    %get3A_3 = arith.constant 0 : index
    %get3A_4 = vector.load %arg2[%get3A_2, %get3A_3] : memref<5000x16xf32, #tpu.memory_space<vmem>>, vector<5000x12xf32>
    %transpose3A_5 = tpu.transpose %get3A_4, [1, 0] : vector<5000x12xf32> -> vector<12x5000xf32>
    %slice3A = vector.extract_strided_slice %transpose3A {offsets = [3, 0], sizes = [1, 5000], strides = [1, 1]} : vector<13x5000xf32> to vector<1x5000xf32>
    %slice3A_6 = vector.extract_strided_slice %transpose3A {offsets = [3, 0], sizes = [1, 5000], strides = [1, 1]} : vector<13x5000xf32> to vector<1x5000xf32>
    %slice3A_7 = vector.extract_strided_slice %transpose3A {offsets = [6, 0], sizes = [1, 5000], strides = [1, 1]} : vector<13x5000xf32> to vector<1x5000xf32>
    %slice3A_8 = vector.extract_strided_slice %transpose3A {offsets = [3, 0], sizes = [1, 5000], strides = [1, 1]} : vector<13x5000xf32> to vector<1x5000xf32>
    %slice3A_9 = vector.extract_strided_slice %transpose3A {offsets = [0, 0], sizes = [1, 5000], strides = [1, 1]} : vector<13x5000xf32> to vector<1x5000xf32>
    %slice3A_10 = vector.extract_strided_slice %transpose3A {offsets = [3, 0], sizes = [1, 5000], strides = [1, 1]} : vector<13x5000xf32> to vector<1x5000xf32>
    %slice3A_11 = vector.extract_strided_slice %transpose3A {offsets = [9, 0], sizes = [1, 5000], strides = [1, 1]} : vector<13x5000xf32> to vector<1x5000xf32>
    %slice3A_12 = vector.extract_strided_slice %transpose3A {offsets = [6, 0], sizes = [1, 5000], strides = [1, 1]} : vector<13x5000xf32> to vector<1x5000xf32>
    %slice3A_13 = vector.extract_strided_slice %transpose3A {offsets = [6, 0], sizes = [1, 5000], strides = [1, 1]} : vector<13x5000xf32> to vector<1x5000xf32>
    %slice3A_14 = vector.extract_strided_slice %transpose3A {offsets = [0, 0], sizes = [1, 5000], strides = [1, 1]} : vector<13x5000xf32> to vector<1x5000xf32>
    %slice3A_15 = vector.extract_strided_slice %transpose3A {offsets = [6, 0], sizes = [1, 5000], strides = [1, 1]} : vector<13x5000xf32> to vector<1x5000xf32>
    %slice3A_16 = vector.extract_strided_slice %transpose3A {offsets = [9, 0], sizes = [1, 5000], strides = [1, 1]} : vector<13x5000xf32> to vector<1x5000xf32>
    %slice3A_17 = vector.extract_strided_slice %transpose3A {offsets = [0, 0], sizes = [1, 5000], strides = [1, 1]} : vector<13x5000xf32> to vector<1x5000xf32>
    %slice3A_18 = vector.extract_strided_slice %transpose3A {offsets = [0, 0], sizes = [1, 5000], strides = [1, 1]} : vector<13x5000xf32> to vector<1x5000xf32>
    %slice3A_19 = vector.extract_strided_slice %transpose3A {offsets = [9, 0], sizes = [1, 5000], strides = [1, 1]} : vector<13x5000xf32> to vector<1x5000xf32>
    %slice3A_20 = vector.extract_strided_slice %transpose3A {offsets = [9, 0], sizes = [1, 5000], strides = [1, 1]} : vector<13x5000xf32> to vector<1x5000xf32>
    %concatenate3A = tpu.concatenate %slice3A, %slice3A_6, %slice3A_7, %slice3A_8, %slice3A_9, %slice3A_10, %slice3A_11, %slice3A_12, %slice3A_13, %slice3A_14, %slice3A_15, %slice3A_16, %slice3A_17, %slice3A_18, %slice3A_19, %slice3A_20 in 0 : vector<1x5000xf32>, vector<1x5000xf32>, vector<1x5000xf32>, vector<1x5000xf32>, vector<1x5000xf32>, vector<1x5000xf32>, vector<1x5000xf32>, vector<1x5000xf32>, vector<1x5000xf32>, vector<1x5000xf32>, vector<1x5000xf32>, vector<1x5000xf32>, vector<1x5000xf32>, vector<1x5000xf32>, vector<1x5000xf32>, vector<1x5000xf32> -> vector<16x5000xf32>
    %slice3A_21 = vector.extract_strided_slice %transpose3A_5 {offsets = [3, 0], sizes = [1, 5000], strides = [1, 1]} : vector<12x5000xf32> to vector<1x5000xf32>
    %slice3A_22 = vector.extract_strided_slice %transpose3A_5 {offsets = [6, 0], sizes = [1, 5000], strides = [1, 1]} : vector<12x5000xf32> to vector<1x5000xf32>
    %slice3A_23 = vector.extract_strided_slice %transpose3A_5 {offsets = [3, 0], sizes = [1, 5000], strides = [1, 1]} : vector<12x5000xf32> to vector<1x5000xf32>
    %slice3A_24 = vector.extract_strided_slice %transpose3A_5 {offsets = [0, 0], sizes = [1, 5000], strides = [1, 1]} : vector<12x5000xf32> to vector<1x5000xf32>
    %slice3A_25 = vector.extract_strided_slice %transpose3A_5 {offsets = [3, 0], sizes = [1, 5000], strides = [1, 1]} : vector<12x5000xf32> to vector<1x5000xf32>
    %slice3A_26 = vector.extract_strided_slice %transpose3A_5 {offsets = [9, 0], sizes = [1, 5000], strides = [1, 1]} : vector<12x5000xf32> to vector<1x5000xf32>
    %slice3A_27 = vector.extract_strided_slice %transpose3A_5 {offsets = [3, 0], sizes = [1, 5000], strides = [1, 1]} : vector<12x5000xf32> to vector<1x5000xf32>
    %slice3A_28 = vector.extract_strided_slice %transpose3A_5 {offsets = [6, 0], sizes = [1, 5000], strides = [1, 1]} : vector<12x5000xf32> to vector<1x5000xf32>
    %slice3A_29 = vector.extract_strided_slice %transpose3A_5 {offsets = [0, 0], sizes = [1, 5000], strides = [1, 1]} : vector<12x5000xf32> to vector<1x5000xf32>
    %slice3A_30 = vector.extract_strided_slice %transpose3A_5 {offsets = [6, 0], sizes = [1, 5000], strides = [1, 1]} : vector<12x5000xf32> to vector<1x5000xf32>
    %slice3A_31 = vector.extract_strided_slice %transpose3A_5 {offsets = [9, 0], sizes = [1, 5000], strides = [1, 1]} : vector<12x5000xf32> to vector<1x5000xf32>
    %slice3A_32 = vector.extract_strided_slice %transpose3A_5 {offsets = [6, 0], sizes = [1, 5000], strides = [1, 1]} : vector<12x5000xf32> to vector<1x5000xf32>
    %slice3A_33 = vector.extract_strided_slice %transpose3A_5 {offsets = [0, 0], sizes = [1, 5000], strides = [1, 1]} : vector<12x5000xf32> to vector<1x5000xf32>
    %slice3A_34 = vector.extract_strided_slice %transpose3A_5 {offsets = [9, 0], sizes = [1, 5000], strides = [1, 1]} : vector<12x5000xf32> to vector<1x5000xf32>
    %slice3A_35 = vector.extract_strided_slice %transpose3A_5 {offsets = [0, 0], sizes = [1, 5000], strides = [1, 1]} : vector<12x5000xf32> to vector<1x5000xf32>
    %slice3A_36 = vector.extract_strided_slice %transpose3A_5 {offsets = [9, 0], sizes = [1, 5000], strides = [1, 1]} : vector<12x5000xf32> to vector<1x5000xf32>
    %concatenate3A_37 = tpu.concatenate %slice3A_21, %slice3A_22, %slice3A_23, %slice3A_24, %slice3A_25, %slice3A_26, %slice3A_27, %slice3A_28, %slice3A_29, %slice3A_30, %slice3A_31, %slice3A_32, %slice3A_33, %slice3A_34, %slice3A_35, %slice3A_36 in 0 : vector<1x5000xf32>, vector<1x5000xf32>, vector<1x5000xf32>, vector<1x5000xf32>, vector<1x5000xf32>, vector<1x5000xf32>, vector<1x5000xf32>, vector<1x5000xf32>, vector<1x5000xf32>, vector<1x5000xf32>, vector<1x5000xf32>, vector<1x5000xf32>, vector<1x5000xf32>, vector<1x5000xf32>, vector<1x5000xf32>, vector<1x5000xf32> -> vector<16x5000xf32>
    %sub3A = arith.subf %concatenate3A, %concatenate3A_37 : vector<16x5000xf32>
    %mul3A = arith.mulf %sub3A, %sub3A : vector<16x5000xf32>
    %slice3A_38 = vector.extract_strided_slice %transpose3A {offsets = [4, 0], sizes = [1, 5000], strides = [1, 1]} : vector<13x5000xf32> to vector<1x5000xf32>
    %slice3A_39 = vector.extract_strided_slice %transpose3A {offsets = [4, 0], sizes = [1, 5000], strides = [1, 1]} : vector<13x5000xf32> to vector<1x5000xf32>
    %slice3A_40 = vector.extract_strided_slice %transpose3A {offsets = [7, 0], sizes = [1, 5000], strides = [1, 1]} : vector<13x5000xf32> to vector<1x5000xf32>
    %slice3A_41 = vector.extract_strided_slice %transpose3A {offsets = [4, 0], sizes = [1, 5000], strides = [1, 1]} : vector<13x5000xf32> to vector<1x5000xf32>
    %slice3A_42 = vector.extract_strided_slice %transpose3A {offsets = [1, 0], sizes = [1, 5000], strides = [1, 1]} : vector<13x5000xf32> to vector<1x5000xf32>
    %slice3A_43 = vector.extract_strided_slice %transpose3A {offsets = [4, 0], sizes = [1, 5000], strides = [1, 1]} : vector<13x5000xf32> to vector<1x5000xf32>
    %slice3A_44 = vector.extract_strided_slice %transpose3A {offsets = [10, 0], sizes = [1, 5000], strides = [1, 1]} : vector<13x5000xf32> to vector<1x5000xf32>
    %slice3A_45 = vector.extract_strided_slice %transpose3A {offsets = [7, 0], sizes = [1, 5000], strides = [1, 1]} : vector<13x5000xf32> to vector<1x5000xf32>
    %slice3A_46 = vector.extract_strided_slice %transpose3A {offsets = [7, 0], sizes = [1, 5000], strides = [1, 1]} : vector<13x5000xf32> to vector<1x5000xf32>
    %slice3A_47 = vector.extract_strided_slice %transpose3A {offsets = [1, 0], sizes = [1, 5000], strides = [1, 1]} : vector<13x5000xf32> to vector<1x5000xf32>
    %slice3A_48 = vector.extract_strided_slice %transpose3A {offsets = [7, 0], sizes = [1, 5000], strides = [1, 1]} : vector<13x5000xf32> to vector<1x5000xf32>
    %slice3A_49 = vector.extract_strided_slice %transpose3A {offsets = [10, 0], sizes = [1, 5000], strides = [1, 1]} : vector<13x5000xf32> to vector<1x5000xf32>
    %slice3A_50 = vector.extract_strided_slice %transpose3A {offsets = [1, 0], sizes = [1, 5000], strides = [1, 1]} : vector<13x5000xf32> to vector<1x5000xf32>
    %slice3A_51 = vector.extract_strided_slice %transpose3A {offsets = [1, 0], sizes = [1, 5000], strides = [1, 1]} : vector<13x5000xf32> to vector<1x5000xf32>
    %slice3A_52 = vector.extract_strided_slice %transpose3A {offsets = [10, 0], sizes = [1, 5000], strides = [1, 1]} : vector<13x5000xf32> to vector<1x5000xf32>
    %slice3A_53 = vector.extract_strided_slice %transpose3A {offsets = [10, 0], sizes = [1, 5000], strides = [1, 1]} : vector<13x5000xf32> to vector<1x5000xf32>
    %concatenate3A_54 = tpu.concatenate %slice3A_38, %slice3A_39, %slice3A_40, %slice3A_41, %slice3A_42, %slice3A_43, %slice3A_44, %slice3A_45, %slice3A_46, %slice3A_47, %slice3A_48, %slice3A_49, %slice3A_50, %slice3A_51, %slice3A_52, %slice3A_53 in 0 : vector<1x5000xf32>, vector<1x5000xf32>, vector<1x5000xf32>, vector<1x5000xf32>, vector<1x5000xf32>, vector<1x5000xf32>, vector<1x5000xf32>, vector<1x5000xf32>, vector<1x5000xf32>, vector<1x5000xf32>, vector<1x5000xf32>, vector<1x5000xf32>, vector<1x5000xf32>, vector<1x5000xf32>, vector<1x5000xf32>, vector<1x5000xf32> -> vector<16x5000xf32>
    %slice3A_55 = vector.extract_strided_slice %transpose3A_5 {offsets = [4, 0], sizes = [1, 5000], strides = [1, 1]} : vector<12x5000xf32> to vector<1x5000xf32>
    %slice3A_56 = vector.extract_strided_slice %transpose3A_5 {offsets = [7, 0], sizes = [1, 5000], strides = [1, 1]} : vector<12x5000xf32> to vector<1x5000xf32>
    %slice3A_57 = vector.extract_strided_slice %transpose3A_5 {offsets = [4, 0], sizes = [1, 5000], strides = [1, 1]} : vector<12x5000xf32> to vector<1x5000xf32>
    %slice3A_58 = vector.extract_strided_slice %transpose3A_5 {offsets = [1, 0], sizes = [1, 5000], strides = [1, 1]} : vector<12x5000xf32> to vector<1x5000xf32>
    %slice3A_59 = vector.extract_strided_slice %transpose3A_5 {offsets = [4, 0], sizes = [1, 5000], strides = [1, 1]} : vector<12x5000xf32> to vector<1x5000xf32>
    %slice3A_60 = vector.extract_strided_slice %transpose3A_5 {offsets = [10, 0], sizes = [1, 5000], strides = [1, 1]} : vector<12x5000xf32> to vector<1x5000xf32>
    %slice3A_61 = vector.extract_strided_slice %transpose3A_5 {offsets = [4, 0], sizes = [1, 5000], strides = [1, 1]} : vector<12x5000xf32> to vector<1x5000xf32>
    %slice3A_62 = vector.extract_strided_slice %transpose3A_5 {offsets = [7, 0], sizes = [1, 5000], strides = [1, 1]} : vector<12x5000xf32> to vector<1x5000xf32>
    %slice3A_63 = vector.extract_strided_slice %transpose3A_5 {offsets = [1, 0], sizes = [1, 5000], strides = [1, 1]} : vector<12x5000xf32> to vector<1x5000xf32>
    %slice3A_64 = vector.extract_strided_slice %transpose3A_5 {offsets = [7, 0], sizes = [1, 5000], strides = [1, 1]} : vector<12x5000xf32> to vector<1x5000xf32>
    %slice3A_65 = vector.extract_strided_slice %transpose3A_5 {offsets = [10, 0], sizes = [1, 5000], strides = [1, 1]} : vector<12x5000xf32> to vector<1x5000xf32>
    %slice3A_66 = vector.extract_strided_slice %transpose3A_5 {offsets = [7, 0], sizes = [1, 5000], strides = [1, 1]} : vector<12x5000xf32> to vector<1x5000xf32>
    %slice3A_67 = vector.extract_strided_slice %transpose3A_5 {offsets = [1, 0], sizes = [1, 5000], strides = [1, 1]} : vector<12x5000xf32> to vector<1x5000xf32>
    %slice3A_68 = vector.extract_strided_slice %transpose3A_5 {offsets = [10, 0], sizes = [1, 5000], strides = [1, 1]} : vector<12x5000xf32> to vector<1x5000xf32>
    %slice3A_69 = vector.extract_strided_slice %transpose3A_5 {offsets = [1, 0], sizes = [1, 5000], strides = [1, 1]} : vector<12x5000xf32> to vector<1x5000xf32>
    %slice3A_70 = vector.extract_strided_slice %transpose3A_5 {offsets = [10, 0], sizes = [1, 5000], strides = [1, 1]} : vector<12x5000xf32> to vector<1x5000xf32>
    %concatenate3A_71 = tpu.concatenate %slice3A_55, %slice3A_56, %slice3A_57, %slice3A_58, %slice3A_59, %slice3A_60, %slice3A_61, %slice3A_62, %slice3A_63, %slice3A_64, %slice3A_65, %slice3A_66, %slice3A_67, %slice3A_68, %slice3A_69, %slice3A_70 in 0 : vector<1x5000xf32>, vector<1x5000xf32>, vector<1x5000xf32>, vector<1x5000xf32>, vector<1x5000xf32>, vector<1x5000xf32>, vector<1x5000xf32>, vector<1x5000xf32>, vector<1x5000xf32>, vector<1x5000xf32>, vector<1x5000xf32>, vector<1x5000xf32>, vector<1x5000xf32>, vector<1x5000xf32>, vector<1x5000xf32>, vector<1x5000xf32> -> vector<16x5000xf32>
    %sub3A_72 = arith.subf %concatenate3A_54, %concatenate3A_71 : vector<16x5000xf32>
    %mul3A_73 = arith.mulf %sub3A_72, %sub3A_72 : vector<16x5000xf32>
    %add3A = arith.addf %mul3A, %mul3A_73 : vector<16x5000xf32>
    %slice3A_74 = vector.extract_strided_slice %transpose3A {offsets = [5, 0], sizes = [1, 5000], strides = [1, 1]} : vector<13x5000xf32> to vector<1x5000xf32>
    %slice3A_75 = vector.extract_strided_slice %transpose3A {offsets = [5, 0], sizes = [1, 5000], strides = [1, 1]} : vector<13x5000xf32> to vector<1x5000xf32>
    %slice3A_76 = vector.extract_strided_slice %transpose3A {offsets = [8, 0], sizes = [1, 5000], strides = [1, 1]} : vector<13x5000xf32> to vector<1x5000xf32>
    %slice3A_77 = vector.extract_strided_slice %transpose3A {offsets = [5, 0], sizes = [1, 5000], strides = [1, 1]} : vector<13x5000xf32> to vector<1x5000xf32>
    %slice3A_78 = vector.extract_strided_slice %transpose3A {offsets = [2, 0], sizes = [1, 5000], strides = [1, 1]} : vector<13x5000xf32> to vector<1x5000xf32>
    %slice3A_79 = vector.extract_strided_slice %transpose3A {offsets = [5, 0], sizes = [1, 5000], strides = [1, 1]} : vector<13x5000xf32> to vector<1x5000xf32>
    %slice3A_80 = vector.extract_strided_slice %transpose3A {offsets = [11, 0], sizes = [1, 5000], strides = [1, 1]} : vector<13x5000xf32> to vector<1x5000xf32>
    %slice3A_81 = vector.extract_strided_slice %transpose3A {offsets = [8, 0], sizes = [1, 5000], strides = [1, 1]} : vector<13x5000xf32> to vector<1x5000xf32>
    %slice3A_82 = vector.extract_strided_slice %transpose3A {offsets = [8, 0], sizes = [1, 5000], strides = [1, 1]} : vector<13x5000xf32> to vector<1x5000xf32>
    %slice3A_83 = vector.extract_strided_slice %transpose3A {offsets = [2, 0], sizes = [1, 5000], strides = [1, 1]} : vector<13x5000xf32> to vector<1x5000xf32>
    %slice3A_84 = vector.extract_strided_slice %transpose3A {offsets = [8, 0], sizes = [1, 5000], strides = [1, 1]} : vector<13x5000xf32> to vector<1x5000xf32>
    %slice3A_85 = vector.extract_strided_slice %transpose3A {offsets = [11, 0], sizes = [1, 5000], strides = [1, 1]} : vector<13x5000xf32> to vector<1x5000xf32>
    %slice3A_86 = vector.extract_strided_slice %transpose3A {offsets = [2, 0], sizes = [1, 5000], strides = [1, 1]} : vector<13x5000xf32> to vector<1x5000xf32>
    %slice3A_87 = vector.extract_strided_slice %transpose3A {offsets = [2, 0], sizes = [1, 5000], strides = [1, 1]} : vector<13x5000xf32> to vector<1x5000xf32>
    %slice3A_88 = vector.extract_strided_slice %transpose3A {offsets = [11, 0], sizes = [1, 5000], strides = [1, 1]} : vector<13x5000xf32> to vector<1x5000xf32>
    %slice3A_89 = vector.extract_strided_slice %transpose3A {offsets = [11, 0], sizes = [1, 5000], strides = [1, 1]} : vector<13x5000xf32> to vector<1x5000xf32>
    %concatenate3A_90 = tpu.concatenate %slice3A_74, %slice3A_75, %slice3A_76, %slice3A_77, %slice3A_78, %slice3A_79, %slice3A_80, %slice3A_81, %slice3A_82, %slice3A_83, %slice3A_84, %slice3A_85, %slice3A_86, %slice3A_87, %slice3A_88, %slice3A_89 in 0 : vector<1x5000xf32>, vector<1x5000xf32>, vector<1x5000xf32>, vector<1x5000xf32>, vector<1x5000xf32>, vector<1x5000xf32>, vector<1x5000xf32>, vector<1x5000xf32>, vector<1x5000xf32>, vector<1x5000xf32>, vector<1x5000xf32>, vector<1x5000xf32>, vector<1x5000xf32>, vector<1x5000xf32>, vector<1x5000xf32>, vector<1x5000xf32> -> vector<16x5000xf32>
    %slice3A_91 = vector.extract_strided_slice %transpose3A_5 {offsets = [5, 0], sizes = [1, 5000], strides = [1, 1]} : vector<12x5000xf32> to vector<1x5000xf32>
    %slice3A_92 = vector.extract_strided_slice %transpose3A_5 {offsets = [8, 0], sizes = [1, 5000], strides = [1, 1]} : vector<12x5000xf32> to vector<1x5000xf32>
    %slice3A_93 = vector.extract_strided_slice %transpose3A_5 {offsets = [5, 0], sizes = [1, 5000], strides = [1, 1]} : vector<12x5000xf32> to vector<1x5000xf32>
    %slice3A_94 = vector.extract_strided_slice %transpose3A_5 {offsets = [2, 0], sizes = [1, 5000], strides = [1, 1]} : vector<12x5000xf32> to vector<1x5000xf32>
    %slice3A_95 = vector.extract_strided_slice %transpose3A_5 {offsets = [5, 0], sizes = [1, 5000], strides = [1, 1]} : vector<12x5000xf32> to vector<1x5000xf32>
    %slice3A_96 = vector.extract_strided_slice %transpose3A_5 {offsets = [11, 0], sizes = [1, 5000], strides = [1, 1]} : vector<12x5000xf32> to vector<1x5000xf32>
    %slice3A_97 = vector.extract_strided_slice %transpose3A_5 {offsets = [5, 0], sizes = [1, 5000], strides = [1, 1]} : vector<12x5000xf32> to vector<1x5000xf32>
    %slice3A_98 = vector.extract_strided_slice %transpose3A_5 {offsets = [8, 0], sizes = [1, 5000], strides = [1, 1]} : vector<12x5000xf32> to vector<1x5000xf32>
    %slice3A_99 = vector.extract_strided_slice %transpose3A_5 {offsets = [2, 0], sizes = [1, 5000], strides = [1, 1]} : vector<12x5000xf32> to vector<1x5000xf32>
    %slice3A_100 = vector.extract_strided_slice %transpose3A_5 {offsets = [8, 0], sizes = [1, 5000], strides = [1, 1]} : vector<12x5000xf32> to vector<1x5000xf32>
    %slice3A_101 = vector.extract_strided_slice %transpose3A_5 {offsets = [11, 0], sizes = [1, 5000], strides = [1, 1]} : vector<12x5000xf32> to vector<1x5000xf32>
    %slice3A_102 = vector.extract_strided_slice %transpose3A_5 {offsets = [8, 0], sizes = [1, 5000], strides = [1, 1]} : vector<12x5000xf32> to vector<1x5000xf32>
    %slice3A_103 = vector.extract_strided_slice %transpose3A_5 {offsets = [2, 0], sizes = [1, 5000], strides = [1, 1]} : vector<12x5000xf32> to vector<1x5000xf32>
    %slice3A_104 = vector.extract_strided_slice %transpose3A_5 {offsets = [11, 0], sizes = [1, 5000], strides = [1, 1]} : vector<12x5000xf32> to vector<1x5000xf32>
    %slice3A_105 = vector.extract_strided_slice %transpose3A_5 {offsets = [2, 0], sizes = [1, 5000], strides = [1, 1]} : vector<12x5000xf32> to vector<1x5000xf32>
    %slice3A_106 = vector.extract_strided_slice %transpose3A_5 {offsets = [11, 0], sizes = [1, 5000], strides = [1, 1]} : vector<12x5000xf32> to vector<1x5000xf32>
    %concatenate3A_107 = tpu.concatenate %slice3A_91, %slice3A_92, %slice3A_93, %slice3A_94, %slice3A_95, %slice3A_96, %slice3A_97, %slice3A_98, %slice3A_99, %slice3A_100, %slice3A_101, %slice3A_102, %slice3A_103, %slice3A_104, %slice3A_105, %slice3A_106 in 0 : vector<1x5000xf32>, vector<1x5000xf32>, vector<1x5000xf32>, vector<1x5000xf32>, vector<1x5000xf32>, vector<1x5000xf32>, vector<1x5000xf32>, vector<1x5000xf32>, vector<1x5000xf32>, vector<1x5000xf32>, vector<1x5000xf32>, vector<1x5000xf32>, vector<1x5000xf32>, vector<1x5000xf32>, vector<1x5000xf32>, vector<1x5000xf32> -> vector<16x5000xf32>
    %sub3A_108 = arith.subf %concatenate3A_90, %concatenate3A_107 : vector<16x5000xf32>
    %mul3A_109 = arith.mulf %sub3A_108, %sub3A_108 : vector<16x5000xf32>
    %add3A_110 = arith.addf %add3A, %mul3A_109 : vector<16x5000xf32>
    %add3A_111 = arith.constant 9.99999997E-7 : f32
    %add3A_112 = vector.broadcast %add3A_111 : f32 to vector<16x5000xf32>
    %add3A_113 = arith.addf %add3A_110, %add3A_112 : vector<16x5000xf32>
    %sqrt3A = math.sqrt %add3A_113 : vector<16x5000xf32>
    %slice3A_114 = vector.extract_strided_slice %sqrt3A {offsets = [0, 0], sizes = [1, 5000], strides = [1, 1]} : vector<16x5000xf32> to vector<1x5000xf32>
    %broadcast_in_dim3A = vector.shape_cast %slice3A_114 : vector<1x5000xf32> to vector<1x5000xf32>
    %broadcast_in_dim3A_115 = vector.broadcast %broadcast_in_dim3A : vector<1x5000xf32> to vector<16x5000xf32>
    %slice3A_116 = vector.extract_strided_slice %sqrt3A {offsets = [1, 0], sizes = [1, 5000], strides = [1, 1]} : vector<16x5000xf32> to vector<1x5000xf32>
    %broadcast_in_dim3A_117 = vector.shape_cast %slice3A_116 : vector<1x5000xf32> to vector<1x5000xf32>
    %broadcast_in_dim3A_118 = vector.broadcast %broadcast_in_dim3A_117 : vector<1x5000xf32> to vector<16x5000xf32>
    %slice3A_119 = vector.extract_strided_slice %sqrt3A {offsets = [2, 0], sizes = [1, 5000], strides = [1, 1]} : vector<16x5000xf32> to vector<1x5000xf32>
    %broadcast_in_dim3A_120 = vector.shape_cast %slice3A_119 : vector<1x5000xf32> to vector<1x5000xf32>
    %broadcast_in_dim3A_121 = vector.broadcast %broadcast_in_dim3A_120 : vector<1x5000xf32> to vector<16x5000xf32>
    %slice3A_122 = vector.extract_strided_slice %sqrt3A {offsets = [3, 0], sizes = [1, 5000], strides = [1, 1]} : vector<16x5000xf32> to vector<1x5000xf32>
    %broadcast_in_dim3A_123 = vector.shape_cast %slice3A_122 : vector<1x5000xf32> to vector<1x5000xf32>
    %broadcast_in_dim3A_124 = vector.broadcast %broadcast_in_dim3A_123 : vector<1x5000xf32> to vector<16x5000xf32>
    %slice3A_125 = vector.extract_strided_slice %sqrt3A {offsets = [4, 0], sizes = [1, 5000], strides = [1, 1]} : vector<16x5000xf32> to vector<1x5000xf32>
    %broadcast_in_dim3A_126 = vector.shape_cast %slice3A_125 : vector<1x5000xf32> to vector<1x5000xf32>
    %broadcast_in_dim3A_127 = vector.broadcast %broadcast_in_dim3A_126 : vector<1x5000xf32> to vector<16x5000xf32>
    %slice3A_128 = vector.extract_strided_slice %sqrt3A {offsets = [5, 0], sizes = [1, 5000], strides = [1, 1]} : vector<16x5000xf32> to vector<1x5000xf32>
    %broadcast_in_dim3A_129 = vector.shape_cast %slice3A_128 : vector<1x5000xf32> to vector<1x5000xf32>
    %broadcast_in_dim3A_130 = vector.broadcast %broadcast_in_dim3A_129 : vector<1x5000xf32> to vector<16x5000xf32>
    %slice3A_131 = vector.extract_strided_slice %sqrt3A {offsets = [6, 0], sizes = [1, 5000], strides = [1, 1]} : vector<16x5000xf32> to vector<1x5000xf32>
    %broadcast_in_dim3A_132 = vector.shape_cast %slice3A_131 : vector<1x5000xf32> to vector<1x5000xf32>
    %broadcast_in_dim3A_133 = vector.broadcast %broadcast_in_dim3A_132 : vector<1x5000xf32> to vector<16x5000xf32>
    %slice3A_134 = vector.extract_strided_slice %sqrt3A {offsets = [7, 0], sizes = [1, 5000], strides = [1, 1]} : vector<16x5000xf32> to vector<1x5000xf32>
    %broadcast_in_dim3A_135 = vector.shape_cast %slice3A_134 : vector<1x5000xf32> to vector<1x5000xf32>
    %broadcast_in_dim3A_136 = vector.broadcast %broadcast_in_dim3A_135 : vector<1x5000xf32> to vector<16x5000xf32>
    %slice3A_137 = vector.extract_strided_slice %sqrt3A {offsets = [8, 0], sizes = [1, 5000], strides = [1, 1]} : vector<16x5000xf32> to vector<1x5000xf32>
    %broadcast_in_dim3A_138 = vector.shape_cast %slice3A_137 : vector<1x5000xf32> to vector<1x5000xf32>
    %broadcast_in_dim3A_139 = vector.broadcast %broadcast_in_dim3A_138 : vector<1x5000xf32> to vector<16x5000xf32>
    %slice3A_140 = vector.extract_strided_slice %sqrt3A {offsets = [9, 0], sizes = [1, 5000], strides = [1, 1]} : vector<16x5000xf32> to vector<1x5000xf32>
    %broadcast_in_dim3A_141 = vector.shape_cast %slice3A_140 : vector<1x5000xf32> to vector<1x5000xf32>
    %broadcast_in_dim3A_142 = vector.broadcast %broadcast_in_dim3A_141 : vector<1x5000xf32> to vector<16x5000xf32>
    %slice3A_143 = vector.extract_strided_slice %sqrt3A {offsets = [10, 0], sizes = [1, 5000], strides = [1, 1]} : vector<16x5000xf32> to vector<1x5000xf32>
    %broadcast_in_dim3A_144 = vector.shape_cast %slice3A_143 : vector<1x5000xf32> to vector<1x5000xf32>
    %broadcast_in_dim3A_145 = vector.broadcast %broadcast_in_dim3A_144 : vector<1x5000xf32> to vector<16x5000xf32>
    %slice3A_146 = vector.extract_strided_slice %sqrt3A {offsets = [11, 0], sizes = [1, 5000], strides = [1, 1]} : vector<16x5000xf32> to vector<1x5000xf32>
    %broadcast_in_dim3A_147 = vector.shape_cast %slice3A_146 : vector<1x5000xf32> to vector<1x5000xf32>
    %broadcast_in_dim3A_148 = vector.broadcast %broadcast_in_dim3A_147 : vector<1x5000xf32> to vector<16x5000xf32>
    %slice3A_149 = vector.extract_strided_slice %sqrt3A {offsets = [12, 0], sizes = [1, 5000], strides = [1, 1]} : vector<16x5000xf32> to vector<1x5000xf32>
    %broadcast_in_dim3A_150 = vector.shape_cast %slice3A_149 : vector<1x5000xf32> to vector<1x5000xf32>
    %broadcast_in_dim3A_151 = vector.broadcast %broadcast_in_dim3A_150 : vector<1x5000xf32> to vector<16x5000xf32>
    %slice3A_152 = vector.extract_strided_slice %sqrt3A {offsets = [13, 0], sizes = [1, 5000], strides = [1, 1]} : vector<16x5000xf32> to vector<1x5000xf32>
    %broadcast_in_dim3A_153 = vector.shape_cast %slice3A_152 : vector<1x5000xf32> to vector<1x5000xf32>
    %broadcast_in_dim3A_154 = vector.broadcast %broadcast_in_dim3A_153 : vector<1x5000xf32> to vector<16x5000xf32>
    %slice3A_155 = vector.extract_strided_slice %sqrt3A {offsets = [14, 0], sizes = [1, 5000], strides = [1, 1]} : vector<16x5000xf32> to vector<1x5000xf32>
    %broadcast_in_dim3A_156 = vector.shape_cast %slice3A_155 : vector<1x5000xf32> to vector<1x5000xf32>
    %broadcast_in_dim3A_157 = vector.broadcast %broadcast_in_dim3A_156 : vector<1x5000xf32> to vector<16x5000xf32>
    %slice3A_158 = vector.extract_strided_slice %sqrt3A {offsets = [15, 0], sizes = [1, 5000], strides = [1, 1]} : vector<16x5000xf32> to vector<1x5000xf32>
    %broadcast_in_dim3A_159 = vector.shape_cast %slice3A_158 : vector<1x5000xf32> to vector<1x5000xf32>
    %broadcast_in_dim3A_160 = vector.broadcast %broadcast_in_dim3A_159 : vector<1x5000xf32> to vector<16x5000xf32>
    %concatenate3A_161 = tpu.concatenate %broadcast_in_dim3A_115, %broadcast_in_dim3A_118, %broadcast_in_dim3A_121, %broadcast_in_dim3A_124, %broadcast_in_dim3A_127, %broadcast_in_dim3A_130, %broadcast_in_dim3A_133, %broadcast_in_dim3A_136, %broadcast_in_dim3A_139, %broadcast_in_dim3A_142, %broadcast_in_dim3A_145, %broadcast_in_dim3A_148, %broadcast_in_dim3A_151, %broadcast_in_dim3A_154, %broadcast_in_dim3A_157, %broadcast_in_dim3A_160 in 0 : vector<16x5000xf32>, vector<16x5000xf32>, vector<16x5000xf32>, vector<16x5000xf32>, vector<16x5000xf32>, vector<16x5000xf32>, vector<16x5000xf32>, vector<16x5000xf32>, vector<16x5000xf32>, vector<16x5000xf32>, vector<16x5000xf32>, vector<16x5000xf32>, vector<16x5000xf32>, vector<16x5000xf32>, vector<16x5000xf32>, vector<16x5000xf32> -> vector<256x5000xf32>
    %iota3A = tpu.iota {dimensions = array<i32: 0>} : vector<16x1xi32>
    %convert_element_type3A = arith.sitofp %iota3A : vector<16x1xi32> to vector<16x1xf32>
    %concatenate3A_162 = tpu.concatenate %convert_element_type3A, %convert_element_type3A, %convert_element_type3A, %convert_element_type3A, %convert_element_type3A, %convert_element_type3A, %convert_element_type3A, %convert_element_type3A, %convert_element_type3A, %convert_element_type3A, %convert_element_type3A, %convert_element_type3A, %convert_element_type3A, %convert_element_type3A, %convert_element_type3A, %convert_element_type3A in 0 : vector<16x1xf32>, vector<16x1xf32>, vector<16x1xf32>, vector<16x1xf32>, vector<16x1xf32>, vector<16x1xf32>, vector<16x1xf32>, vector<16x1xf32>, vector<16x1xf32>, vector<16x1xf32>, vector<16x1xf32>, vector<16x1xf32>, vector<16x1xf32>, vector<16x1xf32>, vector<16x1xf32>, vector<16x1xf32> -> vector<256x1xf32>
    %mul3A_163 = arith.constant 1.33333337 : f32
    %mul3A_164 = vector.broadcast %mul3A_163 : f32 to vector<256x1xf32>
    %mul3A_165 = arith.mulf %concatenate3A_162, %mul3A_164 : vector<256x1xf32>
    %sub3A_166 = vector.broadcast %mul3A_165 : vector<256x1xf32> to vector<256x5000xf32>
    %sub3A_167 = arith.subf %concatenate3A_161, %sub3A_166 : vector<256x5000xf32>
    %div3A = arith.constant 1.250000e+00 : f32
    %div3A_168 = vector.broadcast %div3A : f32 to vector<256x5000xf32>
    %div3A_169 = arith.divf %sub3A_167, %div3A_168 : vector<256x5000xf32>
    %mul3A_170 = arith.mulf %div3A_169, %div3A_169 : vector<256x5000xf32>
    %neg3A = arith.constant 0.000000e+00 : f32
    %neg3A_171 = vector.broadcast %neg3A : f32 to vector<256x5000xf32>
    %neg3A_172 = arith.subf %neg3A_171, %mul3A_170 : vector<256x5000xf32>
    %exp3A = math.exp %neg3A_172 : vector<256x5000xf32>
    %slice3A_173 = vector.extract_strided_slice %transpose3A {offsets = [0, 0], sizes = [3, 5000], strides = [1, 1]} : vector<13x5000xf32> to vector<3x5000xf32>
    %slice3A_174 = vector.extract_strided_slice %transpose3A {offsets = [12, 0], sizes = [1, 5000], strides = [1, 1]} : vector<13x5000xf32> to vector<1x5000xf32>
    %slice3A_175 = vector.extract_strided_slice %transpose3A {offsets = [3, 0], sizes = [3, 5000], strides = [1, 1]} : vector<13x5000xf32> to vector<3x5000xf32>
    %sub3A_176 = arith.subf %slice3A_175, %slice3A_173 : vector<3x5000xf32>
    %slice3A_177 = vector.extract_strided_slice %sub3A_176 {offsets = [0, 0], sizes = [1, 5000], strides = [1, 1]} : vector<3x5000xf32> to vector<1x5000xf32>
    %slice3A_178 = vector.extract_strided_slice %sub3A_176 {offsets = [0, 0], sizes = [1, 5000], strides = [1, 1]} : vector<3x5000xf32> to vector<1x5000xf32>
    %mul3A_179 = arith.mulf %slice3A_177, %slice3A_178 : vector<1x5000xf32>
    %slice3A_180 = vector.extract_strided_slice %sub3A_176 {offsets = [1, 0], sizes = [1, 5000], strides = [1, 1]} : vector<3x5000xf32> to vector<1x5000xf32>
    %slice3A_181 = vector.extract_strided_slice %sub3A_176 {offsets = [1, 0], sizes = [1, 5000], strides = [1, 1]} : vector<3x5000xf32> to vector<1x5000xf32>
    %mul3A_182 = arith.mulf %slice3A_180, %slice3A_181 : vector<1x5000xf32>
    %add3A_183 = arith.addf %mul3A_179, %mul3A_182 : vector<1x5000xf32>
    %slice3A_184 = vector.extract_strided_slice %sub3A_176 {offsets = [2, 0], sizes = [1, 5000], strides = [1, 1]} : vector<3x5000xf32> to vector<1x5000xf32>
    %slice3A_185 = vector.extract_strided_slice %sub3A_176 {offsets = [2, 0], sizes = [1, 5000], strides = [1, 1]} : vector<3x5000xf32> to vector<1x5000xf32>
    %mul3A_186 = arith.mulf %slice3A_184, %slice3A_185 : vector<1x5000xf32>
    %add3A_187 = arith.addf %add3A_183, %mul3A_186 : vector<1x5000xf32>
    %sqrt3A_188 = math.sqrt %add3A_187 : vector<1x5000xf32>
    %eq3A = arith.constant 0.000000e+00 : f32
    %eq3A_189 = vector.broadcast %eq3A : f32 to vector<1x5000xf32>
    %eq3A_190 = arith.cmpf oeq, %sqrt3A_188, %eq3A_189 : vector<1x5000xf32>
    %jit3A = arith.constant 1.000000e+00 : f32
    %broadcast_in_dim3A_191 = vector.broadcast %jit3A : f32 to vector<1x5000xf32>
    %select_n3A = arith.select %eq3A_190, %broadcast_in_dim3A_191, %sqrt3A_188 : vector<1x5000xi1>, vector<1x5000xf32>
    %div3A_192 = vector.broadcast %select_n3A : vector<1x5000xf32> to vector<3x5000xf32>
    %div3A_193 = arith.divf %sub3A_176, %div3A_192 : vector<3x5000xf32>
    %slice3A_194 = vector.extract_strided_slice %transpose3A {offsets = [6, 0], sizes = [3, 5000], strides = [1, 1]} : vector<13x5000xf32> to vector<3x5000xf32>
    %slice3A_195 = vector.extract_strided_slice %transpose3A {offsets = [3, 0], sizes = [3, 5000], strides = [1, 1]} : vector<13x5000xf32> to vector<3x5000xf32>
    %sub3A_196 = arith.subf %slice3A_194, %slice3A_195 : vector<3x5000xf32>
    %slice3A_197 = vector.extract_strided_slice %sub3A_196 {offsets = [0, 0], sizes = [1, 5000], strides = [1, 1]} : vector<3x5000xf32> to vector<1x5000xf32>
    %slice3A_198 = vector.extract_strided_slice %sub3A_196 {offsets = [0, 0], sizes = [1, 5000], strides = [1, 1]} : vector<3x5000xf32> to vector<1x5000xf32>
    %mul3A_199 = arith.mulf %slice3A_197, %slice3A_198 : vector<1x5000xf32>
    %slice3A_200 = vector.extract_strided_slice %sub3A_196 {offsets = [1, 0], sizes = [1, 5000], strides = [1, 1]} : vector<3x5000xf32> to vector<1x5000xf32>
    %slice3A_201 = vector.extract_strided_slice %sub3A_196 {offsets = [1, 0], sizes = [1, 5000], strides = [1, 1]} : vector<3x5000xf32> to vector<1x5000xf32>
    %mul3A_202 = arith.mulf %slice3A_200, %slice3A_201 : vector<1x5000xf32>
    %add3A_203 = arith.addf %mul3A_199, %mul3A_202 : vector<1x5000xf32>
    %slice3A_204 = vector.extract_strided_slice %sub3A_196 {offsets = [2, 0], sizes = [1, 5000], strides = [1, 1]} : vector<3x5000xf32> to vector<1x5000xf32>
    %slice3A_205 = vector.extract_strided_slice %sub3A_196 {offsets = [2, 0], sizes = [1, 5000], strides = [1, 1]} : vector<3x5000xf32> to vector<1x5000xf32>
    %mul3A_206 = arith.mulf %slice3A_204, %slice3A_205 : vector<1x5000xf32>
    %add3A_207 = arith.addf %add3A_203, %mul3A_206 : vector<1x5000xf32>
    %sqrt3A_208 = math.sqrt %add3A_207 : vector<1x5000xf32>
    %eq3A_209 = arith.constant 0.000000e+00 : f32
    %eq3A_210 = vector.broadcast %eq3A_209 : f32 to vector<1x5000xf32>
    %eq3A_211 = arith.cmpf oeq, %sqrt3A_208, %eq3A_210 : vector<1x5000xf32>
    %jit3A_212 = arith.constant 1.000000e+00 : f32
    %broadcast_in_dim3A_213 = vector.broadcast %jit3A_212 : f32 to vector<1x5000xf32>
    %select_n3A_214 = arith.select %eq3A_211, %broadcast_in_dim3A_213, %sqrt3A_208 : vector<1x5000xi1>, vector<1x5000xf32>
    %div3A_215 = vector.broadcast %select_n3A_214 : vector<1x5000xf32> to vector<3x5000xf32>
    %div3A_216 = arith.divf %sub3A_196, %div3A_215 : vector<3x5000xf32>
    %slice3A_217 = vector.extract_strided_slice %div3A_193 {offsets = [1, 0], sizes = [1, 5000], strides = [1, 1]} : vector<3x5000xf32> to vector<1x5000xf32>
    %slice3A_218 = vector.extract_strided_slice %div3A_216 {offsets = [2, 0], sizes = [1, 5000], strides = [1, 1]} : vector<3x5000xf32> to vector<1x5000xf32>
    %mul3A_219 = arith.mulf %slice3A_217, %slice3A_218 : vector<1x5000xf32>
    %slice3A_220 = vector.extract_strided_slice %div3A_193 {offsets = [2, 0], sizes = [1, 5000], strides = [1, 1]} : vector<3x5000xf32> to vector<1x5000xf32>
    %slice3A_221 = vector.extract_strided_slice %div3A_216 {offsets = [1, 0], sizes = [1, 5000], strides = [1, 1]} : vector<3x5000xf32> to vector<1x5000xf32>
    %mul3A_222 = arith.mulf %slice3A_220, %slice3A_221 : vector<1x5000xf32>
    %sub3A_223 = arith.subf %mul3A_219, %mul3A_222 : vector<1x5000xf32>
    %slice3A_224 = vector.extract_strided_slice %div3A_193 {offsets = [2, 0], sizes = [1, 5000], strides = [1, 1]} : vector<3x5000xf32> to vector<1x5000xf32>
    %slice3A_225 = vector.extract_strided_slice %div3A_216 {offsets = [0, 0], sizes = [1, 5000], strides = [1, 1]} : vector<3x5000xf32> to vector<1x5000xf32>
    %mul3A_226 = arith.mulf %slice3A_224, %slice3A_225 : vector<1x5000xf32>
    %slice3A_227 = vector.extract_strided_slice %div3A_193 {offsets = [0, 0], sizes = [1, 5000], strides = [1, 1]} : vector<3x5000xf32> to vector<1x5000xf32>
    %slice3A_228 = vector.extract_strided_slice %div3A_216 {offsets = [2, 0], sizes = [1, 5000], strides = [1, 1]} : vector<3x5000xf32> to vector<1x5000xf32>
    %mul3A_229 = arith.mulf %slice3A_227, %slice3A_228 : vector<1x5000xf32>
    %sub3A_230 = arith.subf %mul3A_226, %mul3A_229 : vector<1x5000xf32>
    %slice3A_231 = vector.extract_strided_slice %div3A_193 {offsets = [0, 0], sizes = [1, 5000], strides = [1, 1]} : vector<3x5000xf32> to vector<1x5000xf32>
    %slice3A_232 = vector.extract_strided_slice %div3A_216 {offsets = [1, 0], sizes = [1, 5000], strides = [1, 1]} : vector<3x5000xf32> to vector<1x5000xf32>
    %mul3A_233 = arith.mulf %slice3A_231, %slice3A_232 : vector<1x5000xf32>
    %slice3A_234 = vector.extract_strided_slice %div3A_193 {offsets = [1, 0], sizes = [1, 5000], strides = [1, 1]} : vector<3x5000xf32> to vector<1x5000xf32>
    %slice3A_235 = vector.extract_strided_slice %div3A_216 {offsets = [0, 0], sizes = [1, 5000], strides = [1, 1]} : vector<3x5000xf32> to vector<1x5000xf32>
    %mul3A_236 = arith.mulf %slice3A_234, %slice3A_235 : vector<1x5000xf32>
    %sub3A_237 = arith.subf %mul3A_233, %mul3A_236 : vector<1x5000xf32>
    %concatenate3A_238 = tpu.concatenate %sub3A_223, %sub3A_230, %sub3A_237 in 0 : vector<1x5000xf32>, vector<1x5000xf32>, vector<1x5000xf32> -> vector<3x5000xf32>
    %slice3A_239 = vector.extract_strided_slice %concatenate3A_238 {offsets = [0, 0], sizes = [1, 5000], strides = [1, 1]} : vector<3x5000xf32> to vector<1x5000xf32>
    %slice3A_240 = vector.extract_strided_slice %concatenate3A_238 {offsets = [0, 0], sizes = [1, 5000], strides = [1, 1]} : vector<3x5000xf32> to vector<1x5000xf32>
    %mul3A_241 = arith.mulf %slice3A_239, %slice3A_240 : vector<1x5000xf32>
    %slice3A_242 = vector.extract_strided_slice %concatenate3A_238 {offsets = [1, 0], sizes = [1, 5000], strides = [1, 1]} : vector<3x5000xf32> to vector<1x5000xf32>
    %slice3A_243 = vector.extract_strided_slice %concatenate3A_238 {offsets = [1, 0], sizes = [1, 5000], strides = [1, 1]} : vector<3x5000xf32> to vector<1x5000xf32>
    %mul3A_244 = arith.mulf %slice3A_242, %slice3A_243 : vector<1x5000xf32>
    %add3A_245 = arith.addf %mul3A_241, %mul3A_244 : vector<1x5000xf32>
    %slice3A_246 = vector.extract_strided_slice %concatenate3A_238 {offsets = [2, 0], sizes = [1, 5000], strides = [1, 1]} : vector<3x5000xf32> to vector<1x5000xf32>
    %slice3A_247 = vector.extract_strided_slice %concatenate3A_238 {offsets = [2, 0], sizes = [1, 5000], strides = [1, 1]} : vector<3x5000xf32> to vector<1x5000xf32>
    %mul3A_248 = arith.mulf %slice3A_246, %slice3A_247 : vector<1x5000xf32>
    %add3A_249 = arith.addf %add3A_245, %mul3A_248 : vector<1x5000xf32>
    %sqrt3A_250 = math.sqrt %add3A_249 : vector<1x5000xf32>
    %eq3A_251 = arith.constant 0.000000e+00 : f32
    %eq3A_252 = vector.broadcast %eq3A_251 : f32 to vector<1x5000xf32>
    %eq3A_253 = arith.cmpf oeq, %sqrt3A_250, %eq3A_252 : vector<1x5000xf32>
    %jit3A_254 = arith.constant 1.000000e+00 : f32
    %broadcast_in_dim3A_255 = vector.broadcast %jit3A_254 : f32 to vector<1x5000xf32>
    %select_n3A_256 = arith.select %eq3A_253, %broadcast_in_dim3A_255, %sqrt3A_250 : vector<1x5000xi1>, vector<1x5000xf32>
    %div3A_257 = vector.broadcast %select_n3A_256 : vector<1x5000xf32> to vector<3x5000xf32>
    %div3A_258 = arith.divf %concatenate3A_238, %div3A_257 : vector<3x5000xf32>
    %sub3A_259 = arith.subf %div3A_193, %div3A_216 : vector<3x5000xf32>
    %slice3A_260 = vector.extract_strided_slice %sub3A_259 {offsets = [0, 0], sizes = [1, 5000], strides = [1, 1]} : vector<3x5000xf32> to vector<1x5000xf32>
    %slice3A_261 = vector.extract_strided_slice %sub3A_259 {offsets = [0, 0], sizes = [1, 5000], strides = [1, 1]} : vector<3x5000xf32> to vector<1x5000xf32>
    %mul3A_262 = arith.mulf %slice3A_260, %slice3A_261 : vector<1x5000xf32>
    %slice3A_263 = vector.extract_strided_slice %sub3A_259 {offsets = [1, 0], sizes = [1, 5000], strides = [1, 1]} : vector<3x5000xf32> to vector<1x5000xf32>
    %slice3A_264 = vector.extract_strided_slice %sub3A_259 {offsets = [1, 0], sizes = [1, 5000], strides = [1, 1]} : vector<3x5000xf32> to vector<1x5000xf32>
    %mul3A_265 = arith.mulf %slice3A_263, %slice3A_264 : vector<1x5000xf32>
    %add3A_266 = arith.addf %mul3A_262, %mul3A_265 : vector<1x5000xf32>
    %slice3A_267 = vector.extract_strided_slice %sub3A_259 {offsets = [2, 0], sizes = [1, 5000], strides = [1, 1]} : vector<3x5000xf32> to vector<1x5000xf32>
    %slice3A_268 = vector.extract_strided_slice %sub3A_259 {offsets = [2, 0], sizes = [1, 5000], strides = [1, 1]} : vector<3x5000xf32> to vector<1x5000xf32>
    %mul3A_269 = arith.mulf %slice3A_267, %slice3A_268 : vector<1x5000xf32>
    %add3A_270 = arith.addf %add3A_266, %mul3A_269 : vector<1x5000xf32>
    %sqrt3A_271 = math.sqrt %add3A_270 : vector<1x5000xf32>
    %eq3A_272 = arith.constant 0.000000e+00 : f32
    %eq3A_273 = vector.broadcast %eq3A_272 : f32 to vector<1x5000xf32>
    %eq3A_274 = arith.cmpf oeq, %sqrt3A_271, %eq3A_273 : vector<1x5000xf32>
    %jit3A_275 = arith.constant 1.000000e+00 : f32
    %broadcast_in_dim3A_276 = vector.broadcast %jit3A_275 : f32 to vector<1x5000xf32>
    %select_n3A_277 = arith.select %eq3A_274, %broadcast_in_dim3A_276, %sqrt3A_271 : vector<1x5000xi1>, vector<1x5000xf32>
    %div3A_278 = vector.broadcast %select_n3A_277 : vector<1x5000xf32> to vector<3x5000xf32>
    %div3A_279 = arith.divf %sub3A_259, %div3A_278 : vector<3x5000xf32>
    %slice3A_280 = vector.extract_strided_slice %div3A_279 {offsets = [1, 0], sizes = [1, 5000], strides = [1, 1]} : vector<3x5000xf32> to vector<1x5000xf32>
    %slice3A_281 = vector.extract_strided_slice %div3A_258 {offsets = [2, 0], sizes = [1, 5000], strides = [1, 1]} : vector<3x5000xf32> to vector<1x5000xf32>
    %mul3A_282 = arith.mulf %slice3A_280, %slice3A_281 : vector<1x5000xf32>
    %slice3A_283 = vector.extract_strided_slice %div3A_279 {offsets = [2, 0], sizes = [1, 5000], strides = [1, 1]} : vector<3x5000xf32> to vector<1x5000xf32>
    %slice3A_284 = vector.extract_strided_slice %div3A_258 {offsets = [1, 0], sizes = [1, 5000], strides = [1, 1]} : vector<3x5000xf32> to vector<1x5000xf32>
    %mul3A_285 = arith.mulf %slice3A_283, %slice3A_284 : vector<1x5000xf32>
    %sub3A_286 = arith.subf %mul3A_282, %mul3A_285 : vector<1x5000xf32>
    %slice3A_287 = vector.extract_strided_slice %div3A_279 {offsets = [2, 0], sizes = [1, 5000], strides = [1, 1]} : vector<3x5000xf32> to vector<1x5000xf32>
    %slice3A_288 = vector.extract_strided_slice %div3A_258 {offsets = [0, 0], sizes = [1, 5000], strides = [1, 1]} : vector<3x5000xf32> to vector<1x5000xf32>
    %mul3A_289 = arith.mulf %slice3A_287, %slice3A_288 : vector<1x5000xf32>
    %slice3A_290 = vector.extract_strided_slice %div3A_279 {offsets = [0, 0], sizes = [1, 5000], strides = [1, 1]} : vector<3x5000xf32> to vector<1x5000xf32>
    %slice3A_291 = vector.extract_strided_slice %div3A_258 {offsets = [2, 0], sizes = [1, 5000], strides = [1, 1]} : vector<3x5000xf32> to vector<1x5000xf32>
    %mul3A_292 = arith.mulf %slice3A_290, %slice3A_291 : vector<1x5000xf32>
    %sub3A_293 = arith.subf %mul3A_289, %mul3A_292 : vector<1x5000xf32>
    %slice3A_294 = vector.extract_strided_slice %div3A_279 {offsets = [0, 0], sizes = [1, 5000], strides = [1, 1]} : vector<3x5000xf32> to vector<1x5000xf32>
    %slice3A_295 = vector.extract_strided_slice %div3A_258 {offsets = [1, 0], sizes = [1, 5000], strides = [1, 1]} : vector<3x5000xf32> to vector<1x5000xf32>
    %mul3A_296 = arith.mulf %slice3A_294, %slice3A_295 : vector<1x5000xf32>
    %slice3A_297 = vector.extract_strided_slice %div3A_279 {offsets = [1, 0], sizes = [1, 5000], strides = [1, 1]} : vector<3x5000xf32> to vector<1x5000xf32>
    %slice3A_298 = vector.extract_strided_slice %div3A_258 {offsets = [0, 0], sizes = [1, 5000], strides = [1, 1]} : vector<3x5000xf32> to vector<1x5000xf32>
    %mul3A_299 = arith.mulf %slice3A_297, %slice3A_298 : vector<1x5000xf32>
    %sub3A_300 = arith.subf %mul3A_296, %mul3A_299 : vector<1x5000xf32>
    %concatenate3A_301 = tpu.concatenate %sub3A_286, %sub3A_293, %sub3A_300 in 0 : vector<1x5000xf32>, vector<1x5000xf32>, vector<1x5000xf32> -> vector<3x5000xf32>
    %slice3A_302 = vector.extract_strided_slice %transpose3A_5 {offsets = [3, 0], sizes = [3, 5000], strides = [1, 1]} : vector<12x5000xf32> to vector<3x5000xf32>
    %sub3A_303 = arith.subf %slice3A_302, %slice3A_173 : vector<3x5000xf32>
    %slice3A_304 = vector.extract_strided_slice %sub3A_303 {offsets = [0, 0], sizes = [1, 5000], strides = [1, 1]} : vector<3x5000xf32> to vector<1x5000xf32>
    %mul3A_305 = vector.broadcast %slice3A_304 : vector<1x5000xf32> to vector<3x5000xf32>
    %mul3A_306 = arith.mulf %div3A_279, %mul3A_305 : vector<3x5000xf32>
    %slice3A_307 = vector.extract_strided_slice %sub3A_303 {offsets = [1, 0], sizes = [1, 5000], strides = [1, 1]} : vector<3x5000xf32> to vector<1x5000xf32>
    %mul3A_308 = vector.broadcast %slice3A_307 : vector<1x5000xf32> to vector<3x5000xf32>
    %mul3A_309 = arith.mulf %div3A_258, %mul3A_308 : vector<3x5000xf32>
    %add3A_310 = arith.addf %mul3A_306, %mul3A_309 : vector<3x5000xf32>
    %slice3A_311 = vector.extract_strided_slice %sub3A_303 {offsets = [2, 0], sizes = [1, 5000], strides = [1, 1]} : vector<3x5000xf32> to vector<1x5000xf32>
    %mul3A_312 = vector.broadcast %slice3A_311 : vector<1x5000xf32> to vector<3x5000xf32>
    %mul3A_313 = arith.mulf %concatenate3A_301, %mul3A_312 : vector<3x5000xf32>
    %add3A_314 = arith.addf %add3A_310, %mul3A_313 : vector<3x5000xf32>
    %mul3A_315 = vector.broadcast %slice3A_174 : vector<1x5000xf32> to vector<3x5000xf32>
    %mul3A_316 = arith.mulf %add3A_314, %mul3A_315 : vector<3x5000xf32>
    %slice3A_317 = vector.extract_strided_slice %mul3A_316 {offsets = [0, 0], sizes = [1, 5000], strides = [1, 1]} : vector<3x5000xf32> to vector<1x5000xf32>
    %slice3A_318 = vector.extract_strided_slice %mul3A_316 {offsets = [0, 0], sizes = [1, 5000], strides = [1, 1]} : vector<3x5000xf32> to vector<1x5000xf32>
    %mul3A_319 = arith.mulf %slice3A_317, %slice3A_318 : vector<1x5000xf32>
    %slice3A_320 = vector.extract_strided_slice %mul3A_316 {offsets = [1, 0], sizes = [1, 5000], strides = [1, 1]} : vector<3x5000xf32> to vector<1x5000xf32>
    %slice3A_321 = vector.extract_strided_slice %mul3A_316 {offsets = [1, 0], sizes = [1, 5000], strides = [1, 1]} : vector<3x5000xf32> to vector<1x5000xf32>
    %mul3A_322 = arith.mulf %slice3A_320, %slice3A_321 : vector<1x5000xf32>
    %add3A_323 = arith.addf %mul3A_319, %mul3A_322 : vector<1x5000xf32>
    %slice3A_324 = vector.extract_strided_slice %mul3A_316 {offsets = [2, 0], sizes = [1, 5000], strides = [1, 1]} : vector<3x5000xf32> to vector<1x5000xf32>
    %slice3A_325 = vector.extract_strided_slice %mul3A_316 {offsets = [2, 0], sizes = [1, 5000], strides = [1, 1]} : vector<3x5000xf32> to vector<1x5000xf32>
    %mul3A_326 = arith.mulf %slice3A_324, %slice3A_325 : vector<1x5000xf32>
    %add3A_327 = arith.addf %add3A_323, %mul3A_326 : vector<1x5000xf32>
    %sqrt3A_328 = math.sqrt %add3A_327 : vector<1x5000xf32>
    %eq3A_329 = arith.constant 0.000000e+00 : f32
    %eq3A_330 = vector.broadcast %eq3A_329 : f32 to vector<1x5000xf32>
    %eq3A_331 = arith.cmpf oeq, %sqrt3A_328, %eq3A_330 : vector<1x5000xf32>
    %jit3A_332 = arith.constant 1.000000e+00 : f32
    %broadcast_in_dim3A_333 = vector.broadcast %jit3A_332 : f32 to vector<1x5000xf32>
    %select_n3A_334 = arith.select %eq3A_331, %broadcast_in_dim3A_333, %sqrt3A_328 : vector<1x5000xi1>, vector<1x5000xf32>
    %div3A_335 = vector.broadcast %select_n3A_334 : vector<1x5000xf32> to vector<3x5000xf32>
    %div3A_336 = arith.divf %mul3A_316, %div3A_335 : vector<3x5000xf32>
    %slice3A_337 = vector.extract_strided_slice %transpose3A_5 {offsets = [0, 0], sizes = [3, 5000], strides = [1, 1]} : vector<12x5000xf32> to vector<3x5000xf32>
    %sub3A_338 = arith.subf %slice3A_337, %slice3A_173 : vector<3x5000xf32>
    %slice3A_339 = vector.extract_strided_slice %sub3A_338 {offsets = [0, 0], sizes = [1, 5000], strides = [1, 1]} : vector<3x5000xf32> to vector<1x5000xf32>
    %mul3A_340 = vector.broadcast %slice3A_339 : vector<1x5000xf32> to vector<3x5000xf32>
    %mul3A_341 = arith.mulf %div3A_279, %mul3A_340 : vector<3x5000xf32>
    %slice3A_342 = vector.extract_strided_slice %sub3A_338 {offsets = [1, 0], sizes = [1, 5000], strides = [1, 1]} : vector<3x5000xf32> to vector<1x5000xf32>
    %mul3A_343 = vector.broadcast %slice3A_342 : vector<1x5000xf32> to vector<3x5000xf32>
    %mul3A_344 = arith.mulf %div3A_258, %mul3A_343 : vector<3x5000xf32>
    %add3A_345 = arith.addf %mul3A_341, %mul3A_344 : vector<3x5000xf32>
    %slice3A_346 = vector.extract_strided_slice %sub3A_338 {offsets = [2, 0], sizes = [1, 5000], strides = [1, 1]} : vector<3x5000xf32> to vector<1x5000xf32>
    %mul3A_347 = vector.broadcast %slice3A_346 : vector<1x5000xf32> to vector<3x5000xf32>
    %mul3A_348 = arith.mulf %concatenate3A_301, %mul3A_347 : vector<3x5000xf32>
    %add3A_349 = arith.addf %add3A_345, %mul3A_348 : vector<3x5000xf32>
    %mul3A_350 = vector.broadcast %slice3A_174 : vector<1x5000xf32> to vector<3x5000xf32>
    %mul3A_351 = arith.mulf %add3A_349, %mul3A_350 : vector<3x5000xf32>
    %slice3A_352 = vector.extract_strided_slice %mul3A_351 {offsets = [0, 0], sizes = [1, 5000], strides = [1, 1]} : vector<3x5000xf32> to vector<1x5000xf32>
    %slice3A_353 = vector.extract_strided_slice %mul3A_351 {offsets = [0, 0], sizes = [1, 5000], strides = [1, 1]} : vector<3x5000xf32> to vector<1x5000xf32>
    %mul3A_354 = arith.mulf %slice3A_352, %slice3A_353 : vector<1x5000xf32>
    %slice3A_355 = vector.extract_strided_slice %mul3A_351 {offsets = [1, 0], sizes = [1, 5000], strides = [1, 1]} : vector<3x5000xf32> to vector<1x5000xf32>
    %slice3A_356 = vector.extract_strided_slice %mul3A_351 {offsets = [1, 0], sizes = [1, 5000], strides = [1, 1]} : vector<3x5000xf32> to vector<1x5000xf32>
    %mul3A_357 = arith.mulf %slice3A_355, %slice3A_356 : vector<1x5000xf32>
    %add3A_358 = arith.addf %mul3A_354, %mul3A_357 : vector<1x5000xf32>
    %slice3A_359 = vector.extract_strided_slice %mul3A_351 {offsets = [2, 0], sizes = [1, 5000], strides = [1, 1]} : vector<3x5000xf32> to vector<1x5000xf32>
    %slice3A_360 = vector.extract_strided_slice %mul3A_351 {offsets = [2, 0], sizes = [1, 5000], strides = [1, 1]} : vector<3x5000xf32> to vector<1x5000xf32>
    %mul3A_361 = arith.mulf %slice3A_359, %slice3A_360 : vector<1x5000xf32>
    %add3A_362 = arith.addf %add3A_358, %mul3A_361 : vector<1x5000xf32>
    %sqrt3A_363 = math.sqrt %add3A_362 : vector<1x5000xf32>
    %eq3A_364 = arith.constant 0.000000e+00 : f32
    %eq3A_365 = vector.broadcast %eq3A_364 : f32 to vector<1x5000xf32>
    %eq3A_366 = arith.cmpf oeq, %sqrt3A_363, %eq3A_365 : vector<1x5000xf32>
    %jit3A_367 = arith.constant 1.000000e+00 : f32
    %broadcast_in_dim3A_368 = vector.broadcast %jit3A_367 : f32 to vector<1x5000xf32>
    %select_n3A_369 = arith.select %eq3A_366, %broadcast_in_dim3A_368, %sqrt3A_363 : vector<1x5000xi1>, vector<1x5000xf32>
    %div3A_370 = vector.broadcast %select_n3A_369 : vector<1x5000xf32> to vector<3x5000xf32>
    %div3A_371 = arith.divf %mul3A_351, %div3A_370 : vector<3x5000xf32>
    %slice3A_372 = vector.extract_strided_slice %transpose3A_5 {offsets = [6, 0], sizes = [3, 5000], strides = [1, 1]} : vector<12x5000xf32> to vector<3x5000xf32>
    %sub3A_373 = arith.subf %slice3A_372, %slice3A_173 : vector<3x5000xf32>
    %slice3A_374 = vector.extract_strided_slice %sub3A_373 {offsets = [0, 0], sizes = [1, 5000], strides = [1, 1]} : vector<3x5000xf32> to vector<1x5000xf32>
    %mul3A_375 = vector.broadcast %slice3A_374 : vector<1x5000xf32> to vector<3x5000xf32>
    %mul3A_376 = arith.mulf %div3A_279, %mul3A_375 : vector<3x5000xf32>
    %slice3A_377 = vector.extract_strided_slice %sub3A_373 {offsets = [1, 0], sizes = [1, 5000], strides = [1, 1]} : vector<3x5000xf32> to vector<1x5000xf32>
    %mul3A_378 = vector.broadcast %slice3A_377 : vector<1x5000xf32> to vector<3x5000xf32>
    %mul3A_379 = arith.mulf %div3A_258, %mul3A_378 : vector<3x5000xf32>
    %add3A_380 = arith.addf %mul3A_376, %mul3A_379 : vector<3x5000xf32>
    %slice3A_381 = vector.extract_strided_slice %sub3A_373 {offsets = [2, 0], sizes = [1, 5000], strides = [1, 1]} : vector<3x5000xf32> to vector<1x5000xf32>
    %mul3A_382 = vector.broadcast %slice3A_381 : vector<1x5000xf32> to vector<3x5000xf32>
    %mul3A_383 = arith.mulf %concatenate3A_301, %mul3A_382 : vector<3x5000xf32>
    %add3A_384 = arith.addf %add3A_380, %mul3A_383 : vector<3x5000xf32>
    %mul3A_385 = vector.broadcast %slice3A_174 : vector<1x5000xf32> to vector<3x5000xf32>
    %mul3A_386 = arith.mulf %add3A_384, %mul3A_385 : vector<3x5000xf32>
    %slice3A_387 = vector.extract_strided_slice %mul3A_386 {offsets = [0, 0], sizes = [1, 5000], strides = [1, 1]} : vector<3x5000xf32> to vector<1x5000xf32>
    %slice3A_388 = vector.extract_strided_slice %mul3A_386 {offsets = [0, 0], sizes = [1, 5000], strides = [1, 1]} : vector<3x5000xf32> to vector<1x5000xf32>
    %mul3A_389 = arith.mulf %slice3A_387, %slice3A_388 : vector<1x5000xf32>
    %slice3A_390 = vector.extract_strided_slice %mul3A_386 {offsets = [1, 0], sizes = [1, 5000], strides = [1, 1]} : vector<3x5000xf32> to vector<1x5000xf32>
    %slice3A_391 = vector.extract_strided_slice %mul3A_386 {offsets = [1, 0], sizes = [1, 5000], strides = [1, 1]} : vector<3x5000xf32> to vector<1x5000xf32>
    %mul3A_392 = arith.mulf %slice3A_390, %slice3A_391 : vector<1x5000xf32>
    %add3A_393 = arith.addf %mul3A_389, %mul3A_392 : vector<1x5000xf32>
    %slice3A_394 = vector.extract_strided_slice %mul3A_386 {offsets = [2, 0], sizes = [1, 5000], strides = [1, 1]} : vector<3x5000xf32> to vector<1x5000xf32>
    %slice3A_395 = vector.extract_strided_slice %mul3A_386 {offsets = [2, 0], sizes = [1, 5000], strides = [1, 1]} : vector<3x5000xf32> to vector<1x5000xf32>
    %mul3A_396 = arith.mulf %slice3A_394, %slice3A_395 : vector<1x5000xf32>
    %add3A_397 = arith.addf %add3A_393, %mul3A_396 : vector<1x5000xf32>
    %sqrt3A_398 = math.sqrt %add3A_397 : vector<1x5000xf32>
    %eq3A_399 = arith.constant 0.000000e+00 : f32
    %eq3A_400 = vector.broadcast %eq3A_399 : f32 to vector<1x5000xf32>
    %eq3A_401 = arith.cmpf oeq, %sqrt3A_398, %eq3A_400 : vector<1x5000xf32>
    %jit3A_402 = arith.constant 1.000000e+00 : f32
    %broadcast_in_dim3A_403 = vector.broadcast %jit3A_402 : f32 to vector<1x5000xf32>
    %select_n3A_404 = arith.select %eq3A_401, %broadcast_in_dim3A_403, %sqrt3A_398 : vector<1x5000xi1>, vector<1x5000xf32>
    %div3A_405 = vector.broadcast %select_n3A_404 : vector<1x5000xf32> to vector<3x5000xf32>
    %div3A_406 = arith.divf %mul3A_386, %div3A_405 : vector<3x5000xf32>
    %slice3A_407 = vector.extract_strided_slice %transpose3A_5 {offsets = [9, 0], sizes = [3, 5000], strides = [1, 1]} : vector<12x5000xf32> to vector<3x5000xf32>
    %sub3A_408 = arith.subf %slice3A_407, %slice3A_173 : vector<3x5000xf32>
    %slice3A_409 = vector.extract_strided_slice %sub3A_408 {offsets = [0, 0], sizes = [1, 5000], strides = [1, 1]} : vector<3x5000xf32> to vector<1x5000xf32>
    %mul3A_410 = vector.broadcast %slice3A_409 : vector<1x5000xf32> to vector<3x5000xf32>
    %mul3A_411 = arith.mulf %div3A_279, %mul3A_410 : vector<3x5000xf32>
    %slice3A_412 = vector.extract_strided_slice %sub3A_408 {offsets = [1, 0], sizes = [1, 5000], strides = [1, 1]} : vector<3x5000xf32> to vector<1x5000xf32>
    %mul3A_413 = vector.broadcast %slice3A_412 : vector<1x5000xf32> to vector<3x5000xf32>
    %mul3A_414 = arith.mulf %div3A_258, %mul3A_413 : vector<3x5000xf32>
    %add3A_415 = arith.addf %mul3A_411, %mul3A_414 : vector<3x5000xf32>
    %slice3A_416 = vector.extract_strided_slice %sub3A_408 {offsets = [2, 0], sizes = [1, 5000], strides = [1, 1]} : vector<3x5000xf32> to vector<1x5000xf32>
    %mul3A_417 = vector.broadcast %slice3A_416 : vector<1x5000xf32> to vector<3x5000xf32>
    %mul3A_418 = arith.mulf %concatenate3A_301, %mul3A_417 : vector<3x5000xf32>
    %add3A_419 = arith.addf %add3A_415, %mul3A_418 : vector<3x5000xf32>
    %mul3A_420 = vector.broadcast %slice3A_174 : vector<1x5000xf32> to vector<3x5000xf32>
    %mul3A_421 = arith.mulf %add3A_419, %mul3A_420 : vector<3x5000xf32>
    %slice3A_422 = vector.extract_strided_slice %mul3A_421 {offsets = [0, 0], sizes = [1, 5000], strides = [1, 1]} : vector<3x5000xf32> to vector<1x5000xf32>
    %slice3A_423 = vector.extract_strided_slice %mul3A_421 {offsets = [0, 0], sizes = [1, 5000], strides = [1, 1]} : vector<3x5000xf32> to vector<1x5000xf32>
    %mul3A_424 = arith.mulf %slice3A_422, %slice3A_423 : vector<1x5000xf32>
    %slice3A_425 = vector.extract_strided_slice %mul3A_421 {offsets = [1, 0], sizes = [1, 5000], strides = [1, 1]} : vector<3x5000xf32> to vector<1x5000xf32>
    %slice3A_426 = vector.extract_strided_slice %mul3A_421 {offsets = [1, 0], sizes = [1, 5000], strides = [1, 1]} : vector<3x5000xf32> to vector<1x5000xf32>
    %mul3A_427 = arith.mulf %slice3A_425, %slice3A_426 : vector<1x5000xf32>
    %add3A_428 = arith.addf %mul3A_424, %mul3A_427 : vector<1x5000xf32>
    %slice3A_429 = vector.extract_strided_slice %mul3A_421 {offsets = [2, 0], sizes = [1, 5000], strides = [1, 1]} : vector<3x5000xf32> to vector<1x5000xf32>
    %slice3A_430 = vector.extract_strided_slice %mul3A_421 {offsets = [2, 0], sizes = [1, 5000], strides = [1, 1]} : vector<3x5000xf32> to vector<1x5000xf32>
    %mul3A_431 = arith.mulf %slice3A_429, %slice3A_430 : vector<1x5000xf32>
    %add3A_432 = arith.addf %add3A_428, %mul3A_431 : vector<1x5000xf32>
    %sqrt3A_433 = math.sqrt %add3A_432 : vector<1x5000xf32>
    %eq3A_434 = arith.constant 0.000000e+00 : f32
    %eq3A_435 = vector.broadcast %eq3A_434 : f32 to vector<1x5000xf32>
    %eq3A_436 = arith.cmpf oeq, %sqrt3A_433, %eq3A_435 : vector<1x5000xf32>
    %jit3A_437 = arith.constant 1.000000e+00 : f32
    %broadcast_in_dim3A_438 = vector.broadcast %jit3A_437 : f32 to vector<1x5000xf32>
    %select_n3A_439 = arith.select %eq3A_436, %broadcast_in_dim3A_438, %sqrt3A_433 : vector<1x5000xi1>, vector<1x5000xf32>
    %div3A_440 = vector.broadcast %select_n3A_439 : vector<1x5000xf32> to vector<3x5000xf32>
    %div3A_441 = arith.divf %mul3A_421, %div3A_440 : vector<3x5000xf32>
    %concatenate3A_442 = tpu.concatenate %exp3A, %div3A_336, %div3A_371, %div3A_406, %div3A_441 in 0 : vector<256x5000xf32>, vector<3x5000xf32>, vector<3x5000xf32>, vector<3x5000xf32>, vector<3x5000xf32> -> vector<268x5000xf32>
    %convert_element_type3A_443 = arith.truncf %concatenate3A_442 : vector<268x5000xf32> to vector<268x5000xbf16>
    %get3A_444 = arith.constant 0 : index
    %get3A_445 = arith.constant 0 : index
    %get3A_446 = vector.load %arg3[%get3A_444, %get3A_445] : memref<268x256xbf16, #tpu.memory_space<vmem>>, vector<268x256xbf16>
    %dot_general3A = arith.constant dense<0.000000e+00> : vector<5000x256xf32>
    %dot_general3A_447 = tpu.matmul %convert_element_type3A_443, %get3A_446, %dot_general3A {dimension_numbers = #tpu.dot_dimension_numbers<[0], [0], [1], [1], [0, 1, 1, 1], [], []>, transpose_lhs_hint = false} : vector<268x5000xbf16>, vector<268x256xbf16>, vector<5000x256xf32> -> vector<5000x256xf32>
    %get3A_448 = arith.constant 0 : index
    %get3A_449 = arith.constant 0 : index
    %get3A_450 = vector.load %arg4[%get3A_448, %get3A_449] : memref<1x256xf32, #tpu.memory_space<vmem>>, vector<1x256xf32>
    %add3A_451 = vector.broadcast %get3A_450 : vector<1x256xf32> to vector<5000x256xf32>
    %add3A_452 = arith.addf %dot_general3A_447, %add3A_451 : vector<5000x256xf32>
    %get3A_453 = arith.constant 0 : index
    %get3A_454 = arith.constant 0 : index
    %get3A_455 = vector.load %arg5[%get3A_453, %get3A_454] : memref<1x256xf32, #tpu.memory_space<vmem>>, vector<1x256xf32>
    %get3A_456 = arith.constant 0 : index
    %get3A_457 = arith.constant 0 : index
    %get3A_458 = vector.load %arg6[%get3A_456, %get3A_457] : memref<1x256xf32, #tpu.memory_space<vmem>>, vector<1x256xf32>
    %reduce_sum3A = arith.constant dense<0.000000e+00> : vector<5000xf32>
    %reduce_sum3A_459 = vector.multi_reduction <add>, %add3A_452, %reduce_sum3A [1] : vector<5000x256xf32> to vector<5000xf32>
    %broadcast_in_dim3A_460 = vector.shape_cast %reduce_sum3A_459 : vector<5000xf32> to vector<5000x1xf32>
    %div3A_461 = arith.constant 2.560000e+02 : f32
    %div3A_462 = vector.broadcast %div3A_461 : f32 to vector<5000x1xf32>
    %div3A_463 = arith.divf %broadcast_in_dim3A_460, %div3A_462 : vector<5000x1xf32>
    %sub3A_464 = vector.broadcast %div3A_463 : vector<5000x1xf32> to vector<5000x256xf32>
    %sub3A_465 = arith.subf %add3A_452, %sub3A_464 : vector<5000x256xf32>
    %mul3A_466 = arith.mulf %sub3A_465, %sub3A_465 : vector<5000x256xf32>
    %reduce_sum3A_467 = arith.constant dense<0.000000e+00> : vector<5000xf32>
    %reduce_sum3A_468 = vector.multi_reduction <add>, %mul3A_466, %reduce_sum3A_467 [1] : vector<5000x256xf32> to vector<5000xf32>
    %broadcast_in_dim3A_469 = vector.shape_cast %reduce_sum3A_468 : vector<5000xf32> to vector<5000x1xf32>
    %mul3A_470 = arith.constant 0.00392156886 : f32
    %mul3A_471 = vector.broadcast %mul3A_470 : f32 to vector<5000x1xf32>
    %mul3A_472 = arith.mulf %broadcast_in_dim3A_469, %mul3A_471 : vector<5000x1xf32>
    %add3A_473 = arith.constant 9.99999997E-7 : f32
    %add3A_474 = vector.broadcast %add3A_473 : f32 to vector<5000x1xf32>
    %add3A_475 = arith.addf %mul3A_472, %add3A_474 : vector<5000x1xf32>
    %sqrt3A_476 = math.sqrt %add3A_475 : vector<5000x1xf32>
    %add3A_477 = arith.constant 9.99999997E-7 : f32
    %add3A_478 = vector.broadcast %add3A_477 : f32 to vector<5000x1xf32>
    %add3A_479 = arith.addf %sqrt3A_476, %add3A_478 : vector<5000x1xf32>
    %div3A_480 = arith.constant 1.000000e+00 : f32
    %div3A_481 = vector.broadcast %div3A_480 : f32 to vector<5000x1xf32>
    %div3A_482 = arith.divf %div3A_481, %add3A_479 : vector<5000x1xf32>
    %mul3A_483 = vector.broadcast %get3A_455 : vector<1x256xf32> to vector<5000x256xf32>
    %mul3A_484 = vector.broadcast %div3A_482 : vector<5000x1xf32> to vector<5000x256xf32>
    %mul3A_485 = arith.mulf %mul3A_483, %mul3A_484 : vector<5000x256xf32>
    %mul3A_486 = arith.mulf %sub3A_465, %mul3A_485 : vector<5000x256xf32>
    %add3A_487 = vector.broadcast %get3A_458 : vector<1x256xf32> to vector<5000x256xf32>
    %add3A_488 = arith.addf %mul3A_486, %add3A_487 : vector<5000x256xf32>
    %swap3A = arith.constant 0 : index
    %swap3A_489 = arith.constant 0 : index
    %swap3A_490 = vector.load %arg7[%swap3A, %swap3A_489] : memref<5000x256xf32, #tpu.memory_space<vmem>>, vector<5000x256xf32>
    tpu.vector_store %arg7[%swap3A, %swap3A_489], %add3A_488 {strides = array<i32>} : memref<5000x256xf32, #tpu.memory_space<vmem>>, vector<5000x256xf32>,
    return
  }
  func.func @transform_0(%arg0: i32) -> (i32, i32) {
    %add3A = arith.constant 64 : i32
    %add3A_0 = arith.addi %arg0, %add3A : i32
    %c0_i32 = arith.constant 0 : i32
    %c0_i32_1 = arith.constant 0 : i32
    return %add3A_0, %c0_i32 : i32, i32
  }
  func.func @transform_1(%arg0: i32) -> (i32, i32) {
    %add3A = arith.constant 96 : i32
    %add3A_0 = arith.addi %arg0, %add3A : i32
    %c0_i32 = arith.constant 0 : i32
    %c0_i32_1 = arith.constant 0 : i32
    return %add3A_0, %c0_i32 : i32, i32
  }
  func.func @transform_2(%arg0: i32) -> (i32, i32) {
    %c0_i32 = arith.constant 0 : i32
    %c0_i32_0 = arith.constant 0 : i32
    %c0_i32_1 = arith.constant 0 : i32
    return %c0_i32, %c0_i32_0 : i32, i32
  }
  func.func @transform_3(%arg0: i32) -> (i32, i32) {
    %c0_i32 = arith.constant 0 : i32
    %c0_i32_0 = arith.constant 0 : i32
    %c0_i32_1 = arith.constant 0 : i32
    return %c0_i32, %c0_i32_0 : i32, i32
  }
  func.func @transform_4(%arg0: i32) -> (i32, i32) {
    %c0_i32 = arith.constant 0 : i32
    %c0_i32_0 = arith.constant 0 : i32
    %c0_i32_1 = arith.constant 0 : i32
    return %c0_i32, %c0_i32_0 : i32, i32
  }
  func.func @transform_5(%arg0: i32) -> (i32, i32) {
    %c0_i32 = arith.constant 0 : i32
    %c0_i32_0 = arith.constant 0 : i32
    %c0_i32_1 = arith.constant 0 : i32
    return %c0_i32, %c0_i32_0 : i32, i32
  }
  func.func @transform_6(%arg0: i32) -> (i32, i32) {
    %c0_i32 = arith.constant 0 : i32
    %c0_i32_0 = arith.constant 0 : i32
    return %arg0, %c0_i32 : i32, i32
  }
}

</mosaic_0001>

<sc_bundles>
// kernel: kernel.6.cloned.1.call-start
scs
__scs_entry_jumppad:
0x0: {  	(pc) =	sbr.rel $0x88, $3  }
0x1: {  	(tag) =	ssettag $0x0;
	lr =	simm.s32 $0x1  }
0x2: {  	[smem:$0x3F96] =	sst lr;
	_ =	strace $0xD0000000  }
0x3: {  	_ = 	snop  }
0x4: {  	_ = 	snop  }
0x5: {  	_ = 	snop  }
0x6: {  	_ = 	snop  }
0x7: {  	_ = 	snop  }
__scs_overlays_trampoline_lowered:
0x8: {  	[smem:$0x3FA5] =	sst s0  }
0x9: {  	[smem:$0x3FA6] =	sst s1  }
0xa: {  	[smem:$0x3FA7] =	sst s2  }
0xb: {  	[smem:$0x3FA8] =	sst s3  }
0xc: {  	[smem:$0x3FA9] =	sst s4  }
0xd: {  	[smem:$0x3FAA] =	sst s5  }
0xe: {  	[smem:$0x3FAB] =	sst s6  }
0xf: {  	[smem:$0x3FAC] =	sst s7  }
0x10: {  	[smem:$0x3FAD] =	sst s8  }
0x11: {  	[smem:$0x3FAE] =	sst s9;
	s0 =	simm.s32 @!p0 $0x0  }
0x12: {  	s1 =	sld [smem:$0x3F94];
	s0 =	simm.s32 @p0 $0x1  }
0x13: {  	[smem:$0x3FAF] =	sst s0;
	s0 =	simm.s32 @!p1 $0x0  }
0x14: {  	s2 =	sld [smem:$0x3F93];
	s0 =	simm.s32 @p1 $0x1  }
0x15: {  	[smem:$0x3FB0] =	sst s0;
	s0 =	simm.s32 @!p2 $0x0  }
0x16: {  	s3 =	sld [smem:$0x3FDB];
	s0 =	simm.s32 @p2 $0x1  }
0x17: {  	s4 =	simm.s32 $0x1BF5;
	[smem:$0x3FB2] =	sst s0  }
0x18: {  	s0 =	sld [smem:$0x3F95];
	_ =	swait.ge [sflag:s4], $0x0  }
0x19: {  	s7 =	sld [smem:$0x3F96]  }
0x1a: {  	s8 =	sadd.s32 $0xFFFFE003, lr  }
0x1b: {  	s9 =	sadd.s32 $0xFFFFFEF7, lr;
	s5 =	simm.s32 $0xFFFFFFFF;
	p2 =	slt.u32 s8, $0xFFFFF086  }
0x1c: {  	p1 =	slt.u32 s9, $0xF7A;
	s5 =	simm.s32 @!p2 $0x0  }
0x1d: {  	s5 =	simm.s32 @p1 $0x1;
	p0 =	seq.s32 s7, s2  }
0x1e: {  	s7 =	smul.u32 @!p0 $0xF7A, s2;
	p2 =	seq.s32 @!p0 s5, $0x0  }
0x1f: {  	s9 =	smul.u32 $0xF7A, s1;
	s8 =	simm.s32 @!p0 $0x1BF5;
	p2 =	por !p2, p0  }
0x20: {  	[sflag:s8] =	ssyncset.s32 @!p0 $0xFFFFF086;
	s6 =	sadd.s32 @!p0 s3, s7;
	s7 =	simm.s32 @!p0 $0x108  }
0x21: {  	s3 =	sadd.s32 s3, s9;
	s6 =	sadd.s32 @!p0 $0x88, s6;
	s7 =	simm.s32 @p2 $0x1082  }
0x22: {  	[simem:s7], [sflag:s8] =	dma.local @!p0 [hbm:s6], $0xF7A  }
0x23: {  	s9 =	sor.u32 $0xD0000000, s2;
	s6 =	simm.s32 $0x108;
	_ =	swait.ge @!p0 [sflag:s8], $0x0  }
0x24: {  	s3 =	sadd.s32 $0x88, s3;
	s6 =	simm.s32 @!p1 $0x1082;
	[sflag:s4] =	ssyncset.s32 $0xFFFFF086  }
0x25: {  	[simem:s6], [sflag:s4] =	dma.local [hbm:s3], $0xF7A  }
0x26: {  	[smem:$0x3F96] =	sst s1;
	(tag) =	ssettag s2;
	_ =	strace s9  }
0x27: {  	s1 =	sld [smem:$0x3FA6]  }
0x28: {  	s2 =	sld [smem:$0x3FA7]  }
0x29: {  	s4 =	sld [smem:$0x3FA9]  }
0x2a: {  	p0 =	seq.s32 s5, $0x0;
	s5 =	sld [smem:$0x3FAA]  }
0x2b: {  	s6 =	sld [smem:$0x3FAB]  }
0x2c: {  	s7 =	sld [smem:$0x3FAC]  }
0x2d: {  	s3 =	simm.s32 $0x108;
	s8 =	sld [smem:$0x3FAD]  }
0x2e: {  	s3 =	simm.s32 @!p0 $0x1082;
	s9 =	sld [smem:$0x3FAE]  }
0x2f: {  	lr =	sadd.s32 s0, s3;
	s0 =	sld [smem:$0x3FA5]  }
0x30: {  	s3 =	sld [smem:$0x3FA8]  }
0x31: {  	[smem:$0x3FB1] =	sst s10  }
0x32: {  	s10 =	sld [smem:$0x3FAF];
	_ =	sdelay $0x3  }
0x33: {  	p0 =	seq.s32 s10, $0x1;
	s10 =	sld [smem:$0x3FB1];
	_ =	sdelay $0x3  }
0x34: {  	[smem:$0x3FB1] =	sst s10  }
0x35: {  	s10 =	sld [smem:$0x3FB0];
	_ =	sdelay $0x3  }
0x36: {  	p1 =	seq.s32 s10, $0x1;
	s10 =	sld [smem:$0x3FB1];
	_ =	sdelay $0x3  }
0x37: {  	[smem:$0x3FB1] =	sst s10  }
0x38: {  	s10 =	sld [smem:$0x3FB2]  }
0x39: {  	_ = 	snop;
	(pc) =	sbr.ind lr, $3  }
0x3a: {  	_ = 	snop  }
0x3b: {  	_ = 	snop  }
0x3c: {  	p2 =	seq.s32 s10, $0x1;
	s10 =	sld [smem:$0x3FB1]  }
0x3d: {  	_ =	shalt  }
0x3e: {  	_ =	shalt  }
0x3f: {  	_ =	shalt  }
0x40: {  	_ =	shalt  }
0x41: {  	_ =	shalt  }
0x42: {  	_ =	shalt  }
0x43: {  	_ =	shalt  }
0x44: {  	_ =	shalt  }
0x45: {  	_ =	shalt  }
0x46: {  	_ =	shalt  }
0x47: {  	_ =	shalt  }
0x48: {  	_ =	shalt  }
0x49: {  	_ =	shalt  }
0x4a: {  	_ =	shalt  }
0x4b: {  	_ =	shalt  }
0x4c: {  	_ =	shalt  }
0x4d: {  	_ =	shalt  }
0x4e: {  	_ =	shalt  }
0x4f: {  	_ =	shalt  }
0x50: {  	_ =	shalt  }
0x51: {  	_ =	shalt  }
0x52: {  	_ =	shalt  }
0x53: {  	_ =	shalt  }
0x54: {  	_ =	shalt  }
0x55: {  	_ =	shalt  }
0x56: {  	_ =	shalt  }
0x57: {  	_ =	shalt  }
0x58: {  	_ =	shalt  }
0x59: {  	_ =	shalt  }
0x5a: {  	_ =	shalt  }
0x5b: {  	_ =	shalt  }
0x5c: {  	_ =	shalt  }
0x5d: {  	_ =	shalt  }
0x5e: {  	_ =	shalt  }
0x5f: {  	_ =	shalt  }
0x60: {  	_ =	shalt  }
0x61: {  	_ =	shalt  }
0x62: {  	_ =	shalt  }
0x63: {  	_ =	shalt  }
0x64: {  	_ =	shalt  }
0x65: {  	_ =	shalt  }
0x66: {  	_ =	shalt  }
0x67: {  	_ =	shalt  }
0x68: {  	_ =	shalt  }
0x69: {  	_ =	shalt  }
0x6a: {  	_ =	shalt  }
0x6b: {  	_ =	shalt  }
0x6c: {  	_ =	shalt  }
0x6d: {  	_ =	shalt  }
0x6e: {  	_ =	shalt  }
0x6f: {  	_ =	shalt  }
0x70: {  	_ =	shalt  }
0x71: {  	_ =	shalt  }
0x72: {  	_ =	shalt  }
0x73: {  	_ =	shalt  }
0x74: {  	_ =	shalt  }
0x75: {  	_ =	shalt  }
0x76: {  	_ =	shalt  }
0x77: {  	_ =	shalt  }
0x78: {  	_ =	shalt  }
0x79: {  	_ =	shalt  }
0x7a: {  	_ =	shalt  }
0x7b: {  	_ =	shalt  }
0x7c: {  	_ =	shalt  }
0x7d: {  	_ =	shalt  }
0x7e: {  	_ =	shalt  }
0x7f: {  	_ =	shalt  }
0x80: {  	_ =	shalt  }
0x81: {  	_ =	shalt  }
0x82: {  	_ =	shalt  }
0x83: {  	_ =	shalt  }
0x84: {  	_ =	shalt  }
0x85: {  	_ =	shalt  }
0x86: {  	_ =	shalt  }
0x87: {  	_ =	shalt  }
.Lfunc_end0:
.L_simem_size_0:
called_computation_lowered:
.L_overlay_start_0:
0x88: {  	s2 =	sld [smem:$0x3FD9]  }
0x89: {  	s3 =	sld [smem:$0x3FFE];
	_ =	sdelay $0x1  }
0x8a: {  	s1 =	srdreg.scid  }
0x8b: {  	s0 =	sand.u32 $0x1, s1  }
0x8c: {  	s14 =	sshll.u32 s0, $0xA;
	s2 =	sadd.s32 s3, s2  }
0x8d: {  	s2 =	sadd.s32 s2, s14  }
0x8e: {  	[smem:$0x3FBD] =	sst s2  }
0x8f: {  	_ = 	snop  }
0x90: {  	s2 =	sld [smem:$0x3FD0];
	_ =	sdelay $0x2  }
0x91: {  	s15 =	simm.s32 $0xA;
	s4 =	simm.s32 $0x10  }
0x92: {  	[smem:s4], [sflag:s15] =	dma.local [hbm:s2], $0x1  }
0x93: {  	_ =	swait.eq [sflag:s15], $0x1  }
0x94: {  	[sflag:s15] =	ssyncset.done $0x0  }
0x95: {  	s16 =	sld [smem:$0x11];
	[sflag:s15] =	ssyncadd.s32 $0xFFFFFFFF  }
0x96: {  	s17 =	sld [smem:$0x12];
	(tm) =	ssettm $0x1  }
0x97: {  	s18 =	sld [smem:$0x3FFB];
	_ =	sdelay $0x3  }
0x98: {  	_ =	strace s18  }
0x99: {  	s4 =	sld [smem:$0x3FFC];
	_ =	sdelay $0x3  }
0x9a: {  	_ =	strace s4  }
0x9b: {  	s4 =	sld [smem:$0x3FFD];
	_ =	sdelay $0x3  }
0x9c: {  	_ =	strace s4  }
0x9d: {  	_ =	strace $0x8FFFFFFF  }
0x9e: {  	s19 =	sld [smem:$0x3FDB];
	_ =	sdelay $0x1  }
0x9f: {  	s5 =	simm.s32 $_scs_section_size  }
0xa0: {  	s6 =	simm.s32 $_size__tile_overlayer_lowered;
	s7 =	simm.s32 $_tile_overlayer_lowered  }
0xa1: {  	s22 =	simm.s32 $0x1BFF;
	s21 =	sshll.u32 s7, $0x1;
	s4 =	sadd.s32 s5, s19  }
0xa2: {  	s8 =	simm.s32 $0x0;
	s20 =	sshll.u32 s6, $0x1;
	s6 =	sadd.s32 s21, s4  }
0xa3: {  	[timem:s8], [sflag:s22] =	dma.local [hbm:s6], s20  }
0xa4: {  	_ =	swait.ge [sflag:s22], s20  }
0xa5: {  	s5 =	ssub.s32 $0x0, s20;
	[sflag:s22] =	ssyncset.done $0x0  }
0xa6: {  	[sflag:s22] =	ssyncadd.s32 s5;
	_ =	sdelay $0x1  }
0xa7: {  	s23 =	simm.s32 $0x1B8B  }
0xa8: {  	_ =	swait.ge [sflag:s23], $0x1  }
0xa9: {  	[sflag:s23] =	ssyncset.done $0x0  }
0xaa: {  	s25 =	simm.s32 $0x1B8E;
	s24 =	sld [smem:$0x3FFE];
	[sflag:s23] =	ssyncadd.s32 $0xFFFFFFFF  }
0xab: {  	s26 =	simm.s32 $execute0_lowered;
	[smem:$0x3FD2] =	sst s25  }
0xac: {  	s6 =	sshll.u32 s26, $0x1;
	_ =	strace $0x80000046;
	[dreg:$0x1] =	wrdreg $0xFFFFFFFF  }
0xad: {  	s28 =	simm.s32 $_size_execute0_lowered;
	s4 =	sadd.s32 s4, s6;
	[dreg:$0x0] =	wrdreg $0x0  }
0xae: {  	s6 =	sshll.u32 s28, $0x1;
	[dreg:$0x2] =	wrdreg s4  }
0xaf: {  	[dreg:$0x3] =	wrdreg s6  }
0xb0: {  	[dreg:$0x4] =	wrdreg $0xC0  }
0xb1: {  	_ =	task [dreg:s8], $0x5FFFF  }
0xb2: {  	[dreg:$0x1] =	wrdreg $0xFFFFFFFF  }
0xb3: {  	[dreg:$0x0] =	wrdreg $0x60  }
0xb4: {  	[dreg:$0x2] =	wrdreg s24  }
0xb5: {  	[dreg:$0x3] =	wrdreg s16  }
0xb6: {  	[dreg:$0x4] =	wrdreg s17  }
0xb7: {  	[dreg:$0x5] =	wrdreg $0x9  }
0xb8: {  	_ =	task.clear_ibuf [dreg:s8], $0x6FFFF;
	_ =	strace $0x90000046  }
0xb9: {  	s29 =	simm.s32 $0x9;
	_ =	strace $0x80000048  }
0xba: {  	_ =	swait.ge [sflag:s29], $0x1  }
0xbb: {  	[sflag:s29] =	ssyncadd.s32 $0xFFFFFFFF  }
0xbc: {  	_ =	strace $0x90000048  }
0xbd: {  	_ =	sfence  }
0xbe: {  	s30 =	sld [smem:$0x0];
	_ =	sdelay $0x2  }
0xbf: {  	s31 =	sshll.u32 s1, $0xD;
	s1 =	sshrl.u32 s1, $0x2  }
0xc0: {  	s3 =	sand.u32 $0x4000, s31;
	s1 =	sadd.s32 s1, s30  }
0xc1: {  	s0 =	sor.u32 s3, s0;
	s1 =	sshll.u32 s1, $0x11  }
0xc2: {  	s0 =	sor.u32 s1, s0  }
0xc3: {  	s0 =	sadd.s32 $0x8F2B, s0  }
0xc4: {  	[sflag:s0] =	ssyncadd.remote.s32 $0x1  }
0xc5: {  	_ =	sfence.sel $0xFFFF  }
0xc6: {  	[dreg:$0x0] =	wrdreg $0xFFFFFFFF;
	(pc) =	sbr.abs _section_cstart, $3  }
0xc7: {  	[dreg:$0x1] =	wrdreg $0xFFFFFFFF  }
0xc8: {  	_ =	task.clear_ibuf [dreg:s8], $0x2FFFF;
	_ =	strace $0x9FFFFFFF  }
0xc9: {  	(tm) =	ssettm $0x7FFFFFFF  }
tec
execute0_lowered:
.L_overlay_start_1:
0x0: {  	(tag) =	ssettag $0x1  }
0x1: {  	s1 =	srdreg.scid;
	s0 =	stileid.u32  }
0x2: {  	s1 =	sand.u32 $0x1, s1;
	s2 =	sshll.u32 s0, $0x1  }
0x3: {  	s4 =	rddreg [dreg:$0x0];
	s10 =	sor.u32 s1, s2  }
0x4: {  	s29 =	rddreg [dreg:$0x1];
	s30 =	smul.u32 $0x4E20, s10  }
0x5: {  	s31 =	rddreg [dreg:$0x2]  }
0x6: {  	[dreg:$0x5] =	wrdreg s1;
	s2 =	simm.s32 $0x0;
	s3 =	sshrl.u32 s30, $0x3  }
0x7: {  	[smem:$0x7FF] =	sst s2;
	s3 =	sadd.s32 s29, s3  }
0x8: {  	_ =	strace $0x80000047;
	[dreg:$0x4] =	wrdreg s3  }
0x9: {  	s3 =	simm.s32 $0x5;
	s5 =	rddreg [dreg:$0x4]  }
0xa: {  	[tilespmem:s2], [sflag:$0x5] =	stream.linear.gather [hbm4b:s5+s2], $0x7D0, $0x38;
	[tilespmem:$0x109A0] =	vst v63  }
0xb: {  	s6 =	simm.s32 $0xFA0;
	_ =	swait.ge [sflag:s3], $0x7D0  }
0xc: {  	s4 =	sadd.s32 $0x1800, s4;
	s14 =	sadd.s32 $0x7D0, s30;
	[sflag:s3] =	ssyncset.done $0x0  }
0xd: {  	s7 =	sshrl.u32 s14, $0x3;
	s5 =	simm.s32 $0x7D0;
	[sflag:s3] =	ssyncadd.s32 $0xFFFFF830  }
0xe: {  	[tilespmem:s6], [sflag:$0x1] =	stream.indirect.gather [hbm4b:s4+s5], $0x10, s2, s5, $0xb8;
	[tilespmem:$0x109A0] =	vst v63  }
0xf: {  	s7 =	sadd.s32 s29, s7  }
0x10: {  	[tilespmem:s5], [sflag:$0x5] =	stream.linear.gather [hbm4b:s7+s2], $0x7D0, $0x38;
	[tilespmem:$0x109A0] =	vst v63  }
0x11: {  	_ =	swait.ge [sflag:s3], $0x7D0  }
0x12: {  	[sflag:s3] =	ssyncset.done $0x0  }
0x13: {  	s8 =	simm.s32 $0x8CA0;
	s9 =	simm.s32 $0x1;
	[sflag:s3] =	ssyncadd.s32 $0xFFFFF830  }
0x14: {  	[tilespmem:s8], [sflag:$0x2] =	stream.indirect.gather [hbm4b:s4+s5], $0x10, s5, s5, $0xb8;
	[tilespmem:$0x109A0] =	vst v63  }
0x15: {  	s10 =	smul.u32 $0x9C40, s10;
	_ =	swait.ge [sflag:s9], $0x7D00  }
0x16: {  	s17 =	sadd.s32 $0xFA0, s30;
	[sflag:s9] =	ssyncset.done $0x0  }
0x17: {  	s10 =	sadd.s32 s31, s10;
	s11 =	sshrl.u32 s17, $0x3;
	[sflag:s9] =	ssyncadd.s32 $0xFFFF8300  }
0x18: {  	[hbm4b:s10+s2] =	stream.linear.scatter [tilespmem:s6], [sflag:$0x3], $0x7D00, $0x38;
	[tilespmem:$0x109A0] =	vst v63  }
0x19: {  	s11 =	sadd.s32 s29, s11  }
0x1a: {  	[tilespmem:s2], [sflag:$0x5] =	stream.linear.gather [hbm4b:s11+s2], $0x7D0, $0x38;
	[tilespmem:$0x109A0] =	vst v63  }
0x1b: {  	_ =	swait.ge [sflag:s3], $0x7D0  }
0x1c: {  	[sflag:s3] =	ssyncset.done $0x0  }
0x1d: {  	s12 =	simm.s32 $0x3;
	[sflag:s3] =	ssyncadd.s32 $0xFFFFF830  }
0x1e: {  	_ =	swait.ge [sflag:s12], $0x7D00  }
0x1f: {  	[sflag:s12] =	ssyncset.done $0x0  }
0x20: {  	s13 =	simm.s32 $0x2;
	[sflag:s12] =	ssyncadd.s32 $0xFFFF8300  }
0x21: {  	[tilespmem:s6], [sflag:$0x1] =	stream.indirect.gather [hbm4b:s4+s5], $0x10, s2, s5, $0xb8;
	[tilespmem:$0x109A0] =	vst v63  }
0x22: {  	_ =	swait.ge [sflag:s13], $0x7D00  }
0x23: {  	s19 =	sadd.s32 $0x1770, s30;
	s14 =	sshll.u32 s14, $0x1;
	[sflag:s13] =	ssyncset.done $0x0  }
0x24: {  	s15 =	sshrl.u32 s19, $0x3;
	s14 =	sadd.s32 s31, s14;
	[sflag:s13] =	ssyncadd.s32 $0xFFFF8300  }
0x25: {  	[hbm4b:s14+s2] =	stream.linear.scatter [tilespmem:s8], [sflag:$0x4], $0x7D00, $0x38;
	[tilespmem:$0x109A0] =	vst v63  }
0x26: {  	s15 =	sadd.s32 s29, s15  }
0x27: {  	[tilespmem:s5], [sflag:$0x5] =	stream.linear.gather [hbm4b:s15+s2], $0x7D0, $0x38;
	[tilespmem:$0x109A0] =	vst v63  }
0x28: {  	_ =	swait.ge [sflag:s3], $0x7D0  }
0x29: {  	[sflag:s3] =	ssyncset.done $0x0  }
0x2a: {  	s16 =	simm.s32 $0x4;
	[sflag:s3] =	ssyncadd.s32 $0xFFFFF830  }
0x2b: {  	_ =	swait.ge [sflag:s16], $0x7D00  }
0x2c: {  	[sflag:s16] =	ssyncset.done $0x0  }
0x2d: {  	[sflag:s16] =	ssyncadd.s32 $0xFFFF8300  }
0x2e: {  	[tilespmem:s8], [sflag:$0x2] =	stream.indirect.gather [hbm4b:s4+s5], $0x10, s5, s5, $0xb8;
	[tilespmem:$0x109A0] =	vst v63  }
0x2f: {  	_ =	swait.ge [sflag:s9], $0x7D00  }
0x30: {  	s21 =	sadd.s32 $0x1F40, s30;
	s17 =	sshll.u32 s17, $0x1;
	[sflag:s9] =	ssyncset.done $0x0  }
0x31: {  	s18 =	sshrl.u32 s21, $0x3;
	s17 =	sadd.s32 s31, s17;
	[sflag:s9] =	ssyncadd.s32 $0xFFFF8300  }
0x32: {  	[hbm4b:s17+s2] =	stream.linear.scatter [tilespmem:s6], [sflag:$0x3], $0x7D00, $0x38;
	[tilespmem:$0x109A0] =	vst v63  }
0x33: {  	s18 =	sadd.s32 s29, s18  }
0x34: {  	[tilespmem:s2], [sflag:$0x5] =	stream.linear.gather [hbm4b:s18+s2], $0x7D0, $0x38;
	[tilespmem:$0x109A0] =	vst v63  }
0x35: {  	_ =	swait.ge [sflag:s3], $0x7D0  }
0x36: {  	[sflag:s3] =	ssyncset.done $0x0  }
0x37: {  	[sflag:s3] =	ssyncadd.s32 $0xFFFFF830  }
0x38: {  	_ =	swait.ge [sflag:s12], $0x7D00  }
0x39: {  	[sflag:s12] =	ssyncset.done $0x0  }
0x3a: {  	[sflag:s12] =	ssyncadd.s32 $0xFFFF8300  }
0x3b: {  	[tilespmem:s6], [sflag:$0x1] =	stream.indirect.gather [hbm4b:s4+s5], $0x10, s2, s5, $0xb8;
	[tilespmem:$0x109A0] =	vst v63  }
0x3c: {  	_ =	swait.ge [sflag:s13], $0x7D00  }
0x3d: {  	s23 =	sadd.s32 $0x2710, s30;
	s19 =	sshll.u32 s19, $0x1;
	[sflag:s13] =	ssyncset.done $0x0  }
0x3e: {  	s20 =	sshrl.u32 s23, $0x3;
	s19 =	sadd.s32 s31, s19;
	[sflag:s13] =	ssyncadd.s32 $0xFFFF8300  }
0x3f: {  	[hbm4b:s19+s2] =	stream.linear.scatter [tilespmem:s8], [sflag:$0x4], $0x7D00, $0x38;
	[tilespmem:$0x109A0] =	vst v63  }
0x40: {  	s20 =	sadd.s32 s29, s20  }
0x41: {  	[tilespmem:s5], [sflag:$0x5] =	stream.linear.gather [hbm4b:s20+s2], $0x7D0, $0x38;
	[tilespmem:$0x109A0] =	vst v63  }
0x42: {  	_ =	swait.ge [sflag:s3], $0x7D0  }
0x43: {  	[sflag:s3] =	ssyncset.done $0x0  }
0x44: {  	[sflag:s3] =	ssyncadd.s32 $0xFFFFF830  }
0x45: {  	_ =	swait.ge [sflag:s16], $0x7D00  }
0x46: {  	[sflag:s16] =	ssyncset.done $0x0  }
0x47: {  	[sflag:s16] =	ssyncadd.s32 $0xFFFF8300  }
0x48: {  	[tilespmem:s8], [sflag:$0x2] =	stream.indirect.gather [hbm4b:s4+s5], $0x10, s5, s5, $0xb8;
	[tilespmem:$0x109A0] =	vst v63  }
0x49: {  	_ =	swait.ge [sflag:s9], $0x7D00  }
0x4a: {  	s25 =	sadd.s32 $0x2EE0, s30;
	s21 =	sshll.u32 s21, $0x1;
	[sflag:s9] =	ssyncset.done $0x0  }
0x4b: {  	s22 =	sshrl.u32 s25, $0x3;
	s21 =	sadd.s32 s31, s21;
	[sflag:s9] =	ssyncadd.s32 $0xFFFF8300  }
0x4c: {  	[hbm4b:s21+s2] =	stream.linear.scatter [tilespmem:s6], [sflag:$0x3], $0x7D00, $0x38;
	[tilespmem:$0x109A0] =	vst v63  }
0x4d: {  	s22 =	sadd.s32 s29, s22  }
0x4e: {  	[tilespmem:s2], [sflag:$0x5] =	stream.linear.gather [hbm4b:s22+s2], $0x7D0, $0x38;
	[tilespmem:$0x109A0] =	vst v63  }
0x4f: {  	_ =	swait.ge [sflag:s3], $0x7D0  }
0x50: {  	[sflag:s3] =	ssyncset.done $0x0  }
0x51: {  	[sflag:s3] =	ssyncadd.s32 $0xFFFFF830  }
0x52: {  	_ =	swait.ge [sflag:s12], $0x7D00  }
0x53: {  	[sflag:s12] =	ssyncset.done $0x0  }
0x54: {  	[sflag:s12] =	ssyncadd.s32 $0xFFFF8300  }
0x55: {  	[tilespmem:s6], [sflag:$0x1] =	stream.indirect.gather [hbm4b:s4+s5], $0x10, s2, s5, $0xb8;
	[tilespmem:$0x109A0] =	vst v63  }
0x56: {  	_ =	swait.ge [sflag:s13], $0x7D00  }
0x57: {  	s28 =	sadd.s32 $0x36B0, s30;
	s23 =	sshll.u32 s23, $0x1;
	[sflag:s13] =	ssyncset.done $0x0  }
0x58: {  	s24 =	sshrl.u32 s28, $0x3;
	s23 =	sadd.s32 s31, s23;
	[sflag:s13] =	ssyncadd.s32 $0xFFFF8300  }
0x59: {  	[hbm4b:s23+s2] =	stream.linear.scatter [tilespmem:s8], [sflag:$0x4], $0x7D00, $0x38;
	[tilespmem:$0x109A0] =	vst v63  }
0x5a: {  	s24 =	sadd.s32 s29, s24  }
0x5b: {  	[tilespmem:s5], [sflag:$0x5] =	stream.linear.gather [hbm4b:s24+s2], $0x7D0, $0x38;
	[tilespmem:$0x109A0] =	vst v63  }
0x5c: {  	_ =	swait.ge [sflag:s3], $0x7D0  }
0x5d: {  	[sflag:s3] =	ssyncset.done $0x0  }
0x5e: {  	[sflag:s3] =	ssyncadd.s32 $0xFFFFF830  }
0x5f: {  	_ =	swait.ge [sflag:s16], $0x7D00  }
0x60: {  	[sflag:s16] =	ssyncset.done $0x0  }
0x61: {  	[sflag:s16] =	ssyncadd.s32 $0xFFFF8300  }
0x62: {  	[tilespmem:s8], [sflag:$0x2] =	stream.indirect.gather [hbm4b:s4+s5], $0x10, s5, s5, $0xb8;
	[tilespmem:$0x109A0] =	vst v63  }
0x63: {  	_ =	swait.ge [sflag:s9], $0x7D00  }
0x64: {  	s1 =	sadd.s32 $0x3E80, s30;
	s25 =	sshll.u32 s25, $0x1;
	[sflag:s9] =	ssyncset.done $0x0  }
0x65: {  	s26 =	sshrl.u32 s1, $0x3;
	s25 =	sadd.s32 s31, s25;
	[sflag:s9] =	ssyncadd.s32 $0xFFFF8300  }
0x66: {  	[hbm4b:s25+s2] =	stream.linear.scatter [tilespmem:s6], [sflag:$0x3], $0x7D00, $0x38;
	[tilespmem:$0x109A0] =	vst v63  }
0x67: {  	s26 =	sadd.s32 s29, s26  }
0x68: {  	[tilespmem:s2], [sflag:$0x5] =	stream.linear.gather [hbm4b:s26+s2], $0x7D0, $0x38;
	[tilespmem:$0x109A0] =	vst v63  }
0x69: {  	_ =	swait.ge [sflag:s3], $0x7D0  }
0x6a: {  	[sflag:s3] =	ssyncset.done $0x0  }
0x6b: {  	[sflag:s3] =	ssyncadd.s32 $0xFFFFF830  }
0x6c: {  	_ =	swait.ge [sflag:s12], $0x7D00  }
0x6d: {  	[sflag:s12] =	ssyncset.done $0x0  }
0x6e: {  	[sflag:s12] =	ssyncadd.s32 $0xFFFF8300  }
0x6f: {  	[tilespmem:s6], [sflag:$0x1] =	stream.indirect.gather [hbm4b:s4+s5], $0x10, s2, s5, $0xb8;
	[tilespmem:$0x109A0] =	vst v63  }
0x70: {  	_ =	swait.ge [sflag:s13], $0x7D00  }
0x71: {  	s0 =	sadd.s32 $0x4650, s30;
	s28 =	sshll.u32 s28, $0x1;
	[sflag:s13] =	ssyncset.done $0x0  }
0x72: {  	s30 =	sshrl.u32 s0, $0x3;
	s28 =	sadd.s32 s31, s28;
	[sflag:s13] =	ssyncadd.s32 $0xFFFF8300  }
0x73: {  	[hbm4b:s28+s2] =	stream.linear.scatter [tilespmem:s8], [sflag:$0x4], $0x7D00, $0x38;
	[tilespmem:$0x109A0] =	vst v63  }
0x74: {  	s29 =	sadd.s32 s29, s30  }
0x75: {  	[tilespmem:s5], [sflag:$0x5] =	stream.linear.gather [hbm4b:s29+s2], $0x7D0, $0x38;
	[tilespmem:$0x109A0] =	vst v63  }
0x76: {  	_ =	swait.ge [sflag:s3], $0x7D0  }
0x77: {  	[sflag:s3] =	ssyncset.done $0x0  }
0x78: {  	[sflag:s3] =	ssyncadd.s32 $0xFFFFF830  }
0x79: {  	_ =	swait.ge [sflag:s16], $0x7D00  }
0x7a: {  	[sflag:s16] =	ssyncset.done $0x0  }
0x7b: {  	[sflag:s16] =	ssyncadd.s32 $0xFFFF8300  }
0x7c: {  	[tilespmem:s8], [sflag:$0x2] =	stream.indirect.gather [hbm4b:s4+s5], $0x10, s5, s5, $0xb8;
	[tilespmem:$0x109A0] =	vst v63  }
0x7d: {  	_ =	swait.ge [sflag:s9], $0x7D00  }
0x7e: {  	s1 =	sshll.u32 s1, $0x1;
	[sflag:s9] =	ssyncset.done $0x0  }
0x7f: {  	s30 =	sadd.s32 s31, s1;
	[sflag:s9] =	ssyncadd.s32 $0xFFFF8300  }
0x80: {  	[hbm4b:s30+s2] =	stream.linear.scatter [tilespmem:s6], [sflag:$0x3], $0x7D00, $0x38;
	[tilespmem:$0x109A0] =	vst v63  }
0x81: {  	_ =	swait.ge [sflag:s13], $0x7D00  }
0x82: {  	s0 =	sshll.u32 s0, $0x1;
	[sflag:s13] =	ssyncset.done $0x0;
	s1 =	rddreg [dreg:$0x5]  }
0x83: {  	s31 =	sadd.s32 s31, s0;
	s0 =	ssub.s32 $0x2, s1;
	[sflag:s13] =	ssyncadd.s32 $0xFFFF8300  }
0x84: {  	[hbm4b:s31+s2] =	stream.linear.scatter [tilespmem:s8], [sflag:$0x4], $0x7D00, $0x38;
	[tilespmem:$0x109A0] =	vst v63  }
0x85: {  	s1 =	sshrl.u32 s0, $0x1  }
0x86: {  	s0 =	ssub.s32 s0, s1  }
0x87: {  	s0 =	smax.u32 s0, $0x1  }
0x88: {  	p0 =	sne.s32 s0, $0x1  }
.Ltmp0:
0x89: {  	_ =	swait.ge [sflag:s12], $0x7D00;
	(pc) =	sbr.rel @!p0 .LBB2_2-.Ltmp0, $4  }
0x8a: {  	[sflag:s12] =	ssyncset.done $0x0  }
0x8b: {  	[sflag:s12] =	ssyncadd.s32 $0xFFFF8300  }
0x8c: {  	_ =	swait.ge [sflag:s16], $0x7D00  }
0x8d: {  	s1 =	sadd.s32 $0xFFFFFFFF, s0;
	[sflag:s16] =	ssyncset.done $0x0  }
.LBB2_1:
0x8e: {  	s0 =	rddreg [dreg:$0x4];
	[sflag:s16] =	ssyncadd.s32 $0xFFFF8300  }
0x8f: {  	[tilespmem:s2], [sflag:$0x5] =	stream.linear.gather [hbm4b:s0+s2], $0x7D0, $0x38;
	[tilespmem:$0x109A0] =	vst v63  }
0x90: {  	_ =	swait.ge [sflag:s3], $0x7D0  }
0x91: {  	[sflag:s3] =	ssyncset.done $0x0  }
0x92: {  	[sflag:s3] =	ssyncadd.s32 $0xFFFFF830  }
0x93: {  	[tilespmem:s6], [sflag:$0x1] =	stream.indirect.gather [hbm4b:s4+s5], $0x10, s2, s5, $0xb8;
	[tilespmem:$0x109A0] =	vst v63  }
0x94: {  	_ = 	snop  }
0x95: {  	[tilespmem:s5], [sflag:$0x5] =	stream.linear.gather [hbm4b:s7+s2], $0x7D0, $0x38;
	[tilespmem:$0x109A0] =	vst v63  }
0x96: {  	_ =	swait.ge [sflag:s3], $0x7D0  }
0x97: {  	[sflag:s3] =	ssyncset.done $0x0  }
0x98: {  	[sflag:s3] =	ssyncadd.s32 $0xFFFFF830  }
0x99: {  	[tilespmem:s8], [sflag:$0x2] =	stream.indirect.gather [hbm4b:s4+s5], $0x10, s5, s5, $0xb8;
	[tilespmem:$0x109A0] =	vst v63  }
0x9a: {  	_ =	swait.ge [sflag:s9], $0x7D00  }
0x9b: {  	[sflag:s9] =	ssyncset.done $0x0  }
0x9c: {  	[sflag:s9] =	ssyncadd.s32 $0xFFFF8300  }
0x9d: {  	[hbm4b:s10+s2] =	stream.linear.scatter [tilespmem:s6], [sflag:$0x3], $0x7D00, $0x38;
	[tilespmem:$0x109A0] =	vst v63  }
0x9e: {  	_ = 	snop  }
0x9f: {  	[tilespmem:s2], [sflag:$0x5] =	stream.linear.gather [hbm4b:s11+s2], $0x7D0, $0x38;
	[tilespmem:$0x109A0] =	vst v63  }
0xa0: {  	_ =	swait.ge [sflag:s3], $0x7D0  }
0xa1: {  	[sflag:s3] =	ssyncset.done $0x0  }
0xa2: {  	[sflag:s3] =	ssyncadd.s32 $0xFFFFF830  }
0xa3: {  	_ =	swait.ge [sflag:s12], $0x7D00  }
0xa4: {  	[sflag:s12] =	ssyncset.done $0x0  }
0xa5: {  	[sflag:s12] =	ssyncadd.s32 $0xFFFF8300  }
0xa6: {  	[tilespmem:s6], [sflag:$0x1] =	stream.indirect.gather [hbm4b:s4+s5], $0x10, s2, s5, $0xb8;
	[tilespmem:$0x109A0] =	vst v63  }
0xa7: {  	_ =	swait.ge [sflag:s13], $0x7D00  }
0xa8: {  	[sflag:s13] =	ssyncset.done $0x0  }
0xa9: {  	[sflag:s13] =	ssyncadd.s32 $0xFFFF8300  }
0xaa: {  	[hbm4b:s14+s2] =	stream.linear.scatter [tilespmem:s8], [sflag:$0x4], $0x7D00, $0x38;
	[tilespmem:$0x109A0] =	vst v63  }
0xab: {  	_ = 	snop  }
0xac: {  	[tilespmem:s5], [sflag:$0x5] =	stream.linear.gather [hbm4b:s15+s2], $0x7D0, $0x38;
	[tilespmem:$0x109A0] =	vst v63  }
0xad: {  	_ =	swait.ge [sflag:s3], $0x7D0  }
0xae: {  	[sflag:s3] =	ssyncset.done $0x0  }
0xaf: {  	[sflag:s3] =	ssyncadd.s32 $0xFFFFF830  }
0xb0: {  	_ =	swait.ge [sflag:s16], $0x7D00  }
0xb1: {  	[sflag:s16] =	ssyncset.done $0x0  }
0xb2: {  	[sflag:s16] =	ssyncadd.s32 $0xFFFF8300  }
0xb3: {  	[tilespmem:s8], [sflag:$0x2] =	stream.indirect.gather [hbm4b:s4+s5], $0x10, s5, s5, $0xb8;
	[tilespmem:$0x109A0] =	vst v63  }
0xb4: {  	_ =	swait.ge [sflag:s9], $0x7D00  }
0xb5: {  	[sflag:s9] =	ssyncset.done $0x0  }
0xb6: {  	[sflag:s9] =	ssyncadd.s32 $0xFFFF8300  }
0xb7: {  	[hbm4b:s17+s2] =	stream.linear.scatter [tilespmem:s6], [sflag:$0x3], $0x7D00, $0x38;
	[tilespmem:$0x109A0] =	vst v63  }
0xb8: {  	_ = 	snop  }
0xb9: {  	[tilespmem:s2], [sflag:$0x5] =	stream.linear.gather [hbm4b:s18+s2], $0x7D0, $0x38;
	[tilespmem:$0x109A0] =	vst v63  }
0xba: {  	_ =	swait.ge [sflag:s3], $0x7D0  }
0xbb: {  	[sflag:s3] =	ssyncset.done $0x0  }
0xbc: {  	[sflag:s3] =	ssyncadd.s32 $0xFFFFF830  }
0xbd: {  	_ =	swait.ge [sflag:s12], $0x7D00  }
0xbe: {  	[sflag:s12] =	ssyncset.done $0x0  }
0xbf: {  	[sflag:s12] =	ssyncadd.s32 $0xFFFF8300  }
0xc0: {  	[tilespmem:s6], [sflag:$0x1] =	stream.indirect.gather [hbm4b:s4+s5], $0x10, s2, s5, $0xb8;
	[tilespmem:$0x109A0] =	vst v63  }
0xc1: {  	_ =	swait.ge [sflag:s13], $0x7D00  }
0xc2: {  	[sflag:s13] =	ssyncset.done $0x0  }
0xc3: {  	[sflag:s13] =	ssyncadd.s32 $0xFFFF8300  }
0xc4: {  	[hbm4b:s19+s2] =	stream.linear.scatter [tilespmem:s8], [sflag:$0x4], $0x7D00, $0x38;
	[tilespmem:$0x109A0] =	vst v63  }
0xc5: {  	_ = 	snop  }
0xc6: {  	[tilespmem:s5], [sflag:$0x5] =	stream.linear.gather [hbm4b:s20+s2], $0x7D0, $0x38;
	[tilespmem:$0x109A0] =	vst v63  }
0xc7: {  	_ =	swait.ge [sflag:s3], $0x7D0  }
0xc8: {  	[sflag:s3] =	ssyncset.done $0x0  }
0xc9: {  	[sflag:s3] =	ssyncadd.s32 $0xFFFFF830  }
0xca: {  	_ =	swait.ge [sflag:s16], $0x7D00  }
0xcb: {  	[sflag:s16] =	ssyncset.done $0x0  }
0xcc: {  	[sflag:s16] =	ssyncadd.s32 $0xFFFF8300  }
0xcd: {  	[tilespmem:s8], [sflag:$0x2] =	stream.indirect.gather [hbm4b:s4+s5], $0x10, s5, s5, $0xb8;
	[tilespmem:$0x109A0] =	vst v63  }
0xce: {  	_ =	swait.ge [sflag:s9], $0x7D00  }
0xcf: {  	[sflag:s9] =	ssyncset.done $0x0  }
0xd0: {  	[sflag:s9] =	ssyncadd.s32 $0xFFFF8300  }
0xd1: {  	[hbm4b:s21+s2] =	stream.linear.scatter [tilespmem:s6], [sflag:$0x3], $0x7D00, $0x38;
	[tilespmem:$0x109A0] =	vst v63  }
0xd2: {  	_ = 	snop  }
0xd3: {  	[tilespmem:s2], [sflag:$0x5] =	stream.linear.gather [hbm4b:s22+s2], $0x7D0, $0x38;
	[tilespmem:$0x109A0] =	vst v63  }
0xd4: {  	_ =	swait.ge [sflag:s3], $0x7D0  }
0xd5: {  	[sflag:s3] =	ssyncset.done $0x0  }
0xd6: {  	[sflag:s3] =	ssyncadd.s32 $0xFFFFF830  }
0xd7: {  	_ =	swait.ge [sflag:s12], $0x7D00  }
0xd8: {  	[sflag:s12] =	ssyncset.done $0x0  }
0xd9: {  	[sflag:s12] =	ssyncadd.s32 $0xFFFF8300  }
0xda: {  	[tilespmem:s6], [sflag:$0x1] =	stream.indirect.gather [hbm4b:s4+s5], $0x10, s2, s5, $0xb8;
	[tilespmem:$0x109A0] =	vst v63  }
0xdb: {  	_ =	swait.ge [sflag:s13], $0x7D00  }
0xdc: {  	[sflag:s13] =	ssyncset.done $0x0  }
0xdd: {  	[sflag:s13] =	ssyncadd.s32 $0xFFFF8300  }
0xde: {  	[hbm4b:s23+s2] =	stream.linear.scatter [tilespmem:s8], [sflag:$0x4], $0x7D00, $0x38;
	[tilespmem:$0x109A0] =	vst v63  }
0xdf: {  	_ = 	snop  }
0xe0: {  	[tilespmem:s5], [sflag:$0x5] =	stream.linear.gather [hbm4b:s24+s2], $0x7D0, $0x38;
	[tilespmem:$0x109A0] =	vst v63  }
0xe1: {  	_ =	swait.ge [sflag:s3], $0x7D0  }
0xe2: {  	[sflag:s3] =	ssyncset.done $0x0  }
0xe3: {  	[sflag:s3] =	ssyncadd.s32 $0xFFFFF830  }
0xe4: {  	_ =	swait.ge [sflag:s16], $0x7D00  }
0xe5: {  	[sflag:s16] =	ssyncset.done $0x0  }
0xe6: {  	[sflag:s16] =	ssyncadd.s32 $0xFFFF8300  }
0xe7: {  	[tilespmem:s8], [sflag:$0x2] =	stream.indirect.gather [hbm4b:s4+s5], $0x10, s5, s5, $0xb8;
	[tilespmem:$0x109A0] =	vst v63  }
0xe8: {  	_ =	swait.ge [sflag:s9], $0x7D00  }
0xe9: {  	[sflag:s9] =	ssyncset.done $0x0  }
0xea: {  	[sflag:s9] =	ssyncadd.s32 $0xFFFF8300  }
0xeb: {  	[hbm4b:s25+s2] =	stream.linear.scatter [tilespmem:s6], [sflag:$0x3], $0x7D00, $0x38;
	[tilespmem:$0x109A0] =	vst v63  }
0xec: {  	_ = 	snop  }
0xed: {  	[tilespmem:s2], [sflag:$0x5] =	stream.linear.gather [hbm4b:s26+s2], $0x7D0, $0x38;
	[tilespmem:$0x109A0] =	vst v63  }
0xee: {  	_ =	swait.ge [sflag:s3], $0x7D0  }
0xef: {  	[sflag:s3] =	ssyncset.done $0x0  }
0xf0: {  	[sflag:s3] =	ssyncadd.s32 $0xFFFFF830  }
0xf1: {  	_ =	swait.ge [sflag:s12], $0x7D00  }
0xf2: {  	[sflag:s12] =	ssyncset.done $0x0  }
0xf3: {  	[sflag:s12] =	ssyncadd.s32 $0xFFFF8300  }
0xf4: {  	[tilespmem:s6], [sflag:$0x1] =	stream.indirect.gather [hbm4b:s4+s5], $0x10, s2, s5, $0xb8;
	[tilespmem:$0x109A0] =	vst v63  }
0xf5: {  	_ =	swait.ge [sflag:s13], $0x7D00  }
0xf6: {  	[sflag:s13] =	ssyncset.done $0x0  }
0xf7: {  	[sflag:s13] =	ssyncadd.s32 $0xFFFF8300  }
0xf8: {  	[hbm4b:s28+s2] =	stream.linear.scatter [tilespmem:s8], [sflag:$0x4], $0x7D00, $0x38;
	[tilespmem:$0x109A0] =	vst v63  }
0xf9: {  	_ = 	snop  }
0xfa: {  	[tilespmem:s5], [sflag:$0x5] =	stream.linear.gather [hbm4b:s29+s2], $0x7D0, $0x38;
	[tilespmem:$0x109A0] =	vst v63  }
0xfb: {  	_ =	swait.ge [sflag:s3], $0x7D0  }
0xfc: {  	[sflag:s3] =	ssyncset.done $0x0  }
0xfd: {  	[sflag:s3] =	ssyncadd.s32 $0xFFFFF830  }
0xfe: {  	_ =	swait.ge [sflag:s16], $0x7D00  }
0xff: {  	[sflag:s16] =	ssyncset.done $0x0  }
0x100: {  	[sflag:s16] =	ssyncadd.s32 $0xFFFF8300  }
0x101: {  	[tilespmem:s8], [sflag:$0x2] =	stream.indirect.gather [hbm4b:s4+s5], $0x10, s5, s5, $0xb8;
	[tilespmem:$0x109A0] =	vst v63  }
0x102: {  	_ =	swait.ge [sflag:s9], $0x7D00  }
0x103: {  	[sflag:s9] =	ssyncset.done $0x0  }
0x104: {  	[sflag:s9] =	ssyncadd.s32 $0xFFFF8300  }
0x105: {  	[hbm4b:s30+s2] =	stream.linear.scatter [tilespmem:s6], [sflag:$0x3], $0x7D00, $0x38;
	[tilespmem:$0x109A0] =	vst v63  }
0x106: {  	_ =	swait.ge [sflag:s13], $0x7D00  }
0x107: {  	[sflag:s13] =	ssyncset.done $0x0  }
0x108: {  	p0 =	sne.s32 s1, $0x1;
	[sflag:s13] =	ssyncadd.s32 $0xFFFF8300  }
0x109: {  	[hbm4b:s31+s2] =	stream.linear.scatter [tilespmem:s8], [sflag:$0x4], $0x7D00, $0x38;
	[tilespmem:$0x109A0] =	vst v63  }
.Ltmp1:
0x10a: {  	_ =	swait.ge [sflag:s12], $0x7D00;
	(pc) =	sbr.rel @p0 .LBB2_1-.Ltmp1, $4  }
0x10b: {  	[sflag:s12] =	ssyncset.done $0x0  }
0x10c: {  	[sflag:s12] =	ssyncadd.s32 $0xFFFF8300  }
0x10d: {  	_ =	swait.ge [sflag:s16], $0x7D00  }
0x10e: {  	s1 =	sadd.s32 $0xFFFFFFFF, s1;
	[sflag:s16] =	ssyncset.done $0x0  }
.LBB2_2:
0x10f: {  	[sflag:s16] =	ssyncadd.s32 $0xFFFF8300  }
0x110: {  	_ =	sfence.sel $0x180000  }
0x111: {  	[bflag:$0x0] =	sbarrier.arrive $0xFFFF  }
0x112: {  	_ =	strace $0x90000047  }
0x113: {  	s0 =	stileid.u32;
	[bflag:$0x2] =	sbarrier.arrive $0xFFFF  }
0x114: {  	p0 =	sne.s32 s0, $0x0;
	s0 =	rddreg [dreg:$0x3]  }
0x115: {  	s0 =	sadd.s32 @!p0 $0x100000, s0  }
0x116: {  	[sflag:s0] =	ssyncadd.tile.s32 @!p0 $0x1;
	_ =	shalt  }
.Lfunc_end2:
_tile_overlayer_lowered:
.L_overlay_start_2:
0x117: {  	(tag) =	ssettag $0x2  }
0x118: {  	s0 =	rddreg [dreg:$0x0];
	s2 =	stileid.u32  }
0x119: {  	s1 =	rddreg [dreg:$0x1];
	p0 =	sne.s32 s2, $0x0  }
0x11a: {  	s3 =	rddreg [dreg:$0x2];
	[bflag:$0x3] =	sbarrier.arrive $0xFFFF;
	s2 =	simm.s32 @!p0 $0x1C05  }
0x11b: {  	[timem:s3], [sflag:s2] =	dma.local @!p0 [hbm:s0], s1  }
0x11c: {  	s0 =	simm.s32 @!p0 $0x5  }
0x11d: {  	_ =	swait.ge @!p0 [sflag:s0], s1  }
0x11e: {  	s1 =	ssub.s32 @!p0 $0x0, s1;
	[sflag:s0] =	ssyncset.done @!p0 $0x0  }
0x11f: {  	[sflag:s0] =	ssyncadd.s32 @!p0 s1  }
0x120: {  	[bflag:$0x3] =	sbarrier.arrive $0xFFFF  }
0x121: {  	_ =	shalt  }

</sc_bundles>
